<compile_context>
chip_gen: v7x
topology: tpu7x:2x2x1
jax: 0.10.2.dev20260603
libtpu: 0.0.44.dev20260713+nightly
codegen_flags: <defaults>
</compile_context>

<pallas_src>
import functools

import jax
import jax.numpy as jnp
from jax import lax
from jax.experimental import pallas as pl
from jax.experimental.pallas import tpu as pltpu
from jax.experimental.pallas import tpu_sc as plsc

N_NODES = 100000
N_EDGES = 6400000
N_SEG = 100000
EPS = 1e-15

NC = 2
NS = 16
NW = NC * NS
SEG_PER_W = 3200
N_SEG_PAD = NW * SEG_PER_W
BLK = 5120
UNROLL = 4
BSTEPS = 23


@functools.cache
def _sc_segsum(n_edges):
    mesh = plsc.VectorSubcoreMesh(
        core_axis_name="c", subcore_axis_name="s", num_cores=NC, num_subcores=NS
    )

    @functools.partial(
        pl.kernel,
        out_type=jax.ShapeDtypeStruct((N_SEG_PAD,), jnp.float32),
        mesh=mesh,
        scratch_types=[
            pltpu.VMEM((N_NODES,), jnp.float32),
            pltpu.VMEM((2, BLK), jnp.uint32),
            pltpu.VMEM((2, BLK + 16), jnp.uint32),
            pltpu.VMEM((SEG_PER_W,), jnp.float32),
            pltpu.VMEM((16,), jnp.uint32),
            pltpu.VMEM((16,), jnp.uint32),
            pltpu.SemaphoreType.DMA,
            pltpu.SemaphoreType.DMA,
            pltpu.SemaphoreType.DMA,
            pltpu.SemaphoreType.DMA,
        ],
        compiler_params=pltpu.CompilerParams(needs_layout_passes=False),
    )
    def segsum(x_hbm, p_hbm, c_hbm, out_hbm, x_v, p_v, c_v, acc_v, t_v, t2_v,
               sem0, sem1, xsem, bsem):
        cid = lax.axis_index("c")
        sid = lax.axis_index("s")
        wid = sid * NC + cid

        pltpu.async_copy(x_hbm, x_v, xsem)

        iota = lax.iota(jnp.int32, 16)
        seg_base = wid * SEG_PER_W

        def probe_at(mid):
            mid_c = jnp.minimum(mid, jnp.int32(n_edges - 1))
            m8 = jnp.minimum((mid_c // 8) * 8, jnp.int32(n_edges - 16))
            return mid_c, m8

        def upd(pred, done, l, h, mid):
            l2 = jnp.where(done | pred, l, mid + 1)
            h2 = jnp.where(done | (~pred), h, mid)
            return l2, h2

        def step2(i, st):
            la, ha, lb, hb = st
            da = la >= ha
            db = lb >= hb
            mida = (la + ha) // 2
            midb = (lb + hb) // 2
            mca, m8a = probe_at(mida)
            mcb, m8b = probe_at(midb)
            pltpu.async_copy(c_hbm.at[pl.ds(m8a, 16)], t_v, bsem)
            pltpu.async_copy(c_hbm.at[pl.ds(m8b, 16)], t2_v, bsem)
            pltpu.make_async_copy(c_hbm.at[pl.ds(0, 16)], t_v, bsem).wait()
            pltpu.make_async_copy(c_hbm.at[pl.ds(0, 16)], t2_v, bsem).wait()
            va = (
                plsc.bitcast(t_v[pl.ds(0, 16)], jnp.int32)
                .at[jnp.full((16,), mca - m8a, jnp.int32)]
                .get(mode="promise_in_bounds")
            )
            vb = (
                plsc.bitcast(t2_v[pl.ds(0, 16)], jnp.int32)
                .at[jnp.full((16,), mcb - m8b, jnp.int32)]
                .get(mode="promise_in_bounds")
            )
            la, ha = upd(va[0] >= seg_base, da, la, ha, mida)
            lb, hb = upd(vb[0] >= seg_base + SEG_PER_W, db, lb, hb, midb)
            return (la, ha, lb, hb)

        z = jnp.int32(0)
        ne = jnp.int32(n_edges)
        _, lo, _, hi = lax.fori_loop(
            jnp.int32(0), jnp.int32(BSTEPS), step2, (z, ne, z, ne)
        )
        b_lo = lo // BLK
        b_hi = (hi + BLK - 1) // BLK
        sems = (sem0, sem1)

        def start(b, s):
            si = jnp.int32(s)
            pltpu.async_copy(p_hbm.at[pl.ds(b * BLK, BLK)], p_v.at[si], sems[s])
            pltpu.async_copy(
                c_hbm.at[pl.ds(b * BLK, BLK)], c_v.at[si, pl.ds(0, BLK)], sems[s]
            )

        def wait(s):
            si = jnp.int32(s)
            pltpu.make_async_copy(p_hbm.at[pl.ds(0, BLK)], p_v.at[si], sems[s]).wait()
            pltpu.make_async_copy(
                c_hbm.at[pl.ds(0, BLK)], c_v.at[si, pl.ds(0, BLK)], sems[s]
            ).wait()

        @pl.when(b_lo < b_hi)
        def _():
            start(b_lo, 0)

        @pl.when(b_lo + 1 < b_hi)
        def _():
            start(b_lo + 1, 1)

        zeros16 = jnp.zeros((16,), jnp.float32)

        def zero_body(i, carry):
            acc_v[pl.ds(i * 16, 16)] = zeros16
            return carry

        lax.fori_loop(jnp.int32(0), jnp.int32(SEG_PER_W // 16), zero_body, jnp.int32(0))
        pltpu.make_async_copy(x_hbm, x_v, xsem).wait()

        is15 = iota == 15
        is0 = iota == 0
        idxp = jnp.maximum(iota - 1, 0)
        f0 = jnp.float32(0)

        def process_fast(s):
            si = jnp.int32(s)

            @plsc.parallel_loop(
                jnp.int32(0), jnp.int32(BLK // 16), jnp.int32(1), unroll=8
            )
            def grp(i):
                off = i * 16
                pidx = plsc.bitcast(p_v[si, pl.ds(off, 16)], jnp.int32)
                sraw = c_v[si, pl.ds(off, 16)]
                snxt = c_v[si, pl.ds(off + 1, 16)]
                e = plsc.load_gather(x_v, [pidx])
                m_end = (sraw != snxt) | is15
                c = plsc.cumsum(e)
                t = jnp.where(m_end, c, f0)
                bb = plsc.cummax(t)
                b = jnp.where(is0, f0, bb.at[idxp].get(mode="promise_in_bounds"))
                plsc.addupdate_scatter(
                    acc_v, [plsc.bitcast(sraw, jnp.int32) - seg_base],
                    c - b, mask=m_end
                )

        def process_masked(b, s):
            e0 = b * BLK
            si = jnp.int32(s)

            def grp_body(i, c2):
                base = i * (16 * UNROLL)
                for u in range(UNROLL):
                    off = base + u * 16
                    gi = e0 + off + iota
                    m = (gi >= lo) & (gi < hi)
                    pidx = plsc.bitcast(p_v[si, pl.ds(off, 16)], jnp.int32)
                    seg = plsc.bitcast(c_v[si, pl.ds(off, 16)], jnp.int32) - seg_base
                    e = plsc.load_gather(x_v, [pidx])
                    seg = jnp.clip(seg, 0, SEG_PER_W - 1)
                    plsc.addupdate_scatter(acc_v, [seg], e, mask=m)
                return c2

            lax.fori_loop(
                jnp.int32(0), jnp.int32(BLK // (16 * UNROLL)), grp_body, jnp.int32(0)
            )

        def process(b, s):
            full = (b * BLK >= lo) & ((b + 1) * BLK <= hi)

            @pl.when(full)
            def _():
                process_fast(s)

            @pl.when(~full)
            def _():
                process_masked(b, s)

        def pair_body(j, carry):
            b = b_lo + 2 * j
            wait(0)
            process(b, 0)

            @pl.when(b + 2 < b_hi)
            def _():
                start(b + 2, 0)

            @pl.when(b + 1 < b_hi)
            def _():
                wait(1)
                process(b + 1, 1)

                @pl.when(b + 3 < b_hi)
                def _():
                    start(b + 3, 1)

            return carry

        npair = (b_hi - b_lo + 1) // 2
        lax.fori_loop(jnp.int32(0), npair, pair_body, jnp.int32(0))
        pltpu.sync_copy(acc_v, out_hbm.at[pl.ds(seg_base, SEG_PER_W)])

    return segsum


NCHUNK = 1


def _log_body(*refs):
    srefs, o_ref = refs[:-1], refs[-1]
    acc = srefs[0][...]
    for r in srefs[1:]:
        acc = acc + r[...]
    o_ref[...] = jnp.log(acc + jnp.float32(EPS))


@jax.jit
def kernel(x, ptrs, csr):
    x = jnp.exp(x.astype(jnp.float32))
    h = N_EDGES // NCHUNK
    parts = []
    for k in range(NCHUNK):
        pk = lax.slice(ptrs, (k * h,), ((k + 1) * h,)).astype(jnp.uint32)
        ck = lax.slice(csr, (k * h,), ((k + 1) * h,)).astype(jnp.uint32)
        parts.append(_sc_segsum(h)(x, pk, ck).reshape(N_SEG_PAD // 128, 128))
    out2d = pl.pallas_call(
        _log_body,
        out_shape=jax.ShapeDtypeStruct((N_SEG_PAD // 128, 128), jnp.float32),
    )(*parts)
    return out2d.reshape(-1)[:N_SEG]

# --- scband reference (transcript-rebuilt; emitter-appended) ---
"""Pipeline reference for scband-sum-layer-6047313953253 (READ-ONLY COPY).

The authoritative reference and input builder live on the scoring server;
editing this copy changes nothing except your own understanding.
"""

import jax
jax.config.update('jax_enable_x64', True)
import jax.numpy as jnp
import numpy as np

N_NODES = 100000
N_EDGES = 6400000
N_SEG = 100000
EPSILON = 1e-15


def setup_inputs(seed: int = 0) -> dict:
    key = jax.random.key(seed)
    k1, k2, k3 = jax.random.split(key, 3)
    x = jax.random.normal(k1, (N_NODES,), dtype=jnp.float32)
    ptrs = jax.random.randint(k2, (N_EDGES,), 0, N_NODES, dtype=jnp.int64)
    csr = jnp.sort(jax.random.randint(k3, (N_EDGES,), 0, N_SEG, dtype=jnp.int64))
    # pin last segment id so output length csr[-1]+1 == N_SEG is static
    csr = csr.at[-1].set(N_SEG - 1)
    return {"x": x, "ptrs": ptrs, "csr": csr}


def reference(x, ptrs, csr):
    # x = x[self.ptrs]
    g = jnp.take(x, ptrs, axis=0)
    n_out = N_SEG  # == csr[-1] + 1 by construction
    # scatter_reduce_ amax with include_self=False: untouched slots keep initial zeros
    g_const = jax.lax.stop_gradient(g)  # torch computes max under no_grad
    max_out = jnp.full((n_out,), -jnp.inf, dtype=g.dtype).at[csr].max(g_const)
    counts = jnp.bincount(csr, length=n_out)
    max_out = jnp.where(counts > 0, max_out, jnp.zeros_like(max_out))
    max_out = jax.lax.stop_gradient(max_out)
    # exp(x - max) with nan_to_num(nan=0, posinf=inf, neginf=-inf)
    y = jnp.exp(g - jnp.take(max_out, csr, axis=0))
    y = jnp.nan_to_num(y, nan=0.0, posinf=jnp.inf, neginf=-jnp.inf)
    # output filled with EPSILON, then scatter_add
    out = jnp.full((n_out,), EPSILON, dtype=y.dtype).at[csr].add(y)
    return jnp.log(out) + max_out

if __name__ == "__main__":
    import jax
    _d = setup_inputs()
    print(jax.jit(kernel)(*tuple(_d.values())))

</pallas_src>

<mosaic_0001>
#map = affine_map<(d0, d1) -> (0)>
module attributes {stable_mosaic.version = 14 : i64} {
  func.func @segsum(%arg0: i32, %arg1: i32, %arg2: memref<100000xf32, #tpu.memory_space<hbm>>, %arg3: memref<6400000xi32, #tpu.memory_space<hbm>>, %arg4: memref<6400000xi32, #tpu.memory_space<hbm>>, %arg5: memref<102400xf32, #tpu.memory_space<hbm>>, %arg6: memref<100000xf32, #tpu.memory_space<vmem>>, %arg7: memref<2x5120xi32, #tpu.memory_space<vmem>>, %arg8: memref<2x5136xi32, #tpu.memory_space<vmem>>, %arg9: memref<3200xf32, #tpu.memory_space<vmem>>, %arg10: memref<16xi32, #tpu.memory_space<vmem>>, %arg11: memref<16xi32, #tpu.memory_space<vmem>>, %arg12: memref<!tpu.dma_semaphore, #tpu.memory_space<semaphore_mem>>, %arg13: memref<!tpu.dma_semaphore, #tpu.memory_space<semaphore_mem>>, %arg14: memref<!tpu.dma_semaphore, #tpu.memory_space<semaphore_mem>>, %arg15: memref<!tpu.dma_semaphore, #tpu.memory_space<semaphore_mem>>) attributes {dimension_semantics = [#tpu.dimension_semantics<core_parallel>, #tpu.dimension_semantics<subcore_parallel>], iteration_bounds = array<i64: 2, 16>, scalar_prefetch = 0 : i64, scratch_operands = 10 : i64, tpu.core_type = #tpu.core_type<sc_vector_subcore>, window_params = [{transform_indices = #map}, {transform_indices = #map}, {transform_indices = #map}, {transform_indices = #map}]} {
    %mul3A = arith.constant 2 : i32
    %mul3A_0 = arith.muli %arg1, %mul3A : i32
    %add3A = arith.addi %mul3A_0, %arg0 : i32
    tpu.enqueue_dma source(%arg2 : memref<100000xf32, #tpu.memory_space<hbm>>) target(%arg6 : memref<100000xf32, #tpu.memory_space<vmem>>) target_semaphore(%arg14 : memref<!tpu.dma_semaphore, #tpu.memory_space<semaphore_mem>>)
    %iota3A = tpu.iota {dimensions = array<i32: 0>} : vector<16xi32>
    %mul3A_1 = arith.constant 3200 : i32
    %mul3A_2 = arith.muli %add3A, %mul3A_1 : i32
    %while3A = arith.constant 0 : i32
    %while3A_3 = arith.constant 23 : i32
    %while3A_4 = arith.constant 0 : i32
    %while3A_5 = arith.constant 6400000 : i32
    %while3A_6 = arith.constant 0 : i32
    %while3A_7 = arith.constant 6400000 : i32
    %while3A_8 = arith.subi %while3A_3, %while3A : i32
    %while3A_9 = arith.addi %while3A, %while3A_8 : i32
    %while3A_10 = arith.constant 1 : i32
    %while3A_11 = arith.divsi %while3A_8, %while3A_10 : i32
    %while3A_12 = arith.muli %while3A_11, %while3A_10 : i32
    %while3A_13 = arith.addi %while3A, %while3A_12 : i32
    %while3A_14 = arith.constant 1 : i32
    %while3A_15:4 = scf.for %while3A_132 = %while3A to %while3A_13 step %while3A_14 iter_args(%while3A_133 = %while3A_4, %while3A_134 = %while3A_5, %while3A_135 = %while3A_6, %while3A_136 = %while3A_7) -> (i32, i32, i32, i32)  : i32 {
      %ge3A = arith.cmpi sge, %while3A_133, %while3A_134 : i32
      %ge3A_137 = arith.cmpi sge, %while3A_135, %while3A_136 : i32
      %add3A_138 = arith.addi %while3A_133, %while3A_134 : i32
      %jit3A_139 = arith.constant 2 : i64
      %convert_element_type3A_140 = arith.trunci %jit3A_139 : i64 to i32
      %div3A_141 = arith.divsi %add3A_138, %convert_element_type3A_140 : i32
      %sign3A_142 = arith.constant 0 : i32
      %sign3A_143 = arith.cmpi sgt, %add3A_138, %sign3A_142 : i32
      %sign3A_144 = arith.extui %sign3A_143 : i1 to i32
      %sign3A_145 = arith.constant 0 : i32
      %sign3A_146 = arith.cmpi slt, %add3A_138, %sign3A_145 : i32
      %sign3A_147 = arith.extui %sign3A_146 : i1 to i32
      %sign3A_148 = arith.subi %sign3A_144, %sign3A_147 : i32
      %sign3A_149 = arith.constant 0 : i32
      %sign3A_150 = arith.cmpi sgt, %convert_element_type3A_140, %sign3A_149 : i32
      %sign3A_151 = arith.extui %sign3A_150 : i1 to i32
      %sign3A_152 = arith.constant 0 : i32
      %sign3A_153 = arith.cmpi slt, %convert_element_type3A_140, %sign3A_152 : i32
      %sign3A_154 = arith.extui %sign3A_153 : i1 to i32
      %sign3A_155 = arith.subi %sign3A_151, %sign3A_154 : i32
      %ne3A_156 = arith.cmpi ne, %sign3A_148, %sign3A_155 : i32
      %rem3A_157 = arith.remsi %add3A_138, %convert_element_type3A_140 : i32
      %ne3A_158 = arith.constant 0 : i32
      %ne3A_159 = arith.cmpi ne, %rem3A_157, %ne3A_158 : i32
      %and3A_160 = arith.andi %ne3A_156, %ne3A_159 : i1
      %sub3A_161 = arith.constant 1 : i32
      %sub3A_162 = arith.subi %div3A_141, %sub3A_161 : i32
      %select_n3A_163 = arith.select %and3A_160, %sub3A_162, %div3A_141 : i32
      %add3A_164 = arith.addi %while3A_135, %while3A_136 : i32
      %jit3A_165 = arith.constant 2 : i64
      %convert_element_type3A_166 = arith.trunci %jit3A_165 : i64 to i32
      %div3A_167 = arith.divsi %add3A_164, %convert_element_type3A_166 : i32
      %sign3A_168 = arith.constant 0 : i32
      %sign3A_169 = arith.cmpi sgt, %add3A_164, %sign3A_168 : i32
      %sign3A_170 = arith.extui %sign3A_169 : i1 to i32
      %sign3A_171 = arith.constant 0 : i32
      %sign3A_172 = arith.cmpi slt, %add3A_164, %sign3A_171 : i32
      %sign3A_173 = arith.extui %sign3A_172 : i1 to i32
      %sign3A_174 = arith.subi %sign3A_170, %sign3A_173 : i32
      %sign3A_175 = arith.constant 0 : i32
      %sign3A_176 = arith.cmpi sgt, %convert_element_type3A_166, %sign3A_175 : i32
      %sign3A_177 = arith.extui %sign3A_176 : i1 to i32
      %sign3A_178 = arith.constant 0 : i32
      %sign3A_179 = arith.cmpi slt, %convert_element_type3A_166, %sign3A_178 : i32
      %sign3A_180 = arith.extui %sign3A_179 : i1 to i32
      %sign3A_181 = arith.subi %sign3A_177, %sign3A_180 : i32
      %ne3A_182 = arith.cmpi ne, %sign3A_174, %sign3A_181 : i32
      %rem3A_183 = arith.remsi %add3A_164, %convert_element_type3A_166 : i32
      %ne3A_184 = arith.constant 0 : i32
      %ne3A_185 = arith.cmpi ne, %rem3A_183, %ne3A_184 : i32
      %and3A_186 = arith.andi %ne3A_182, %ne3A_185 : i1
      %sub3A_187 = arith.constant 1 : i32
      %sub3A_188 = arith.subi %div3A_167, %sub3A_187 : i32
      %select_n3A_189 = arith.select %and3A_186, %sub3A_188, %div3A_167 : i32
      %min3A = arith.constant 6399999 : i32
      %min3A_190 = arith.minsi %select_n3A_163, %min3A : i32
      %jit3A_191 = arith.constant 8 : i64
      %convert_element_type3A_192 = arith.trunci %jit3A_191 : i64 to i32
      %div3A_193 = arith.divsi %min3A_190, %convert_element_type3A_192 : i32
      %sign3A_194 = arith.constant 0 : i32
      %sign3A_195 = arith.cmpi sgt, %min3A_190, %sign3A_194 : i32
      %sign3A_196 = arith.extui %sign3A_195 : i1 to i32
      %sign3A_197 = arith.constant 0 : i32
      %sign3A_198 = arith.cmpi slt, %min3A_190, %sign3A_197 : i32
      %sign3A_199 = arith.extui %sign3A_198 : i1 to i32
      %sign3A_200 = arith.subi %sign3A_196, %sign3A_199 : i32
      %sign3A_201 = arith.constant 0 : i32
      %sign3A_202 = arith.cmpi sgt, %convert_element_type3A_192, %sign3A_201 : i32
      %sign3A_203 = arith.extui %sign3A_202 : i1 to i32
      %sign3A_204 = arith.constant 0 : i32
      %sign3A_205 = arith.cmpi slt, %convert_element_type3A_192, %sign3A_204 : i32
      %sign3A_206 = arith.extui %sign3A_205 : i1 to i32
      %sign3A_207 = arith.subi %sign3A_203, %sign3A_206 : i32
      %ne3A_208 = arith.cmpi ne, %sign3A_200, %sign3A_207 : i32
      %rem3A_209 = arith.remsi %min3A_190, %convert_element_type3A_192 : i32
      %ne3A_210 = arith.constant 0 : i32
      %ne3A_211 = arith.cmpi ne, %rem3A_209, %ne3A_210 : i32
      %and3A_212 = arith.andi %ne3A_208, %ne3A_211 : i1
      %sub3A_213 = arith.constant 1 : i32
      %sub3A_214 = arith.subi %div3A_193, %sub3A_213 : i32
      %select_n3A_215 = arith.select %and3A_212, %sub3A_214, %div3A_193 : i32
      %mul3A_216 = arith.constant 8 : i32
      %mul3A_217 = arith.muli %select_n3A_215, %mul3A_216 : i32
      %min3A_218 = arith.constant 6399984 : i32
      %min3A_219 = arith.minsi %mul3A_217, %min3A_218 : i32
      %min3A_220 = arith.constant 6399999 : i32
      %min3A_221 = arith.minsi %select_n3A_189, %min3A_220 : i32
      %jit3A_222 = arith.constant 8 : i64
      %convert_element_type3A_223 = arith.trunci %jit3A_222 : i64 to i32
      %div3A_224 = arith.divsi %min3A_221, %convert_element_type3A_223 : i32
      %sign3A_225 = arith.constant 0 : i32
      %sign3A_226 = arith.cmpi sgt, %min3A_221, %sign3A_225 : i32
      %sign3A_227 = arith.extui %sign3A_226 : i1 to i32
      %sign3A_228 = arith.constant 0 : i32
      %sign3A_229 = arith.cmpi slt, %min3A_221, %sign3A_228 : i32
      %sign3A_230 = arith.extui %sign3A_229 : i1 to i32
      %sign3A_231 = arith.subi %sign3A_227, %sign3A_230 : i32
      %sign3A_232 = arith.constant 0 : i32
      %sign3A_233 = arith.cmpi sgt, %convert_element_type3A_223, %sign3A_232 : i32
      %sign3A_234 = arith.extui %sign3A_233 : i1 to i32
      %sign3A_235 = arith.constant 0 : i32
      %sign3A_236 = arith.cmpi slt, %convert_element_type3A_223, %sign3A_235 : i32
      %sign3A_237 = arith.extui %sign3A_236 : i1 to i32
      %sign3A_238 = arith.subi %sign3A_234, %sign3A_237 : i32
      %ne3A_239 = arith.cmpi ne, %sign3A_231, %sign3A_238 : i32
      %rem3A_240 = arith.remsi %min3A_221, %convert_element_type3A_223 : i32
      %ne3A_241 = arith.constant 0 : i32
      %ne3A_242 = arith.cmpi ne, %rem3A_240, %ne3A_241 : i32
      %and3A_243 = arith.andi %ne3A_239, %ne3A_242 : i1
      %sub3A_244 = arith.constant 1 : i32
      %sub3A_245 = arith.subi %div3A_224, %sub3A_244 : i32
      %select_n3A_246 = arith.select %and3A_243, %sub3A_245, %div3A_224 : i32
      %mul3A_247 = arith.constant 8 : i32
      %mul3A_248 = arith.muli %select_n3A_246, %mul3A_247 : i32
      %min3A_249 = arith.constant 6399984 : i32
      %min3A_250 = arith.minsi %mul3A_248, %min3A_249 : i32
      %dma_start3A = tpu.memref_slice %arg4[%min3A_219] : memref<6400000xi32, #tpu.memory_space<hbm>> -> memref<16xi32, #tpu.memory_space<hbm>>
      %dma_start3A_251 = tpu.memref_slice %arg4[%min3A_219] : memref<6400000xi32, #tpu.memory_space<hbm>> -> memref<16xi32, #tpu.memory_space<hbm>>
      tpu.enqueue_dma source(%dma_start3A_251 : memref<16xi32, #tpu.memory_space<hbm>>) target(%arg10 : memref<16xi32, #tpu.memory_space<vmem>>) target_semaphore(%arg15 : memref<!tpu.dma_semaphore, #tpu.memory_space<semaphore_mem>>)
      %dma_start3A_252 = tpu.memref_slice %arg4[%min3A_250] : memref<6400000xi32, #tpu.memory_space<hbm>> -> memref<16xi32, #tpu.memory_space<hbm>>
      %dma_start3A_253 = tpu.memref_slice %arg4[%min3A_250] : memref<6400000xi32, #tpu.memory_space<hbm>> -> memref<16xi32, #tpu.memory_space<hbm>>
      tpu.enqueue_dma source(%dma_start3A_253 : memref<16xi32, #tpu.memory_space<hbm>>) target(%arg11 : memref<16xi32, #tpu.memory_space<vmem>>) target_semaphore(%arg15 : memref<!tpu.dma_semaphore, #tpu.memory_space<semaphore_mem>>)
      %dma_wait3A = arith.constant 0 : i32
      %dma_wait3A_254 = tpu.memref_slice %arg4[%dma_wait3A] : memref<6400000xi32, #tpu.memory_space<hbm>> -> memref<16xi32, #tpu.memory_space<hbm>>
      %dma_wait3A_255 = arith.constant 0 : i32
      %dma_wait3A_256 = tpu.memref_slice %arg4[%dma_wait3A_255] : memref<6400000xi32, #tpu.memory_space<hbm>> -> memref<16xi32, #tpu.memory_space<hbm>>
      tpu.wait_dma2 semaphore(%arg15 : memref<!tpu.dma_semaphore, #tpu.memory_space<semaphore_mem>>) src(%dma_wait3A_256 : memref<16xi32, #tpu.memory_space<hbm>>) dst(%arg10 : memref<16xi32, #tpu.memory_space<vmem>>)
      %dma_wait3A_257 = arith.constant 0 : i32
      %dma_wait3A_258 = tpu.memref_slice %arg4[%dma_wait3A_257] : memref<6400000xi32, #tpu.memory_space<hbm>> -> memref<16xi32, #tpu.memory_space<hbm>>
      %dma_wait3A_259 = arith.constant 0 : i32
      %dma_wait3A_260 = tpu.memref_slice %arg4[%dma_wait3A_259] : memref<6400000xi32, #tpu.memory_space<hbm>> -> memref<16xi32, #tpu.memory_space<hbm>>
      tpu.wait_dma2 semaphore(%arg15 : memref<!tpu.dma_semaphore, #tpu.memory_space<semaphore_mem>>) src(%dma_wait3A_260 : memref<16xi32, #tpu.memory_space<hbm>>) dst(%arg11 : memref<16xi32, #tpu.memory_space<vmem>>)
      %get3A = arith.constant 0 : index
      %get3A_261 = tpu.vector_load %arg10[%get3A] {strides = array<i32>} : memref<16xi32, #tpu.memory_space<vmem>>, vector<16xi32>,
      %bitcast3A = vector.bitcast %get3A_261 : vector<16xi32> to vector<16xi32>
      %sub3A_262 = arith.subi %min3A_190, %min3A_219 : i32
      %broadcast_in_dim3A_263 = vector.broadcast %sub3A_262 : i32 to vector<16xi32>
      %lt3A_264 = arith.constant 0 : i32
      %lt3A_265 = vector.broadcast %lt3A_264 : i32 to vector<16xi32>
      %lt3A_266 = arith.cmpi slt, %broadcast_in_dim3A_263, %lt3A_265 : vector<16xi32>
      %add3A_267 = arith.constant 16 : i32
      %add3A_268 = vector.broadcast %add3A_267 : i32 to vector<16xi32>
      %add3A_269 = arith.addi %broadcast_in_dim3A_263, %add3A_268 : vector<16xi32>
      %select_n3A_270 = arith.select %lt3A_266, %add3A_269, %broadcast_in_dim3A_263 : vector<16xi1>, vector<16xi32>
      %broadcast_in_dim3A_271 = vector.shape_cast %select_n3A_270 : vector<16xi32> to vector<16x1xi32>
      %gather3A = vector.shape_cast %broadcast_in_dim3A_271 : vector<16x1xi32> to vector<16xi32>
      %gather3A_272 = tpu.dynamic_gather %bitcast3A[%gather3A] in [0] : vector<16xi32>, vector<16xi32> -> vector<16xi32>
      %get3A_273 = arith.constant 0 : index
      %get3A_274 = tpu.vector_load %arg11[%get3A_273] {strides = array<i32>} : memref<16xi32, #tpu.memory_space<vmem>>, vector<16xi32>,
      %bitcast3A_275 = vector.bitcast %get3A_274 : vector<16xi32> to vector<16xi32>
      %sub3A_276 = arith.subi %min3A_221, %min3A_250 : i32
      %broadcast_in_dim3A_277 = vector.broadcast %sub3A_276 : i32 to vector<16xi32>
      %lt3A_278 = arith.constant 0 : i32
      %lt3A_279 = vector.broadcast %lt3A_278 : i32 to vector<16xi32>
      %lt3A_280 = arith.cmpi slt, %broadcast_in_dim3A_277, %lt3A_279 : vector<16xi32>
      %add3A_281 = arith.constant 16 : i32
      %add3A_282 = vector.broadcast %add3A_281 : i32 to vector<16xi32>
      %add3A_283 = arith.addi %broadcast_in_dim3A_277, %add3A_282 : vector<16xi32>
      %select_n3A_284 = arith.select %lt3A_280, %add3A_283, %broadcast_in_dim3A_277 : vector<16xi1>, vector<16xi32>
      %broadcast_in_dim3A_285 = vector.shape_cast %select_n3A_284 : vector<16xi32> to vector<16x1xi32>
      %gather3A_286 = vector.shape_cast %broadcast_in_dim3A_285 : vector<16x1xi32> to vector<16xi32>
      %gather3A_287 = tpu.dynamic_gather %bitcast3A_275[%gather3A_286] in [0] : vector<16xi32>, vector<16xi32> -> vector<16xi32>
      %slice3A = vector.extract_strided_slice %gather3A_272 {offsets = [0], sizes = [1], strides = [1]} : vector<16xi32> to vector<1xi32>
      %squeeze3A = vector.extract %slice3A[0] : i32 from vector<1xi32>
      %ge3A_288 = arith.cmpi sge, %squeeze3A, %mul3A_2 : i32
      %or3A = arith.ori %ge3A, %ge3A_288 : i1
      %add3A_289 = arith.constant 1 : i32
      %add3A_290 = arith.addi %select_n3A_163, %add3A_289 : i32
      %select_n3A_291 = arith.select %or3A, %while3A_133, %add3A_290 : i32
      %not3A = arith.constant true
      %not3A_292 = arith.xori %ge3A_288, %not3A : i1
      %or3A_293 = arith.ori %ge3A, %not3A_292 : i1
      %select_n3A_294 = arith.select %or3A_293, %while3A_134, %select_n3A_163 : i32
      %slice3A_295 = vector.extract_strided_slice %gather3A_287 {offsets = [0], sizes = [1], strides = [1]} : vector<16xi32> to vector<1xi32>
      %squeeze3A_296 = vector.extract %slice3A_295[0] : i32 from vector<1xi32>
      %add3A_297 = arith.constant 3200 : i32
      %add3A_298 = arith.addi %mul3A_2, %add3A_297 : i32
      %ge3A_299 = arith.cmpi sge, %squeeze3A_296, %add3A_298 : i32
      %or3A_300 = arith.ori %ge3A_137, %ge3A_299 : i1
      %add3A_301 = arith.constant 1 : i32
      %add3A_302 = arith.addi %select_n3A_189, %add3A_301 : i32
      %select_n3A_303 = arith.select %or3A_300, %while3A_135, %add3A_302 : i32
      %not3A_304 = arith.constant true
      %not3A_305 = arith.xori %ge3A_299, %not3A_304 : i1
      %or3A_306 = arith.ori %ge3A_137, %not3A_305 : i1
      %select_n3A_307 = arith.select %or3A_306, %while3A_136, %select_n3A_189 : i32
      scf.yield %select_n3A_291, %select_n3A_294, %select_n3A_303, %select_n3A_307 : i32, i32, i32, i32
    }
    %while3A_16 = arith.constant 1 : i32
    %while3A_17:4 = scf.for %while3A_132 = %while3A_13 to %while3A_9 step %while3A_16 iter_args(%while3A_133 = %while3A_15#0, %while3A_134 = %while3A_15#1, %while3A_135 = %while3A_15#2, %while3A_136 = %while3A_15#3) -> (i32, i32, i32, i32)  : i32 {
      %ge3A = arith.cmpi sge, %while3A_133, %while3A_134 : i32
      %ge3A_137 = arith.cmpi sge, %while3A_135, %while3A_136 : i32
      %add3A_138 = arith.addi %while3A_133, %while3A_134 : i32
      %jit3A_139 = arith.constant 2 : i64
      %convert_element_type3A_140 = arith.trunci %jit3A_139 : i64 to i32
      %div3A_141 = arith.divsi %add3A_138, %convert_element_type3A_140 : i32
      %sign3A_142 = arith.constant 0 : i32
      %sign3A_143 = arith.cmpi sgt, %add3A_138, %sign3A_142 : i32
      %sign3A_144 = arith.extui %sign3A_143 : i1 to i32
      %sign3A_145 = arith.constant 0 : i32
      %sign3A_146 = arith.cmpi slt, %add3A_138, %sign3A_145 : i32
      %sign3A_147 = arith.extui %sign3A_146 : i1 to i32
      %sign3A_148 = arith.subi %sign3A_144, %sign3A_147 : i32
      %sign3A_149 = arith.constant 0 : i32
      %sign3A_150 = arith.cmpi sgt, %convert_element_type3A_140, %sign3A_149 : i32
      %sign3A_151 = arith.extui %sign3A_150 : i1 to i32
      %sign3A_152 = arith.constant 0 : i32
      %sign3A_153 = arith.cmpi slt, %convert_element_type3A_140, %sign3A_152 : i32
      %sign3A_154 = arith.extui %sign3A_153 : i1 to i32
      %sign3A_155 = arith.subi %sign3A_151, %sign3A_154 : i32
      %ne3A_156 = arith.cmpi ne, %sign3A_148, %sign3A_155 : i32
      %rem3A_157 = arith.remsi %add3A_138, %convert_element_type3A_140 : i32
      %ne3A_158 = arith.constant 0 : i32
      %ne3A_159 = arith.cmpi ne, %rem3A_157, %ne3A_158 : i32
      %and3A_160 = arith.andi %ne3A_156, %ne3A_159 : i1
      %sub3A_161 = arith.constant 1 : i32
      %sub3A_162 = arith.subi %div3A_141, %sub3A_161 : i32
      %select_n3A_163 = arith.select %and3A_160, %sub3A_162, %div3A_141 : i32
      %add3A_164 = arith.addi %while3A_135, %while3A_136 : i32
      %jit3A_165 = arith.constant 2 : i64
      %convert_element_type3A_166 = arith.trunci %jit3A_165 : i64 to i32
      %div3A_167 = arith.divsi %add3A_164, %convert_element_type3A_166 : i32
      %sign3A_168 = arith.constant 0 : i32
      %sign3A_169 = arith.cmpi sgt, %add3A_164, %sign3A_168 : i32
      %sign3A_170 = arith.extui %sign3A_169 : i1 to i32
      %sign3A_171 = arith.constant 0 : i32
      %sign3A_172 = arith.cmpi slt, %add3A_164, %sign3A_171 : i32
      %sign3A_173 = arith.extui %sign3A_172 : i1 to i32
      %sign3A_174 = arith.subi %sign3A_170, %sign3A_173 : i32
      %sign3A_175 = arith.constant 0 : i32
      %sign3A_176 = arith.cmpi sgt, %convert_element_type3A_166, %sign3A_175 : i32
      %sign3A_177 = arith.extui %sign3A_176 : i1 to i32
      %sign3A_178 = arith.constant 0 : i32
      %sign3A_179 = arith.cmpi slt, %convert_element_type3A_166, %sign3A_178 : i32
      %sign3A_180 = arith.extui %sign3A_179 : i1 to i32
      %sign3A_181 = arith.subi %sign3A_177, %sign3A_180 : i32
      %ne3A_182 = arith.cmpi ne, %sign3A_174, %sign3A_181 : i32
      %rem3A_183 = arith.remsi %add3A_164, %convert_element_type3A_166 : i32
      %ne3A_184 = arith.constant 0 : i32
      %ne3A_185 = arith.cmpi ne, %rem3A_183, %ne3A_184 : i32
      %and3A_186 = arith.andi %ne3A_182, %ne3A_185 : i1
      %sub3A_187 = arith.constant 1 : i32
      %sub3A_188 = arith.subi %div3A_167, %sub3A_187 : i32
      %select_n3A_189 = arith.select %and3A_186, %sub3A_188, %div3A_167 : i32
      %min3A = arith.constant 6399999 : i32
      %min3A_190 = arith.minsi %select_n3A_163, %min3A : i32
      %jit3A_191 = arith.constant 8 : i64
      %convert_element_type3A_192 = arith.trunci %jit3A_191 : i64 to i32
      %div3A_193 = arith.divsi %min3A_190, %convert_element_type3A_192 : i32
      %sign3A_194 = arith.constant 0 : i32
      %sign3A_195 = arith.cmpi sgt, %min3A_190, %sign3A_194 : i32
      %sign3A_196 = arith.extui %sign3A_195 : i1 to i32
      %sign3A_197 = arith.constant 0 : i32
      %sign3A_198 = arith.cmpi slt, %min3A_190, %sign3A_197 : i32
      %sign3A_199 = arith.extui %sign3A_198 : i1 to i32
      %sign3A_200 = arith.subi %sign3A_196, %sign3A_199 : i32
      %sign3A_201 = arith.constant 0 : i32
      %sign3A_202 = arith.cmpi sgt, %convert_element_type3A_192, %sign3A_201 : i32
      %sign3A_203 = arith.extui %sign3A_202 : i1 to i32
      %sign3A_204 = arith.constant 0 : i32
      %sign3A_205 = arith.cmpi slt, %convert_element_type3A_192, %sign3A_204 : i32
      %sign3A_206 = arith.extui %sign3A_205 : i1 to i32
      %sign3A_207 = arith.subi %sign3A_203, %sign3A_206 : i32
      %ne3A_208 = arith.cmpi ne, %sign3A_200, %sign3A_207 : i32
      %rem3A_209 = arith.remsi %min3A_190, %convert_element_type3A_192 : i32
      %ne3A_210 = arith.constant 0 : i32
      %ne3A_211 = arith.cmpi ne, %rem3A_209, %ne3A_210 : i32
      %and3A_212 = arith.andi %ne3A_208, %ne3A_211 : i1
      %sub3A_213 = arith.constant 1 : i32
      %sub3A_214 = arith.subi %div3A_193, %sub3A_213 : i32
      %select_n3A_215 = arith.select %and3A_212, %sub3A_214, %div3A_193 : i32
      %mul3A_216 = arith.constant 8 : i32
      %mul3A_217 = arith.muli %select_n3A_215, %mul3A_216 : i32
      %min3A_218 = arith.constant 6399984 : i32
      %min3A_219 = arith.minsi %mul3A_217, %min3A_218 : i32
      %min3A_220 = arith.constant 6399999 : i32
      %min3A_221 = arith.minsi %select_n3A_189, %min3A_220 : i32
      %jit3A_222 = arith.constant 8 : i64
      %convert_element_type3A_223 = arith.trunci %jit3A_222 : i64 to i32
      %div3A_224 = arith.divsi %min3A_221, %convert_element_type3A_223 : i32
      %sign3A_225 = arith.constant 0 : i32
      %sign3A_226 = arith.cmpi sgt, %min3A_221, %sign3A_225 : i32
      %sign3A_227 = arith.extui %sign3A_226 : i1 to i32
      %sign3A_228 = arith.constant 0 : i32
      %sign3A_229 = arith.cmpi slt, %min3A_221, %sign3A_228 : i32
      %sign3A_230 = arith.extui %sign3A_229 : i1 to i32
      %sign3A_231 = arith.subi %sign3A_227, %sign3A_230 : i32
      %sign3A_232 = arith.constant 0 : i32
      %sign3A_233 = arith.cmpi sgt, %convert_element_type3A_223, %sign3A_232 : i32
      %sign3A_234 = arith.extui %sign3A_233 : i1 to i32
      %sign3A_235 = arith.constant 0 : i32
      %sign3A_236 = arith.cmpi slt, %convert_element_type3A_223, %sign3A_235 : i32
      %sign3A_237 = arith.extui %sign3A_236 : i1 to i32
      %sign3A_238 = arith.subi %sign3A_234, %sign3A_237 : i32
      %ne3A_239 = arith.cmpi ne, %sign3A_231, %sign3A_238 : i32
      %rem3A_240 = arith.remsi %min3A_221, %convert_element_type3A_223 : i32
      %ne3A_241 = arith.constant 0 : i32
      %ne3A_242 = arith.cmpi ne, %rem3A_240, %ne3A_241 : i32
      %and3A_243 = arith.andi %ne3A_239, %ne3A_242 : i1
      %sub3A_244 = arith.constant 1 : i32
      %sub3A_245 = arith.subi %div3A_224, %sub3A_244 : i32
      %select_n3A_246 = arith.select %and3A_243, %sub3A_245, %div3A_224 : i32
      %mul3A_247 = arith.constant 8 : i32
      %mul3A_248 = arith.muli %select_n3A_246, %mul3A_247 : i32
      %min3A_249 = arith.constant 6399984 : i32
      %min3A_250 = arith.minsi %mul3A_248, %min3A_249 : i32
      %dma_start3A = tpu.memref_slice %arg4[%min3A_219] : memref<6400000xi32, #tpu.memory_space<hbm>> -> memref<16xi32, #tpu.memory_space<hbm>>
      %dma_start3A_251 = tpu.memref_slice %arg4[%min3A_219] : memref<6400000xi32, #tpu.memory_space<hbm>> -> memref<16xi32, #tpu.memory_space<hbm>>
      tpu.enqueue_dma source(%dma_start3A_251 : memref<16xi32, #tpu.memory_space<hbm>>) target(%arg10 : memref<16xi32, #tpu.memory_space<vmem>>) target_semaphore(%arg15 : memref<!tpu.dma_semaphore, #tpu.memory_space<semaphore_mem>>)
      %dma_start3A_252 = tpu.memref_slice %arg4[%min3A_250] : memref<6400000xi32, #tpu.memory_space<hbm>> -> memref<16xi32, #tpu.memory_space<hbm>>
      %dma_start3A_253 = tpu.memref_slice %arg4[%min3A_250] : memref<6400000xi32, #tpu.memory_space<hbm>> -> memref<16xi32, #tpu.memory_space<hbm>>
      tpu.enqueue_dma source(%dma_start3A_253 : memref<16xi32, #tpu.memory_space<hbm>>) target(%arg11 : memref<16xi32, #tpu.memory_space<vmem>>) target_semaphore(%arg15 : memref<!tpu.dma_semaphore, #tpu.memory_space<semaphore_mem>>)
      %dma_wait3A = arith.constant 0 : i32
      %dma_wait3A_254 = tpu.memref_slice %arg4[%dma_wait3A] : memref<6400000xi32, #tpu.memory_space<hbm>> -> memref<16xi32, #tpu.memory_space<hbm>>
      %dma_wait3A_255 = arith.constant 0 : i32
      %dma_wait3A_256 = tpu.memref_slice %arg4[%dma_wait3A_255] : memref<6400000xi32, #tpu.memory_space<hbm>> -> memref<16xi32, #tpu.memory_space<hbm>>
      tpu.wait_dma2 semaphore(%arg15 : memref<!tpu.dma_semaphore, #tpu.memory_space<semaphore_mem>>) src(%dma_wait3A_256 : memref<16xi32, #tpu.memory_space<hbm>>) dst(%arg10 : memref<16xi32, #tpu.memory_space<vmem>>)
      %dma_wait3A_257 = arith.constant 0 : i32
      %dma_wait3A_258 = tpu.memref_slice %arg4[%dma_wait3A_257] : memref<6400000xi32, #tpu.memory_space<hbm>> -> memref<16xi32, #tpu.memory_space<hbm>>
      %dma_wait3A_259 = arith.constant 0 : i32
      %dma_wait3A_260 = tpu.memref_slice %arg4[%dma_wait3A_259] : memref<6400000xi32, #tpu.memory_space<hbm>> -> memref<16xi32, #tpu.memory_space<hbm>>
      tpu.wait_dma2 semaphore(%arg15 : memref<!tpu.dma_semaphore, #tpu.memory_space<semaphore_mem>>) src(%dma_wait3A_260 : memref<16xi32, #tpu.memory_space<hbm>>) dst(%arg11 : memref<16xi32, #tpu.memory_space<vmem>>)
      %get3A = arith.constant 0 : index
      %get3A_261 = tpu.vector_load %arg10[%get3A] {strides = array<i32>} : memref<16xi32, #tpu.memory_space<vmem>>, vector<16xi32>,
      %bitcast3A = vector.bitcast %get3A_261 : vector<16xi32> to vector<16xi32>
      %sub3A_262 = arith.subi %min3A_190, %min3A_219 : i32
      %broadcast_in_dim3A_263 = vector.broadcast %sub3A_262 : i32 to vector<16xi32>
      %lt3A_264 = arith.constant 0 : i32
      %lt3A_265 = vector.broadcast %lt3A_264 : i32 to vector<16xi32>
      %lt3A_266 = arith.cmpi slt, %broadcast_in_dim3A_263, %lt3A_265 : vector<16xi32>
      %add3A_267 = arith.constant 16 : i32
      %add3A_268 = vector.broadcast %add3A_267 : i32 to vector<16xi32>
      %add3A_269 = arith.addi %broadcast_in_dim3A_263, %add3A_268 : vector<16xi32>
      %select_n3A_270 = arith.select %lt3A_266, %add3A_269, %broadcast_in_dim3A_263 : vector<16xi1>, vector<16xi32>
      %broadcast_in_dim3A_271 = vector.shape_cast %select_n3A_270 : vector<16xi32> to vector<16x1xi32>
      %gather3A = vector.shape_cast %broadcast_in_dim3A_271 : vector<16x1xi32> to vector<16xi32>
      %gather3A_272 = tpu.dynamic_gather %bitcast3A[%gather3A] in [0] : vector<16xi32>, vector<16xi32> -> vector<16xi32>
      %get3A_273 = arith.constant 0 : index
      %get3A_274 = tpu.vector_load %arg11[%get3A_273] {strides = array<i32>} : memref<16xi32, #tpu.memory_space<vmem>>, vector<16xi32>,
      %bitcast3A_275 = vector.bitcast %get3A_274 : vector<16xi32> to vector<16xi32>
      %sub3A_276 = arith.subi %min3A_221, %min3A_250 : i32
      %broadcast_in_dim3A_277 = vector.broadcast %sub3A_276 : i32 to vector<16xi32>
      %lt3A_278 = arith.constant 0 : i32
      %lt3A_279 = vector.broadcast %lt3A_278 : i32 to vector<16xi32>
      %lt3A_280 = arith.cmpi slt, %broadcast_in_dim3A_277, %lt3A_279 : vector<16xi32>
      %add3A_281 = arith.constant 16 : i32
      %add3A_282 = vector.broadcast %add3A_281 : i32 to vector<16xi32>
      %add3A_283 = arith.addi %broadcast_in_dim3A_277, %add3A_282 : vector<16xi32>
      %select_n3A_284 = arith.select %lt3A_280, %add3A_283, %broadcast_in_dim3A_277 : vector<16xi1>, vector<16xi32>
      %broadcast_in_dim3A_285 = vector.shape_cast %select_n3A_284 : vector<16xi32> to vector<16x1xi32>
      %gather3A_286 = vector.shape_cast %broadcast_in_dim3A_285 : vector<16x1xi32> to vector<16xi32>
      %gather3A_287 = tpu.dynamic_gather %bitcast3A_275[%gather3A_286] in [0] : vector<16xi32>, vector<16xi32> -> vector<16xi32>
      %slice3A = vector.extract_strided_slice %gather3A_272 {offsets = [0], sizes = [1], strides = [1]} : vector<16xi32> to vector<1xi32>
      %squeeze3A = vector.extract %slice3A[0] : i32 from vector<1xi32>
      %ge3A_288 = arith.cmpi sge, %squeeze3A, %mul3A_2 : i32
      %or3A = arith.ori %ge3A, %ge3A_288 : i1
      %add3A_289 = arith.constant 1 : i32
      %add3A_290 = arith.addi %select_n3A_163, %add3A_289 : i32
      %select_n3A_291 = arith.select %or3A, %while3A_133, %add3A_290 : i32
      %not3A = arith.constant true
      %not3A_292 = arith.xori %ge3A_288, %not3A : i1
      %or3A_293 = arith.ori %ge3A, %not3A_292 : i1
      %select_n3A_294 = arith.select %or3A_293, %while3A_134, %select_n3A_163 : i32
      %slice3A_295 = vector.extract_strided_slice %gather3A_287 {offsets = [0], sizes = [1], strides = [1]} : vector<16xi32> to vector<1xi32>
      %squeeze3A_296 = vector.extract %slice3A_295[0] : i32 from vector<1xi32>
      %add3A_297 = arith.constant 3200 : i32
      %add3A_298 = arith.addi %mul3A_2, %add3A_297 : i32
      %ge3A_299 = arith.cmpi sge, %squeeze3A_296, %add3A_298 : i32
      %or3A_300 = arith.ori %ge3A_137, %ge3A_299 : i1
      %add3A_301 = arith.constant 1 : i32
      %add3A_302 = arith.addi %select_n3A_189, %add3A_301 : i32
      %select_n3A_303 = arith.select %or3A_300, %while3A_135, %add3A_302 : i32
      %not3A_304 = arith.constant true
      %not3A_305 = arith.xori %ge3A_299, %not3A_304 : i1
      %or3A_306 = arith.ori %ge3A_137, %not3A_305 : i1
      %select_n3A_307 = arith.select %or3A_306, %while3A_136, %select_n3A_189 : i32
      scf.yield %select_n3A_291, %select_n3A_294, %select_n3A_303, %select_n3A_307 : i32, i32, i32, i32
    }
    %jit3A = arith.constant 5120 : i64
    %convert_element_type3A = arith.trunci %jit3A : i64 to i32
    %div3A = arith.divsi %while3A_17#1, %convert_element_type3A : i32
    %sign3A = arith.constant 0 : i32
    %sign3A_18 = arith.cmpi sgt, %while3A_17#1, %sign3A : i32
    %sign3A_19 = arith.extui %sign3A_18 : i1 to i32
    %sign3A_20 = arith.constant 0 : i32
    %sign3A_21 = arith.cmpi slt, %while3A_17#1, %sign3A_20 : i32
    %sign3A_22 = arith.extui %sign3A_21 : i1 to i32
    %sign3A_23 = arith.subi %sign3A_19, %sign3A_22 : i32
    %sign3A_24 = arith.constant 0 : i32
    %sign3A_25 = arith.cmpi sgt, %convert_element_type3A, %sign3A_24 : i32
    %sign3A_26 = arith.extui %sign3A_25 : i1 to i32
    %sign3A_27 = arith.constant 0 : i32
    %sign3A_28 = arith.cmpi slt, %convert_element_type3A, %sign3A_27 : i32
    %sign3A_29 = arith.extui %sign3A_28 : i1 to i32
    %sign3A_30 = arith.subi %sign3A_26, %sign3A_29 : i32
    %ne3A = arith.cmpi ne, %sign3A_23, %sign3A_30 : i32
    %rem3A = arith.remsi %while3A_17#1, %convert_element_type3A : i32
    %ne3A_31 = arith.constant 0 : i32
    %ne3A_32 = arith.cmpi ne, %rem3A, %ne3A_31 : i32
    %and3A = arith.andi %ne3A, %ne3A_32 : i1
    %sub3A = arith.constant 1 : i32
    %sub3A_33 = arith.subi %div3A, %sub3A : i32
    %select_n3A = arith.select %and3A, %sub3A_33, %div3A : i32
    %add3A_34 = arith.constant 5120 : i32
    %add3A_35 = arith.addi %while3A_17#3, %add3A_34 : i32
    %sub3A_36 = arith.constant 1 : i32
    %sub3A_37 = arith.subi %add3A_35, %sub3A_36 : i32
    %jit3A_38 = arith.constant 5120 : i64
    %convert_element_type3A_39 = arith.trunci %jit3A_38 : i64 to i32
    %div3A_40 = arith.divsi %sub3A_37, %convert_element_type3A_39 : i32
    %sign3A_41 = arith.constant 0 : i32
    %sign3A_42 = arith.cmpi sgt, %sub3A_37, %sign3A_41 : i32
    %sign3A_43 = arith.extui %sign3A_42 : i1 to i32
    %sign3A_44 = arith.constant 0 : i32
    %sign3A_45 = arith.cmpi slt, %sub3A_37, %sign3A_44 : i32
    %sign3A_46 = arith.extui %sign3A_45 : i1 to i32
    %sign3A_47 = arith.subi %sign3A_43, %sign3A_46 : i32
    %sign3A_48 = arith.constant 0 : i32
    %sign3A_49 = arith.cmpi sgt, %convert_element_type3A_39, %sign3A_48 : i32
    %sign3A_50 = arith.extui %sign3A_49 : i1 to i32
    %sign3A_51 = arith.constant 0 : i32
    %sign3A_52 = arith.cmpi slt, %convert_element_type3A_39, %sign3A_51 : i32
    %sign3A_53 = arith.extui %sign3A_52 : i1 to i32
    %sign3A_54 = arith.subi %sign3A_50, %sign3A_53 : i32
    %ne3A_55 = arith.cmpi ne, %sign3A_47, %sign3A_54 : i32
    %rem3A_56 = arith.remsi %sub3A_37, %convert_element_type3A_39 : i32
    %ne3A_57 = arith.constant 0 : i32
    %ne3A_58 = arith.cmpi ne, %rem3A_56, %ne3A_57 : i32
    %and3A_59 = arith.andi %ne3A_55, %ne3A_58 : i1
    %sub3A_60 = arith.constant 1 : i32
    %sub3A_61 = arith.subi %div3A_40, %sub3A_60 : i32
    %select_n3A_62 = arith.select %and3A_59, %sub3A_61, %div3A_40 : i32
    %lt3A = arith.cmpi slt, %select_n3A, %select_n3A_62 : i32
    %convert_element_type3A_63 = arith.extui %lt3A : i1 to i32
    %cond3A = arith.constant 0 : i32
    %cond3A_64 = arith.cmpi ne, %convert_element_type3A_63, %cond3A : i32
    scf.if %cond3A_64 {
      %mul3A_132 = arith.constant 5120 : i32
      %mul3A_133 = arith.muli %select_n3A, %mul3A_132 : i32
      %dma_start3A = arith.constant 0 : i32
      %dma_start3A_134 = arith.constant 0 : i32
      %dma_start3A_135 = tpu.memref_slice %arg7[%dma_start3A, %dma_start3A_134] : memref<2x5120xi32, #tpu.memory_space<vmem>> -> memref<1x5120xi32, #tpu.memory_space<vmem>>
      %dma_start3A_136 = tpu.memref_squeeze %dma_start3A_135 : memref<1x5120xi32, #tpu.memory_space<vmem>> -> memref<5120xi32, #tpu.memory_space<vmem>>
      %dma_start3A_137 = tpu.memref_slice %arg3[%mul3A_133] : memref<6400000xi32, #tpu.memory_space<hbm>> -> memref<5120xi32, #tpu.memory_space<hbm>>
      %dma_start3A_138 = arith.constant 0 : i32
      %dma_start3A_139 = tpu.memref_slice %arg7[%dma_start3A, %dma_start3A_138] : memref<2x5120xi32, #tpu.memory_space<vmem>> -> memref<1x5120xi32, #tpu.memory_space<vmem>>
      %dma_start3A_140 = tpu.memref_squeeze %dma_start3A_139 : memref<1x5120xi32, #tpu.memory_space<vmem>> -> memref<5120xi32, #tpu.memory_space<vmem>>
      %dma_start3A_141 = tpu.memref_slice %arg3[%mul3A_133] : memref<6400000xi32, #tpu.memory_space<hbm>> -> memref<5120xi32, #tpu.memory_space<hbm>>
      tpu.enqueue_dma source(%dma_start3A_141 : memref<5120xi32, #tpu.memory_space<hbm>>) target(%dma_start3A_140 : memref<5120xi32, #tpu.memory_space<vmem>>) target_semaphore(%arg12 : memref<!tpu.dma_semaphore, #tpu.memory_space<semaphore_mem>>)
      %mul3A_142 = arith.constant 5120 : i32
      %mul3A_143 = arith.muli %select_n3A, %mul3A_142 : i32
      %dma_start3A_144 = arith.constant 0 : i32
      %dma_start3A_145 = arith.constant 0 : i32
      %dma_start3A_146 = tpu.memref_slice %arg8[%dma_start3A_144, %dma_start3A_145] : memref<2x5136xi32, #tpu.memory_space<vmem>> -> memref<1x5120xi32, #tpu.memory_space<vmem>>
      %dma_start3A_147 = tpu.memref_squeeze %dma_start3A_146 : memref<1x5120xi32, #tpu.memory_space<vmem>> -> memref<5120xi32, #tpu.memory_space<vmem>>
      %dma_start3A_148 = tpu.memref_slice %arg4[%mul3A_143] : memref<6400000xi32, #tpu.memory_space<hbm>> -> memref<5120xi32, #tpu.memory_space<hbm>>
      %dma_start3A_149 = arith.constant 0 : i32
      %dma_start3A_150 = tpu.memref_slice %arg8[%dma_start3A_144, %dma_start3A_149] : memref<2x5136xi32, #tpu.memory_space<vmem>> -> memref<1x5120xi32, #tpu.memory_space<vmem>>
      %dma_start3A_151 = tpu.memref_squeeze %dma_start3A_150 : memref<1x5120xi32, #tpu.memory_space<vmem>> -> memref<5120xi32, #tpu.memory_space<vmem>>
      %dma_start3A_152 = tpu.memref_slice %arg4[%mul3A_143] : memref<6400000xi32, #tpu.memory_space<hbm>> -> memref<5120xi32, #tpu.memory_space<hbm>>
      tpu.enqueue_dma source(%dma_start3A_152 : memref<5120xi32, #tpu.memory_space<hbm>>) target(%dma_start3A_151 : memref<5120xi32, #tpu.memory_space<vmem>>) target_semaphore(%arg12 : memref<!tpu.dma_semaphore, #tpu.memory_space<semaphore_mem>>)
    } else {
    }
    %add3A_65 = arith.constant 1 : i32
    %add3A_66 = arith.addi %select_n3A, %add3A_65 : i32
    %lt3A_67 = arith.cmpi slt, %add3A_66, %select_n3A_62 : i32
    %convert_element_type3A_68 = arith.extui %lt3A_67 : i1 to i32
    %cond3A_69 = arith.constant 0 : i32
    %cond3A_70 = arith.cmpi ne, %convert_element_type3A_68, %cond3A_69 : i32
    scf.if %cond3A_70 {
      %add3A_132 = arith.constant 1 : i32
      %add3A_133 = arith.addi %select_n3A, %add3A_132 : i32
      %mul3A_134 = arith.constant 5120 : i32
      %mul3A_135 = arith.muli %add3A_133, %mul3A_134 : i32
      %dma_start3A = arith.constant 1 : i32
      %dma_start3A_136 = arith.constant 0 : i32
      %dma_start3A_137 = tpu.memref_slice %arg7[%dma_start3A, %dma_start3A_136] : memref<2x5120xi32, #tpu.memory_space<vmem>> -> memref<1x5120xi32, #tpu.memory_space<vmem>>
      %dma_start3A_138 = tpu.memref_squeeze %dma_start3A_137 : memref<1x5120xi32, #tpu.memory_space<vmem>> -> memref<5120xi32, #tpu.memory_space<vmem>>
      %dma_start3A_139 = tpu.memref_slice %arg3[%mul3A_135] : memref<6400000xi32, #tpu.memory_space<hbm>> -> memref<5120xi32, #tpu.memory_space<hbm>>
      %dma_start3A_140 = arith.constant 0 : i32
      %dma_start3A_141 = tpu.memref_slice %arg7[%dma_start3A, %dma_start3A_140] : memref<2x5120xi32, #tpu.memory_space<vmem>> -> memref<1x5120xi32, #tpu.memory_space<vmem>>
      %dma_start3A_142 = tpu.memref_squeeze %dma_start3A_141 : memref<1x5120xi32, #tpu.memory_space<vmem>> -> memref<5120xi32, #tpu.memory_space<vmem>>
      %dma_start3A_143 = tpu.memref_slice %arg3[%mul3A_135] : memref<6400000xi32, #tpu.memory_space<hbm>> -> memref<5120xi32, #tpu.memory_space<hbm>>
      tpu.enqueue_dma source(%dma_start3A_143 : memref<5120xi32, #tpu.memory_space<hbm>>) target(%dma_start3A_142 : memref<5120xi32, #tpu.memory_space<vmem>>) target_semaphore(%arg13 : memref<!tpu.dma_semaphore, #tpu.memory_space<semaphore_mem>>)
      %mul3A_144 = arith.constant 5120 : i32
      %mul3A_145 = arith.muli %add3A_133, %mul3A_144 : i32
      %dma_start3A_146 = arith.constant 1 : i32
      %dma_start3A_147 = arith.constant 0 : i32
      %dma_start3A_148 = tpu.memref_slice %arg8[%dma_start3A_146, %dma_start3A_147] : memref<2x5136xi32, #tpu.memory_space<vmem>> -> memref<1x5120xi32, #tpu.memory_space<vmem>>
      %dma_start3A_149 = tpu.memref_squeeze %dma_start3A_148 : memref<1x5120xi32, #tpu.memory_space<vmem>> -> memref<5120xi32, #tpu.memory_space<vmem>>
      %dma_start3A_150 = tpu.memref_slice %arg4[%mul3A_145] : memref<6400000xi32, #tpu.memory_space<hbm>> -> memref<5120xi32, #tpu.memory_space<hbm>>
      %dma_start3A_151 = arith.constant 0 : i32
      %dma_start3A_152 = tpu.memref_slice %arg8[%dma_start3A_146, %dma_start3A_151] : memref<2x5136xi32, #tpu.memory_space<vmem>> -> memref<1x5120xi32, #tpu.memory_space<vmem>>
      %dma_start3A_153 = tpu.memref_squeeze %dma_start3A_152 : memref<1x5120xi32, #tpu.memory_space<vmem>> -> memref<5120xi32, #tpu.memory_space<vmem>>
      %dma_start3A_154 = tpu.memref_slice %arg4[%mul3A_145] : memref<6400000xi32, #tpu.memory_space<hbm>> -> memref<5120xi32, #tpu.memory_space<hbm>>
      tpu.enqueue_dma source(%dma_start3A_154 : memref<5120xi32, #tpu.memory_space<hbm>>) target(%dma_start3A_153 : memref<5120xi32, #tpu.memory_space<vmem>>) target_semaphore(%arg13 : memref<!tpu.dma_semaphore, #tpu.memory_space<semaphore_mem>>)
    } else {
    }
    %broadcast_in_dim3A = arith.constant 0.000000e+00 : f32
    %broadcast_in_dim3A_71 = vector.broadcast %broadcast_in_dim3A : f32 to vector<16xf32>
    %while3A_72 = arith.constant 0 : i32
    %while3A_73 = arith.constant 0 : i32
    %while3A_74 = arith.constant 200 : i32
    %while3A_75 = arith.subi %while3A_74, %while3A_73 : i32
    %while3A_76 = arith.addi %while3A_73, %while3A_75 : i32
    %while3A_77 = arith.constant 1 : i32
    %while3A_78 = arith.divsi %while3A_75, %while3A_77 : i32
    %while3A_79 = arith.muli %while3A_78, %while3A_77 : i32
    %while3A_80 = arith.addi %while3A_73, %while3A_79 : i32
    %while3A_81 = arith.constant 1 : i32
    scf.for %while3A_132 = %while3A_73 to %while3A_80 step %while3A_81  : i32 {
      %mul3A_133 = arith.constant 16 : i32
      %mul3A_134 = arith.muli %while3A_132, %mul3A_133 : i32
      %swap3A = arith.index_cast %mul3A_134 : i32 to index
      %swap3A_135 = tpu.vector_load %arg9[%swap3A] {strides = array<i32>} : memref<3200xf32, #tpu.memory_space<vmem>>, vector<16xf32>,
      tpu.vector_store %arg9[%swap3A], %broadcast_in_dim3A_71 {strides = array<i32>} : memref<3200xf32, #tpu.memory_space<vmem>>, vector<16xf32>,
    }
    %while3A_82 = arith.constant 1 : i32
    scf.for %while3A_132 = %while3A_80 to %while3A_76 step %while3A_82  : i32 {
      %mul3A_133 = arith.constant 16 : i32
      %mul3A_134 = arith.muli %while3A_132, %mul3A_133 : i32
      %swap3A = arith.index_cast %mul3A_134 : i32 to index
      %swap3A_135 = tpu.vector_load %arg9[%swap3A] {strides = array<i32>} : memref<3200xf32, #tpu.memory_space<vmem>>, vector<16xf32>,
      tpu.vector_store %arg9[%swap3A], %broadcast_in_dim3A_71 {strides = array<i32>} : memref<3200xf32, #tpu.memory_space<vmem>>, vector<16xf32>,
    }
    tpu.wait_dma2 semaphore(%arg14 : memref<!tpu.dma_semaphore, #tpu.memory_space<semaphore_mem>>) src(%arg2 : memref<100000xf32, #tpu.memory_space<hbm>>) dst(%arg6 : memref<100000xf32, #tpu.memory_space<vmem>>)
    %eq3A = arith.constant 15 : i32
    %eq3A_83 = vector.broadcast %eq3A : i32 to vector<16xi32>
    %eq3A_84 = arith.cmpi eq, %iota3A, %eq3A_83 : vector<16xi32>
    %eq3A_85 = arith.constant 0 : i32
    %eq3A_86 = vector.broadcast %eq3A_85 : i32 to vector<16xi32>
    %eq3A_87 = arith.cmpi eq, %iota3A, %eq3A_86 : vector<16xi32>
    %sub3A_88 = arith.constant 1 : i32
    %sub3A_89 = vector.broadcast %sub3A_88 : i32 to vector<16xi32>
    %sub3A_90 = arith.subi %iota3A, %sub3A_89 : vector<16xi32>
    %max3A = arith.constant 0 : i32
    %max3A_91 = vector.broadcast %max3A : i32 to vector<16xi32>
    %max3A_92 = arith.maxsi %sub3A_90, %max3A_91 : vector<16xi32>
    %sub3A_93 = arith.subi %select_n3A_62, %select_n3A : i32
    %add3A_94 = arith.constant 1 : i32
    %add3A_95 = arith.addi %sub3A_93, %add3A_94 : i32
    %jit3A_96 = arith.constant 2 : i64
    %convert_element_type3A_97 = arith.trunci %jit3A_96 : i64 to i32
    %div3A_98 = arith.divsi %add3A_95, %convert_element_type3A_97 : i32
    %sign3A_99 = arith.constant 0 : i32
    %sign3A_100 = arith.cmpi sgt, %add3A_95, %sign3A_99 : i32
    %sign3A_101 = arith.extui %sign3A_100 : i1 to i32
    %sign3A_102 = arith.constant 0 : i32
    %sign3A_103 = arith.cmpi slt, %add3A_95, %sign3A_102 : i32
    %sign3A_104 = arith.extui %sign3A_103 : i1 to i32
    %sign3A_105 = arith.subi %sign3A_101, %sign3A_104 : i32
    %sign3A_106 = arith.constant 0 : i32
    %sign3A_107 = arith.cmpi sgt, %convert_element_type3A_97, %sign3A_106 : i32
    %sign3A_108 = arith.extui %sign3A_107 : i1 to i32
    %sign3A_109 = arith.constant 0 : i32
    %sign3A_110 = arith.cmpi slt, %convert_element_type3A_97, %sign3A_109 : i32
    %sign3A_111 = arith.extui %sign3A_110 : i1 to i32
    %sign3A_112 = arith.subi %sign3A_108, %sign3A_111 : i32
    %ne3A_113 = arith.cmpi ne, %sign3A_105, %sign3A_112 : i32
    %rem3A_114 = arith.remsi %add3A_95, %convert_element_type3A_97 : i32
    %ne3A_115 = arith.constant 0 : i32
    %ne3A_116 = arith.cmpi ne, %rem3A_114, %ne3A_115 : i32
    %and3A_117 = arith.andi %ne3A_113, %ne3A_116 : i1
    %sub3A_118 = arith.constant 1 : i32
    %sub3A_119 = arith.subi %div3A_98, %sub3A_118 : i32
    %select_n3A_120 = arith.select %and3A_117, %sub3A_119, %div3A_98 : i32
    %while3A_121 = arith.constant 0 : i32
    %while3A_122 = arith.constant 0.000000e+00 : f32
    %while3A_123 = arith.constant 0 : i32
    %while3A_124 = arith.subi %select_n3A_120, %while3A_123 : i32
    %while3A_125 = arith.addi %while3A_123, %while3A_124 : i32
    %while3A_126 = arith.constant 1 : i32
    %while3A_127 = arith.divsi %while3A_124, %while3A_126 : i32
    %while3A_128 = arith.muli %while3A_127, %while3A_126 : i32
    %while3A_129 = arith.addi %while3A_123, %while3A_128 : i32
    %while3A_130 = arith.constant 1 : i32
    scf.for %while3A_132 = %while3A_123 to %while3A_129 step %while3A_130  : i32 {
      %mul3A_133 = arith.constant 2 : i32
      %mul3A_134 = arith.muli %mul3A_133, %while3A_132 : i32
      %add3A_135 = arith.addi %select_n3A, %mul3A_134 : i32
      %dma_wait3A = arith.constant 0 : i32
      %dma_wait3A_136 = arith.constant 0 : i32
      %dma_wait3A_137 = tpu.memref_slice %arg7[%dma_wait3A, %dma_wait3A_136] : memref<2x5120xi32, #tpu.memory_space<vmem>> -> memref<1x5120xi32, #tpu.memory_space<vmem>>
      %dma_wait3A_138 = tpu.memref_squeeze %dma_wait3A_137 : memref<1x5120xi32, #tpu.memory_space<vmem>> -> memref<5120xi32, #tpu.memory_space<vmem>>
      %dma_wait3A_139 = arith.constant 0 : i32
      %dma_wait3A_140 = tpu.memref_slice %arg3[%dma_wait3A_139] : memref<6400000xi32, #tpu.memory_space<hbm>> -> memref<5120xi32, #tpu.memory_space<hbm>>
      %dma_wait3A_141 = arith.constant 0 : i32
      %dma_wait3A_142 = tpu.memref_slice %arg7[%dma_wait3A, %dma_wait3A_141] : memref<2x5120xi32, #tpu.memory_space<vmem>> -> memref<1x5120xi32, #tpu.memory_space<vmem>>
      %dma_wait3A_143 = tpu.memref_squeeze %dma_wait3A_142 : memref<1x5120xi32, #tpu.memory_space<vmem>> -> memref<5120xi32, #tpu.memory_space<vmem>>
      %dma_wait3A_144 = arith.constant 0 : i32
      %dma_wait3A_145 = tpu.memref_slice %arg3[%dma_wait3A_144] : memref<6400000xi32, #tpu.memory_space<hbm>> -> memref<5120xi32, #tpu.memory_space<hbm>>
      tpu.wait_dma2 semaphore(%arg12 : memref<!tpu.dma_semaphore, #tpu.memory_space<semaphore_mem>>) src(%dma_wait3A_145 : memref<5120xi32, #tpu.memory_space<hbm>>) dst(%dma_wait3A_143 : memref<5120xi32, #tpu.memory_space<vmem>>)
      %dma_wait3A_146 = arith.constant 0 : i32
      %dma_wait3A_147 = arith.constant 0 : i32
      %dma_wait3A_148 = tpu.memref_slice %arg8[%dma_wait3A_146, %dma_wait3A_147] : memref<2x5136xi32, #tpu.memory_space<vmem>> -> memref<1x5120xi32, #tpu.memory_space<vmem>>
      %dma_wait3A_149 = tpu.memref_squeeze %dma_wait3A_148 : memref<1x5120xi32, #tpu.memory_space<vmem>> -> memref<5120xi32, #tpu.memory_space<vmem>>
      %dma_wait3A_150 = arith.constant 0 : i32
      %dma_wait3A_151 = tpu.memref_slice %arg4[%dma_wait3A_150] : memref<6400000xi32, #tpu.memory_space<hbm>> -> memref<5120xi32, #tpu.memory_space<hbm>>
      %dma_wait3A_152 = arith.constant 0 : i32
      %dma_wait3A_153 = tpu.memref_slice %arg8[%dma_wait3A_146, %dma_wait3A_152] : memref<2x5136xi32, #tpu.memory_space<vmem>> -> memref<1x5120xi32, #tpu.memory_space<vmem>>
      %dma_wait3A_154 = tpu.memref_squeeze %dma_wait3A_153 : memref<1x5120xi32, #tpu.memory_space<vmem>> -> memref<5120xi32, #tpu.memory_space<vmem>>
      %dma_wait3A_155 = arith.constant 0 : i32
      %dma_wait3A_156 = tpu.memref_slice %arg4[%dma_wait3A_155] : memref<6400000xi32, #tpu.memory_space<hbm>> -> memref<5120xi32, #tpu.memory_space<hbm>>
      tpu.wait_dma2 semaphore(%arg12 : memref<!tpu.dma_semaphore, #tpu.memory_space<semaphore_mem>>) src(%dma_wait3A_156 : memref<5120xi32, #tpu.memory_space<hbm>>) dst(%dma_wait3A_154 : memref<5120xi32, #tpu.memory_space<vmem>>)
      %mul3A_157 = arith.constant 5120 : i32
      %mul3A_158 = arith.muli %add3A_135, %mul3A_157 : i32
      %ge3A = arith.cmpi sge, %mul3A_158, %while3A_17#1 : i32
      %add3A_159 = arith.constant 1 : i32
      %add3A_160 = arith.addi %add3A_135, %add3A_159 : i32
      %mul3A_161 = arith.constant 5120 : i32
      %mul3A_162 = arith.muli %add3A_160, %mul3A_161 : i32
      %le3A = arith.cmpi sle, %mul3A_162, %while3A_17#3 : i32
      %and3A_163 = arith.andi %ge3A, %le3A : i1
      %convert_element_type3A_164 = arith.extui %and3A_163 : i1 to i32
      %cond3A_165 = arith.constant 0 : i32
      %cond3A_166 = arith.cmpi ne, %convert_element_type3A_164, %cond3A_165 : i32
      scf.if %cond3A_166 {
        %parallel_loop3A = arith.constant 0 : i32
        %parallel_loop3A_183 = arith.constant 320 : i32
        %parallel_loop3A_184 = arith.constant 1 : i32
        %parallel_loop3A_185 = arith.constant 0 : i32
        scf.for %parallel_loop3A_186 = %parallel_loop3A to %parallel_loop3A_183 step %parallel_loop3A_184  : i32 {
          %parallel_loop3A_187 = arith.constant 16 : i32
          %parallel_loop3A_188 = arith.muli %parallel_loop3A_186, %parallel_loop3A_187 : i32
          %parallel_loop3A_189 = arith.index_cast %parallel_loop3A_185 : i32 to index
          %parallel_loop3A_190 = arith.index_cast %parallel_loop3A_188 : i32 to index
          %parallel_loop3A_191 = tpu.vector_load %arg7[%parallel_loop3A_189, %parallel_loop3A_190] {strides = array<i32>} : memref<2x5120xi32, #tpu.memory_space<vmem>>, vector<16xi32>,
          %parallel_loop3A_192 = vector.bitcast %parallel_loop3A_191 : vector<16xi32> to vector<16xi32>
          %parallel_loop3A_193 = arith.index_cast %parallel_loop3A_185 : i32 to index
          %parallel_loop3A_194 = arith.index_cast %parallel_loop3A_188 : i32 to index
          %parallel_loop3A_195 = tpu.vector_load %arg8[%parallel_loop3A_193, %parallel_loop3A_194] {strides = array<i32>} : memref<2x5136xi32, #tpu.memory_space<vmem>>, vector<16xi32>,
          %parallel_loop3A_196 = arith.constant 1 : i32
          %parallel_loop3A_197 = arith.addi %parallel_loop3A_188, %parallel_loop3A_196 : i32
          %parallel_loop3A_198 = arith.index_cast %parallel_loop3A_185 : i32 to index
          %parallel_loop3A_199 = arith.index_cast %parallel_loop3A_197 : i32 to index
          %parallel_loop3A_200 = tpu.vector_load %arg8[%parallel_loop3A_198, %parallel_loop3A_199] {strides = array<i32>} : memref<2x5136xi32, #tpu.memory_space<vmem>>, vector<16xi32>,
          %parallel_loop3A_201 = tpu.vector_load_idx %arg6[%parallel_loop3A_192] : memref<100000xf32, #tpu.memory_space<vmem>>[vector<16xi32>], vector<16xf32>,
          %parallel_loop3A_202 = arith.cmpi ne, %parallel_loop3A_195, %parallel_loop3A_200 : vector<16xi32>
          %parallel_loop3A_203 = arith.ori %parallel_loop3A_202, %eq3A_84 : vector<16xi1>
          %parallel_loop3A_204 = arith.constant true
          %parallel_loop3A_205 = vector.broadcast %parallel_loop3A_204 : i1 to vector<16xi1>
          %parallel_loop3A_206 = tpu.scan <sum>, %parallel_loop3A_201 masked %parallel_loop3A_205 : vector<16xf32>, vector<16xi1> -> vector<16xf32>
          %parallel_loop3A_207 = vector.broadcast %while3A_122 : f32 to vector<16xf32>
          %parallel_loop3A_208 = arith.select %parallel_loop3A_203, %parallel_loop3A_206, %parallel_loop3A_207 : vector<16xi1>, vector<16xf32>
          %parallel_loop3A_209 = arith.constant true
          %parallel_loop3A_210 = vector.broadcast %parallel_loop3A_209 : i1 to vector<16xi1>
          %parallel_loop3A_211 = tpu.scan <max>, %parallel_loop3A_208 masked %parallel_loop3A_210 : vector<16xf32>, vector<16xi1> -> vector<16xf32>
          %parallel_loop3A_212 = arith.constant 0 : i32
          %parallel_loop3A_213 = vector.broadcast %parallel_loop3A_212 : i32 to vector<16xi32>
          %parallel_loop3A_214 = arith.cmpi slt, %max3A_92, %parallel_loop3A_213 : vector<16xi32>
          %parallel_loop3A_215 = arith.constant 16 : i32
          %parallel_loop3A_216 = vector.broadcast %parallel_loop3A_215 : i32 to vector<16xi32>
          %parallel_loop3A_217 = arith.addi %max3A_92, %parallel_loop3A_216 : vector<16xi32>
          %parallel_loop3A_218 = arith.select %parallel_loop3A_214, %parallel_loop3A_217, %max3A_92 : vector<16xi1>, vector<16xi32>
          %parallel_loop3A_219 = vector.shape_cast %parallel_loop3A_218 : vector<16xi32> to vector<16x1xi32>
          %parallel_loop3A_220 = vector.shape_cast %parallel_loop3A_219 : vector<16x1xi32> to vector<16xi32>
          %parallel_loop3A_221 = tpu.dynamic_gather %parallel_loop3A_211[%parallel_loop3A_220] in [0] : vector<16xf32>, vector<16xi32> -> vector<16xf32>
          %parallel_loop3A_222 = vector.broadcast %while3A_122 : f32 to vector<16xf32>
          %parallel_loop3A_223 = arith.select %eq3A_87, %parallel_loop3A_222, %parallel_loop3A_221 : vector<16xi1>, vector<16xf32>
          %parallel_loop3A_224 = vector.bitcast %parallel_loop3A_195 : vector<16xi32> to vector<16xi32>
          %parallel_loop3A_225 = vector.broadcast %mul3A_2 : i32 to vector<16xi32>
          %parallel_loop3A_226 = arith.subi %parallel_loop3A_224, %parallel_loop3A_225 : vector<16xi32>
          %parallel_loop3A_227 = arith.subf %parallel_loop3A_206, %parallel_loop3A_223 : vector<16xf32>
          tpu.vector_store_idx %arg9[%parallel_loop3A_226], %parallel_loop3A_227 masked %parallel_loop3A_203 {add = true} : memref<3200xf32, #tpu.memory_space<vmem>>[vector<16xi32>], vector<16xf32>, vector<16xi1>
        } {sc.loop_unroll_factor = 8 : i64, sc.parallel_access}
      } else {
      }
      %not3A = arith.constant true
      %not3A_167 = arith.xori %and3A_163, %not3A : i1
      %convert_element_type3A_168 = arith.extui %not3A_167 : i1 to i32
      %cond3A_169 = arith.constant 0 : i32
      %cond3A_170 = arith.cmpi ne, %convert_element_type3A_168, %cond3A_169 : i32
      scf.if %cond3A_170 {
        %mul3A_183 = arith.constant 5120 : i32
        %mul3A_184 = arith.muli %add3A_135, %mul3A_183 : i32
        %while3A_185 = arith.constant 0 : i32
        %while3A_186 = arith.constant 0 : i32
        %while3A_187 = arith.constant 0 : i32
        %while3A_188 = arith.constant 80 : i32
        %while3A_189 = arith.subi %while3A_188, %while3A_187 : i32
        %while3A_190 = arith.addi %while3A_187, %while3A_189 : i32
        %while3A_191 = arith.constant 1 : i32
        %while3A_192 = arith.divsi %while3A_189, %while3A_191 : i32
        %while3A_193 = arith.muli %while3A_192, %while3A_191 : i32
        %while3A_194 = arith.addi %while3A_187, %while3A_193 : i32
        %while3A_195 = arith.constant 1 : i32
        scf.for %while3A_197 = %while3A_187 to %while3A_194 step %while3A_195  : i32 {
          %mul3A_198 = arith.constant 64 : i32
          %mul3A_199 = arith.muli %while3A_197, %mul3A_198 : i32
          %add3A_200 = arith.constant 0 : i32
          %add3A_201 = arith.addi %mul3A_199, %add3A_200 : i32
          %add3A_202 = arith.addi %mul3A_184, %add3A_201 : i32
          %add3A_203 = vector.broadcast %add3A_202 : i32 to vector<16xi32>
          %add3A_204 = arith.addi %add3A_203, %iota3A : vector<16xi32>
          %ge3A_205 = vector.broadcast %while3A_17#1 : i32 to vector<16xi32>
          %ge3A_206 = arith.cmpi sge, %add3A_204, %ge3A_205 : vector<16xi32>
          %lt3A_207 = vector.broadcast %while3A_17#3 : i32 to vector<16xi32>
          %lt3A_208 = arith.cmpi slt, %add3A_204, %lt3A_207 : vector<16xi32>
          %and3A_209 = arith.andi %ge3A_206, %lt3A_208 : vector<16xi1>
          %get3A = arith.index_cast %while3A_186 : i32 to index
          %get3A_210 = arith.index_cast %add3A_201 : i32 to index
          %get3A_211 = tpu.vector_load %arg7[%get3A, %get3A_210] {strides = array<i32>} : memref<2x5120xi32, #tpu.memory_space<vmem>>, vector<16xi32>,
          %bitcast3A = vector.bitcast %get3A_211 : vector<16xi32> to vector<16xi32>
          %get3A_212 = arith.index_cast %while3A_186 : i32 to index
          %get3A_213 = arith.index_cast %add3A_201 : i32 to index
          %get3A_214 = tpu.vector_load %arg8[%get3A_212, %get3A_213] {strides = array<i32>} : memref<2x5136xi32, #tpu.memory_space<vmem>>, vector<16xi32>,
          %bitcast3A_215 = vector.bitcast %get3A_214 : vector<16xi32> to vector<16xi32>
          %sub3A_216 = vector.broadcast %mul3A_2 : i32 to vector<16xi32>
          %sub3A_217 = arith.subi %bitcast3A_215, %sub3A_216 : vector<16xi32>
          %gather3A = tpu.vector_load_idx %arg6[%bitcast3A] : memref<100000xf32, #tpu.memory_space<vmem>>[vector<16xi32>], vector<16xf32>,
          %jit3A_218 = arith.constant 0 : i64
          %jit3A_219 = arith.constant 3199 : i64
          %convert_element_type3A_220 = arith.trunci %jit3A_218 : i64 to i32
          %max3A_221 = vector.broadcast %convert_element_type3A_220 : i32 to vector<16xi32>
          %max3A_222 = arith.maxsi %max3A_221, %sub3A_217 : vector<16xi32>
          %convert_element_type3A_223 = arith.trunci %jit3A_219 : i64 to i32
          %min3A = vector.broadcast %convert_element_type3A_223 : i32 to vector<16xi32>
          %min3A_224 = arith.minsi %min3A, %max3A_222 : vector<16xi32>
          tpu.vector_store_idx %arg9[%min3A_224], %gather3A masked %and3A_209 {add = true} : memref<3200xf32, #tpu.memory_space<vmem>>[vector<16xi32>], vector<16xf32>, vector<16xi1>
          %add3A_225 = arith.constant 16 : i32
          %add3A_226 = arith.addi %mul3A_199, %add3A_225 : i32
          %add3A_227 = arith.addi %mul3A_184, %add3A_226 : i32
          %add3A_228 = vector.broadcast %add3A_227 : i32 to vector<16xi32>
          %add3A_229 = arith.addi %add3A_228, %iota3A : vector<16xi32>
          %ge3A_230 = vector.broadcast %while3A_17#1 : i32 to vector<16xi32>
          %ge3A_231 = arith.cmpi sge, %add3A_229, %ge3A_230 : vector<16xi32>
          %lt3A_232 = vector.broadcast %while3A_17#3 : i32 to vector<16xi32>
          %lt3A_233 = arith.cmpi slt, %add3A_229, %lt3A_232 : vector<16xi32>
          %and3A_234 = arith.andi %ge3A_231, %lt3A_233 : vector<16xi1>
          %get3A_235 = arith.index_cast %while3A_186 : i32 to index
          %get3A_236 = arith.index_cast %add3A_226 : i32 to index
          %get3A_237 = tpu.vector_load %arg7[%get3A_235, %get3A_236] {strides = array<i32>} : memref<2x5120xi32, #tpu.memory_space<vmem>>, vector<16xi32>,
          %bitcast3A_238 = vector.bitcast %get3A_237 : vector<16xi32> to vector<16xi32>
          %get3A_239 = arith.index_cast %while3A_186 : i32 to index
          %get3A_240 = arith.index_cast %add3A_226 : i32 to index
          %get3A_241 = tpu.vector_load %arg8[%get3A_239, %get3A_240] {strides = array<i32>} : memref<2x5136xi32, #tpu.memory_space<vmem>>, vector<16xi32>,
          %bitcast3A_242 = vector.bitcast %get3A_241 : vector<16xi32> to vector<16xi32>
          %sub3A_243 = vector.broadcast %mul3A_2 : i32 to vector<16xi32>
          %sub3A_244 = arith.subi %bitcast3A_242, %sub3A_243 : vector<16xi32>
          %gather3A_245 = tpu.vector_load_idx %arg6[%bitcast3A_238] : memref<100000xf32, #tpu.memory_space<vmem>>[vector<16xi32>], vector<16xf32>,
          %jit3A_246 = arith.constant 0 : i64
          %jit3A_247 = arith.constant 3199 : i64
          %convert_element_type3A_248 = arith.trunci %jit3A_246 : i64 to i32
          %max3A_249 = vector.broadcast %convert_element_type3A_248 : i32 to vector<16xi32>
          %max3A_250 = arith.maxsi %max3A_249, %sub3A_244 : vector<16xi32>
          %convert_element_type3A_251 = arith.trunci %jit3A_247 : i64 to i32
          %min3A_252 = vector.broadcast %convert_element_type3A_251 : i32 to vector<16xi32>
          %min3A_253 = arith.minsi %min3A_252, %max3A_250 : vector<16xi32>
          tpu.vector_store_idx %arg9[%min3A_253], %gather3A_245 masked %and3A_234 {add = true} : memref<3200xf32, #tpu.memory_space<vmem>>[vector<16xi32>], vector<16xf32>, vector<16xi1>
          %add3A_254 = arith.constant 32 : i32
          %add3A_255 = arith.addi %mul3A_199, %add3A_254 : i32
          %add3A_256 = arith.addi %mul3A_184, %add3A_255 : i32
          %add3A_257 = vector.broadcast %add3A_256 : i32 to vector<16xi32>
          %add3A_258 = arith.addi %add3A_257, %iota3A : vector<16xi32>
          %ge3A_259 = vector.broadcast %while3A_17#1 : i32 to vector<16xi32>
          %ge3A_260 = arith.cmpi sge, %add3A_258, %ge3A_259 : vector<16xi32>
          %lt3A_261 = vector.broadcast %while3A_17#3 : i32 to vector<16xi32>
          %lt3A_262 = arith.cmpi slt, %add3A_258, %lt3A_261 : vector<16xi32>
          %and3A_263 = arith.andi %ge3A_260, %lt3A_262 : vector<16xi1>
          %get3A_264 = arith.index_cast %while3A_186 : i32 to index
          %get3A_265 = arith.index_cast %add3A_255 : i32 to index
          %get3A_266 = tpu.vector_load %arg7[%get3A_264, %get3A_265] {strides = array<i32>} : memref<2x5120xi32, #tpu.memory_space<vmem>>, vector<16xi32>,
          %bitcast3A_267 = vector.bitcast %get3A_266 : vector<16xi32> to vector<16xi32>
          %get3A_268 = arith.index_cast %while3A_186 : i32 to index
          %get3A_269 = arith.index_cast %add3A_255 : i32 to index
          %get3A_270 = tpu.vector_load %arg8[%get3A_268, %get3A_269] {strides = array<i32>} : memref<2x5136xi32, #tpu.memory_space<vmem>>, vector<16xi32>,
          %bitcast3A_271 = vector.bitcast %get3A_270 : vector<16xi32> to vector<16xi32>
          %sub3A_272 = vector.broadcast %mul3A_2 : i32 to vector<16xi32>
          %sub3A_273 = arith.subi %bitcast3A_271, %sub3A_272 : vector<16xi32>
          %gather3A_274 = tpu.vector_load_idx %arg6[%bitcast3A_267] : memref<100000xf32, #tpu.memory_space<vmem>>[vector<16xi32>], vector<16xf32>,
          %jit3A_275 = arith.constant 0 : i64
          %jit3A_276 = arith.constant 3199 : i64
          %convert_element_type3A_277 = arith.trunci %jit3A_275 : i64 to i32
          %max3A_278 = vector.broadcast %convert_element_type3A_277 : i32 to vector<16xi32>
          %max3A_279 = arith.maxsi %max3A_278, %sub3A_273 : vector<16xi32>
          %convert_element_type3A_280 = arith.trunci %jit3A_276 : i64 to i32
          %min3A_281 = vector.broadcast %convert_element_type3A_280 : i32 to vector<16xi32>
          %min3A_282 = arith.minsi %min3A_281, %max3A_279 : vector<16xi32>
          tpu.vector_store_idx %arg9[%min3A_282], %gather3A_274 masked %and3A_263 {add = true} : memref<3200xf32, #tpu.memory_space<vmem>>[vector<16xi32>], vector<16xf32>, vector<16xi1>
          %add3A_283 = arith.constant 48 : i32
          %add3A_284 = arith.addi %mul3A_199, %add3A_283 : i32
          %add3A_285 = arith.addi %mul3A_184, %add3A_284 : i32
          %add3A_286 = vector.broadcast %add3A_285 : i32 to vector<16xi32>
          %add3A_287 = arith.addi %add3A_286, %iota3A : vector<16xi32>
          %ge3A_288 = vector.broadcast %while3A_17#1 : i32 to vector<16xi32>
          %ge3A_289 = arith.cmpi sge, %add3A_287, %ge3A_288 : vector<16xi32>
          %lt3A_290 = vector.broadcast %while3A_17#3 : i32 to vector<16xi32>
          %lt3A_291 = arith.cmpi slt, %add3A_287, %lt3A_290 : vector<16xi32>
          %and3A_292 = arith.andi %ge3A_289, %lt3A_291 : vector<16xi1>
          %get3A_293 = arith.index_cast %while3A_186 : i32 to index
          %get3A_294 = arith.index_cast %add3A_284 : i32 to index
          %get3A_295 = tpu.vector_load %arg7[%get3A_293, %get3A_294] {strides = array<i32>} : memref<2x5120xi32, #tpu.memory_space<vmem>>, vector<16xi32>,
          %bitcast3A_296 = vector.bitcast %get3A_295 : vector<16xi32> to vector<16xi32>
          %get3A_297 = arith.index_cast %while3A_186 : i32 to index
          %get3A_298 = arith.index_cast %add3A_284 : i32 to index
          %get3A_299 = tpu.vector_load %arg8[%get3A_297, %get3A_298] {strides = array<i32>} : memref<2x5136xi32, #tpu.memory_space<vmem>>, vector<16xi32>,
          %bitcast3A_300 = vector.bitcast %get3A_299 : vector<16xi32> to vector<16xi32>
          %sub3A_301 = vector.broadcast %mul3A_2 : i32 to vector<16xi32>
          %sub3A_302 = arith.subi %bitcast3A_300, %sub3A_301 : vector<16xi32>
          %gather3A_303 = tpu.vector_load_idx %arg6[%bitcast3A_296] : memref<100000xf32, #tpu.memory_space<vmem>>[vector<16xi32>], vector<16xf32>,
          %jit3A_304 = arith.constant 0 : i64
          %jit3A_305 = arith.constant 3199 : i64
          %convert_element_type3A_306 = arith.trunci %jit3A_304 : i64 to i32
          %max3A_307 = vector.broadcast %convert_element_type3A_306 : i32 to vector<16xi32>
          %max3A_308 = arith.maxsi %max3A_307, %sub3A_302 : vector<16xi32>
          %convert_element_type3A_309 = arith.trunci %jit3A_305 : i64 to i32
          %min3A_310 = vector.broadcast %convert_element_type3A_309 : i32 to vector<16xi32>
          %min3A_311 = arith.minsi %min3A_310, %max3A_308 : vector<16xi32>
          tpu.vector_store_idx %arg9[%min3A_311], %gather3A_303 masked %and3A_292 {add = true} : memref<3200xf32, #tpu.memory_space<vmem>>[vector<16xi32>], vector<16xf32>, vector<16xi1>
        }
        %while3A_196 = arith.constant 1 : i32
        scf.for %while3A_197 = %while3A_194 to %while3A_190 step %while3A_196  : i32 {
          %mul3A_198 = arith.constant 64 : i32
          %mul3A_199 = arith.muli %while3A_197, %mul3A_198 : i32
          %add3A_200 = arith.constant 0 : i32
          %add3A_201 = arith.addi %mul3A_199, %add3A_200 : i32
          %add3A_202 = arith.addi %mul3A_184, %add3A_201 : i32
          %add3A_203 = vector.broadcast %add3A_202 : i32 to vector<16xi32>
          %add3A_204 = arith.addi %add3A_203, %iota3A : vector<16xi32>
          %ge3A_205 = vector.broadcast %while3A_17#1 : i32 to vector<16xi32>
          %ge3A_206 = arith.cmpi sge, %add3A_204, %ge3A_205 : vector<16xi32>
          %lt3A_207 = vector.broadcast %while3A_17#3 : i32 to vector<16xi32>
          %lt3A_208 = arith.cmpi slt, %add3A_204, %lt3A_207 : vector<16xi32>
          %and3A_209 = arith.andi %ge3A_206, %lt3A_208 : vector<16xi1>
          %get3A = arith.index_cast %while3A_186 : i32 to index
          %get3A_210 = arith.index_cast %add3A_201 : i32 to index
          %get3A_211 = tpu.vector_load %arg7[%get3A, %get3A_210] {strides = array<i32>} : memref<2x5120xi32, #tpu.memory_space<vmem>>, vector<16xi32>,
          %bitcast3A = vector.bitcast %get3A_211 : vector<16xi32> to vector<16xi32>
          %get3A_212 = arith.index_cast %while3A_186 : i32 to index
          %get3A_213 = arith.index_cast %add3A_201 : i32 to index
          %get3A_214 = tpu.vector_load %arg8[%get3A_212, %get3A_213] {strides = array<i32>} : memref<2x5136xi32, #tpu.memory_space<vmem>>, vector<16xi32>,
          %bitcast3A_215 = vector.bitcast %get3A_214 : vector<16xi32> to vector<16xi32>
          %sub3A_216 = vector.broadcast %mul3A_2 : i32 to vector<16xi32>
          %sub3A_217 = arith.subi %bitcast3A_215, %sub3A_216 : vector<16xi32>
          %gather3A = tpu.vector_load_idx %arg6[%bitcast3A] : memref<100000xf32, #tpu.memory_space<vmem>>[vector<16xi32>], vector<16xf32>,
          %jit3A_218 = arith.constant 0 : i64
          %jit3A_219 = arith.constant 3199 : i64
          %convert_element_type3A_220 = arith.trunci %jit3A_218 : i64 to i32
          %max3A_221 = vector.broadcast %convert_element_type3A_220 : i32 to vector<16xi32>
          %max3A_222 = arith.maxsi %max3A_221, %sub3A_217 : vector<16xi32>
          %convert_element_type3A_223 = arith.trunci %jit3A_219 : i64 to i32
          %min3A = vector.broadcast %convert_element_type3A_223 : i32 to vector<16xi32>
          %min3A_224 = arith.minsi %min3A, %max3A_222 : vector<16xi32>
          tpu.vector_store_idx %arg9[%min3A_224], %gather3A masked %and3A_209 {add = true} : memref<3200xf32, #tpu.memory_space<vmem>>[vector<16xi32>], vector<16xf32>, vector<16xi1>
          %add3A_225 = arith.constant 16 : i32
          %add3A_226 = arith.addi %mul3A_199, %add3A_225 : i32
          %add3A_227 = arith.addi %mul3A_184, %add3A_226 : i32
          %add3A_228 = vector.broadcast %add3A_227 : i32 to vector<16xi32>
          %add3A_229 = arith.addi %add3A_228, %iota3A : vector<16xi32>
          %ge3A_230 = vector.broadcast %while3A_17#1 : i32 to vector<16xi32>
          %ge3A_231 = arith.cmpi sge, %add3A_229, %ge3A_230 : vector<16xi32>
          %lt3A_232 = vector.broadcast %while3A_17#3 : i32 to vector<16xi32>
          %lt3A_233 = arith.cmpi slt, %add3A_229, %lt3A_232 : vector<16xi32>
          %and3A_234 = arith.andi %ge3A_231, %lt3A_233 : vector<16xi1>
          %get3A_235 = arith.index_cast %while3A_186 : i32 to index
          %get3A_236 = arith.index_cast %add3A_226 : i32 to index
          %get3A_237 = tpu.vector_load %arg7[%get3A_235, %get3A_236] {strides = array<i32>} : memref<2x5120xi32, #tpu.memory_space<vmem>>, vector<16xi32>,
          %bitcast3A_238 = vector.bitcast %get3A_237 : vector<16xi32> to vector<16xi32>
          %get3A_239 = arith.index_cast %while3A_186 : i32 to index
          %get3A_240 = arith.index_cast %add3A_226 : i32 to index
          %get3A_241 = tpu.vector_load %arg8[%get3A_239, %get3A_240] {strides = array<i32>} : memref<2x5136xi32, #tpu.memory_space<vmem>>, vector<16xi32>,
          %bitcast3A_242 = vector.bitcast %get3A_241 : vector<16xi32> to vector<16xi32>
          %sub3A_243 = vector.broadcast %mul3A_2 : i32 to vector<16xi32>
          %sub3A_244 = arith.subi %bitcast3A_242, %sub3A_243 : vector<16xi32>
          %gather3A_245 = tpu.vector_load_idx %arg6[%bitcast3A_238] : memref<100000xf32, #tpu.memory_space<vmem>>[vector<16xi32>], vector<16xf32>,
          %jit3A_246 = arith.constant 0 : i64
          %jit3A_247 = arith.constant 3199 : i64
          %convert_element_type3A_248 = arith.trunci %jit3A_246 : i64 to i32
          %max3A_249 = vector.broadcast %convert_element_type3A_248 : i32 to vector<16xi32>
          %max3A_250 = arith.maxsi %max3A_249, %sub3A_244 : vector<16xi32>
          %convert_element_type3A_251 = arith.trunci %jit3A_247 : i64 to i32
          %min3A_252 = vector.broadcast %convert_element_type3A_251 : i32 to vector<16xi32>
          %min3A_253 = arith.minsi %min3A_252, %max3A_250 : vector<16xi32>
          tpu.vector_store_idx %arg9[%min3A_253], %gather3A_245 masked %and3A_234 {add = true} : memref<3200xf32, #tpu.memory_space<vmem>>[vector<16xi32>], vector<16xf32>, vector<16xi1>
          %add3A_254 = arith.constant 32 : i32
          %add3A_255 = arith.addi %mul3A_199, %add3A_254 : i32
          %add3A_256 = arith.addi %mul3A_184, %add3A_255 : i32
          %add3A_257 = vector.broadcast %add3A_256 : i32 to vector<16xi32>
          %add3A_258 = arith.addi %add3A_257, %iota3A : vector<16xi32>
          %ge3A_259 = vector.broadcast %while3A_17#1 : i32 to vector<16xi32>
          %ge3A_260 = arith.cmpi sge, %add3A_258, %ge3A_259 : vector<16xi32>
          %lt3A_261 = vector.broadcast %while3A_17#3 : i32 to vector<16xi32>
          %lt3A_262 = arith.cmpi slt, %add3A_258, %lt3A_261 : vector<16xi32>
          %and3A_263 = arith.andi %ge3A_260, %lt3A_262 : vector<16xi1>
          %get3A_264 = arith.index_cast %while3A_186 : i32 to index
          %get3A_265 = arith.index_cast %add3A_255 : i32 to index
          %get3A_266 = tpu.vector_load %arg7[%get3A_264, %get3A_265] {strides = array<i32>} : memref<2x5120xi32, #tpu.memory_space<vmem>>, vector<16xi32>,
          %bitcast3A_267 = vector.bitcast %get3A_266 : vector<16xi32> to vector<16xi32>
          %get3A_268 = arith.index_cast %while3A_186 : i32 to index
          %get3A_269 = arith.index_cast %add3A_255 : i32 to index
          %get3A_270 = tpu.vector_load %arg8[%get3A_268, %get3A_269] {strides = array<i32>} : memref<2x5136xi32, #tpu.memory_space<vmem>>, vector<16xi32>,
          %bitcast3A_271 = vector.bitcast %get3A_270 : vector<16xi32> to vector<16xi32>
          %sub3A_272 = vector.broadcast %mul3A_2 : i32 to vector<16xi32>
          %sub3A_273 = arith.subi %bitcast3A_271, %sub3A_272 : vector<16xi32>
          %gather3A_274 = tpu.vector_load_idx %arg6[%bitcast3A_267] : memref<100000xf32, #tpu.memory_space<vmem>>[vector<16xi32>], vector<16xf32>,
          %jit3A_275 = arith.constant 0 : i64
          %jit3A_276 = arith.constant 3199 : i64
          %convert_element_type3A_277 = arith.trunci %jit3A_275 : i64 to i32
          %max3A_278 = vector.broadcast %convert_element_type3A_277 : i32 to vector<16xi32>
          %max3A_279 = arith.maxsi %max3A_278, %sub3A_273 : vector<16xi32>
          %convert_element_type3A_280 = arith.trunci %jit3A_276 : i64 to i32
          %min3A_281 = vector.broadcast %convert_element_type3A_280 : i32 to vector<16xi32>
          %min3A_282 = arith.minsi %min3A_281, %max3A_279 : vector<16xi32>
          tpu.vector_store_idx %arg9[%min3A_282], %gather3A_274 masked %and3A_263 {add = true} : memref<3200xf32, #tpu.memory_space<vmem>>[vector<16xi32>], vector<16xf32>, vector<16xi1>
          %add3A_283 = arith.constant 48 : i32
          %add3A_284 = arith.addi %mul3A_199, %add3A_283 : i32
          %add3A_285 = arith.addi %mul3A_184, %add3A_284 : i32
          %add3A_286 = vector.broadcast %add3A_285 : i32 to vector<16xi32>
          %add3A_287 = arith.addi %add3A_286, %iota3A : vector<16xi32>
          %ge3A_288 = vector.broadcast %while3A_17#1 : i32 to vector<16xi32>
          %ge3A_289 = arith.cmpi sge, %add3A_287, %ge3A_288 : vector<16xi32>
          %lt3A_290 = vector.broadcast %while3A_17#3 : i32 to vector<16xi32>
          %lt3A_291 = arith.cmpi slt, %add3A_287, %lt3A_290 : vector<16xi32>
          %and3A_292 = arith.andi %ge3A_289, %lt3A_291 : vector<16xi1>
          %get3A_293 = arith.index_cast %while3A_186 : i32 to index
          %get3A_294 = arith.index_cast %add3A_284 : i32 to index
          %get3A_295 = tpu.vector_load %arg7[%get3A_293, %get3A_294] {strides = array<i32>} : memref<2x5120xi32, #tpu.memory_space<vmem>>, vector<16xi32>,
          %bitcast3A_296 = vector.bitcast %get3A_295 : vector<16xi32> to vector<16xi32>
          %get3A_297 = arith.index_cast %while3A_186 : i32 to index
          %get3A_298 = arith.index_cast %add3A_284 : i32 to index
          %get3A_299 = tpu.vector_load %arg8[%get3A_297, %get3A_298] {strides = array<i32>} : memref<2x5136xi32, #tpu.memory_space<vmem>>, vector<16xi32>,
          %bitcast3A_300 = vector.bitcast %get3A_299 : vector<16xi32> to vector<16xi32>
          %sub3A_301 = vector.broadcast %mul3A_2 : i32 to vector<16xi32>
          %sub3A_302 = arith.subi %bitcast3A_300, %sub3A_301 : vector<16xi32>
          %gather3A_303 = tpu.vector_load_idx %arg6[%bitcast3A_296] : memref<100000xf32, #tpu.memory_space<vmem>>[vector<16xi32>], vector<16xf32>,
          %jit3A_304 = arith.constant 0 : i64
          %jit3A_305 = arith.constant 3199 : i64
          %convert_element_type3A_306 = arith.trunci %jit3A_304 : i64 to i32
          %max3A_307 = vector.broadcast %convert_element_type3A_306 : i32 to vector<16xi32>
          %max3A_308 = arith.maxsi %max3A_307, %sub3A_302 : vector<16xi32>
          %convert_element_type3A_309 = arith.trunci %jit3A_305 : i64 to i32
          %min3A_310 = vector.broadcast %convert_element_type3A_309 : i32 to vector<16xi32>
          %min3A_311 = arith.minsi %min3A_310, %max3A_308 : vector<16xi32>
          tpu.vector_store_idx %arg9[%min3A_311], %gather3A_303 masked %and3A_292 {add = true} : memref<3200xf32, #tpu.memory_space<vmem>>[vector<16xi32>], vector<16xf32>, vector<16xi1>
        }
      } else {
      }
      %add3A_171 = arith.constant 2 : i32
      %add3A_172 = arith.addi %add3A_135, %add3A_171 : i32
      %lt3A_173 = arith.cmpi slt, %add3A_172, %select_n3A_62 : i32
      %convert_element_type3A_174 = arith.extui %lt3A_173 : i1 to i32
      %cond3A_175 = arith.constant 0 : i32
      %cond3A_176 = arith.cmpi ne, %convert_element_type3A_174, %cond3A_175 : i32
      scf.if %cond3A_176 {
        %add3A_183 = arith.constant 2 : i32
        %add3A_184 = arith.addi %add3A_135, %add3A_183 : i32
        %mul3A_185 = arith.constant 5120 : i32
        %mul3A_186 = arith.muli %add3A_184, %mul3A_185 : i32
        %dma_start3A = arith.constant 0 : i32
        %dma_start3A_187 = arith.constant 0 : i32
        %dma_start3A_188 = tpu.memref_slice %arg7[%dma_start3A, %dma_start3A_187] : memref<2x5120xi32, #tpu.memory_space<vmem>> -> memref<1x5120xi32, #tpu.memory_space<vmem>>
        %dma_start3A_189 = tpu.memref_squeeze %dma_start3A_188 : memref<1x5120xi32, #tpu.memory_space<vmem>> -> memref<5120xi32, #tpu.memory_space<vmem>>
        %dma_start3A_190 = tpu.memref_slice %arg3[%mul3A_186] : memref<6400000xi32, #tpu.memory_space<hbm>> -> memref<5120xi32, #tpu.memory_space<hbm>>
        %dma_start3A_191 = arith.constant 0 : i32
        %dma_start3A_192 = tpu.memref_slice %arg7[%dma_start3A, %dma_start3A_191] : memref<2x5120xi32, #tpu.memory_space<vmem>> -> memref<1x5120xi32, #tpu.memory_space<vmem>>
        %dma_start3A_193 = tpu.memref_squeeze %dma_start3A_192 : memref<1x5120xi32, #tpu.memory_space<vmem>> -> memref<5120xi32, #tpu.memory_space<vmem>>
        %dma_start3A_194 = tpu.memref_slice %arg3[%mul3A_186] : memref<6400000xi32, #tpu.memory_space<hbm>> -> memref<5120xi32, #tpu.memory_space<hbm>>
        tpu.enqueue_dma source(%dma_start3A_194 : memref<5120xi32, #tpu.memory_space<hbm>>) target(%dma_start3A_193 : memref<5120xi32, #tpu.memory_space<vmem>>) target_semaphore(%arg12 : memref<!tpu.dma_semaphore, #tpu.memory_space<semaphore_mem>>)
        %mul3A_195 = arith.constant 5120 : i32
        %mul3A_196 = arith.muli %add3A_184, %mul3A_195 : i32
        %dma_start3A_197 = arith.constant 0 : i32
        %dma_start3A_198 = arith.constant 0 : i32
        %dma_start3A_199 = tpu.memref_slice %arg8[%dma_start3A_197, %dma_start3A_198] : memref<2x5136xi32, #tpu.memory_space<vmem>> -> memref<1x5120xi32, #tpu.memory_space<vmem>>
        %dma_start3A_200 = tpu.memref_squeeze %dma_start3A_199 : memref<1x5120xi32, #tpu.memory_space<vmem>> -> memref<5120xi32, #tpu.memory_space<vmem>>
        %dma_start3A_201 = tpu.memref_slice %arg4[%mul3A_196] : memref<6400000xi32, #tpu.memory_space<hbm>> -> memref<5120xi32, #tpu.memory_space<hbm>>
        %dma_start3A_202 = arith.constant 0 : i32
        %dma_start3A_203 = tpu.memref_slice %arg8[%dma_start3A_197, %dma_start3A_202] : memref<2x5136xi32, #tpu.memory_space<vmem>> -> memref<1x5120xi32, #tpu.memory_space<vmem>>
        %dma_start3A_204 = tpu.memref_squeeze %dma_start3A_203 : memref<1x5120xi32, #tpu.memory_space<vmem>> -> memref<5120xi32, #tpu.memory_space<vmem>>
        %dma_start3A_205 = tpu.memref_slice %arg4[%mul3A_196] : memref<6400000xi32, #tpu.memory_space<hbm>> -> memref<5120xi32, #tpu.memory_space<hbm>>
        tpu.enqueue_dma source(%dma_start3A_205 : memref<5120xi32, #tpu.memory_space<hbm>>) target(%dma_start3A_204 : memref<5120xi32, #tpu.memory_space<vmem>>) target_semaphore(%arg12 : memref<!tpu.dma_semaphore, #tpu.memory_space<semaphore_mem>>)
      } else {
      }
      %add3A_177 = arith.constant 1 : i32
      %add3A_178 = arith.addi %add3A_135, %add3A_177 : i32
      %lt3A_179 = arith.cmpi slt, %add3A_178, %select_n3A_62 : i32
      %convert_element_type3A_180 = arith.extui %lt3A_179 : i1 to i32
      %cond3A_181 = arith.constant 0 : i32
      %cond3A_182 = arith.cmpi ne, %convert_element_type3A_180, %cond3A_181 : i32
      scf.if %cond3A_182 {
        %dma_wait3A_183 = arith.constant 1 : i32
        %dma_wait3A_184 = arith.constant 0 : i32
        %dma_wait3A_185 = tpu.memref_slice %arg7[%dma_wait3A_183, %dma_wait3A_184] : memref<2x5120xi32, #tpu.memory_space<vmem>> -> memref<1x5120xi32, #tpu.memory_space<vmem>>
        %dma_wait3A_186 = tpu.memref_squeeze %dma_wait3A_185 : memref<1x5120xi32, #tpu.memory_space<vmem>> -> memref<5120xi32, #tpu.memory_space<vmem>>
        %dma_wait3A_187 = arith.constant 0 : i32
        %dma_wait3A_188 = tpu.memref_slice %arg3[%dma_wait3A_187] : memref<6400000xi32, #tpu.memory_space<hbm>> -> memref<5120xi32, #tpu.memory_space<hbm>>
        %dma_wait3A_189 = arith.constant 0 : i32
        %dma_wait3A_190 = tpu.memref_slice %arg7[%dma_wait3A_183, %dma_wait3A_189] : memref<2x5120xi32, #tpu.memory_space<vmem>> -> memref<1x5120xi32, #tpu.memory_space<vmem>>
        %dma_wait3A_191 = tpu.memref_squeeze %dma_wait3A_190 : memref<1x5120xi32, #tpu.memory_space<vmem>> -> memref<5120xi32, #tpu.memory_space<vmem>>
        %dma_wait3A_192 = arith.constant 0 : i32
        %dma_wait3A_193 = tpu.memref_slice %arg3[%dma_wait3A_192] : memref<6400000xi32, #tpu.memory_space<hbm>> -> memref<5120xi32, #tpu.memory_space<hbm>>
        tpu.wait_dma2 semaphore(%arg13 : memref<!tpu.dma_semaphore, #tpu.memory_space<semaphore_mem>>) src(%dma_wait3A_193 : memref<5120xi32, #tpu.memory_space<hbm>>) dst(%dma_wait3A_191 : memref<5120xi32, #tpu.memory_space<vmem>>)
        %dma_wait3A_194 = arith.constant 1 : i32
        %dma_wait3A_195 = arith.constant 0 : i32
        %dma_wait3A_196 = tpu.memref_slice %arg8[%dma_wait3A_194, %dma_wait3A_195] : memref<2x5136xi32, #tpu.memory_space<vmem>> -> memref<1x5120xi32, #tpu.memory_space<vmem>>
        %dma_wait3A_197 = tpu.memref_squeeze %dma_wait3A_196 : memref<1x5120xi32, #tpu.memory_space<vmem>> -> memref<5120xi32, #tpu.memory_space<vmem>>
        %dma_wait3A_198 = arith.constant 0 : i32
        %dma_wait3A_199 = tpu.memref_slice %arg4[%dma_wait3A_198] : memref<6400000xi32, #tpu.memory_space<hbm>> -> memref<5120xi32, #tpu.memory_space<hbm>>
        %dma_wait3A_200 = arith.constant 0 : i32
        %dma_wait3A_201 = tpu.memref_slice %arg8[%dma_wait3A_194, %dma_wait3A_200] : memref<2x5136xi32, #tpu.memory_space<vmem>> -> memref<1x5120xi32, #tpu.memory_space<vmem>>
        %dma_wait3A_202 = tpu.memref_squeeze %dma_wait3A_201 : memref<1x5120xi32, #tpu.memory_space<vmem>> -> memref<5120xi32, #tpu.memory_space<vmem>>
        %dma_wait3A_203 = arith.constant 0 : i32
        %dma_wait3A_204 = tpu.memref_slice %arg4[%dma_wait3A_203] : memref<6400000xi32, #tpu.memory_space<hbm>> -> memref<5120xi32, #tpu.memory_space<hbm>>
        tpu.wait_dma2 semaphore(%arg13 : memref<!tpu.dma_semaphore, #tpu.memory_space<semaphore_mem>>) src(%dma_wait3A_204 : memref<5120xi32, #tpu.memory_space<hbm>>) dst(%dma_wait3A_202 : memref<5120xi32, #tpu.memory_space<vmem>>)
        %add3A_205 = arith.constant 1 : i32
        %add3A_206 = arith.addi %add3A_135, %add3A_205 : i32
        %mul3A_207 = arith.constant 5120 : i32
        %mul3A_208 = arith.muli %add3A_206, %mul3A_207 : i32
        %ge3A_209 = arith.cmpi sge, %mul3A_208, %while3A_17#1 : i32
        %add3A_210 = arith.constant 1 : i32
        %add3A_211 = arith.addi %add3A_206, %add3A_210 : i32
        %mul3A_212 = arith.constant 5120 : i32
        %mul3A_213 = arith.muli %add3A_211, %mul3A_212 : i32
        %le3A_214 = arith.cmpi sle, %mul3A_213, %while3A_17#3 : i32
        %and3A_215 = arith.andi %ge3A_209, %le3A_214 : i1
        %convert_element_type3A_216 = arith.extui %and3A_215 : i1 to i32
        %cond3A_217 = arith.constant 0 : i32
        %cond3A_218 = arith.cmpi ne, %convert_element_type3A_216, %cond3A_217 : i32
        scf.if %cond3A_218 {
          %parallel_loop3A = arith.constant 0 : i32
          %parallel_loop3A_230 = arith.constant 320 : i32
          %parallel_loop3A_231 = arith.constant 1 : i32
          %parallel_loop3A_232 = arith.constant 1 : i32
          scf.for %parallel_loop3A_233 = %parallel_loop3A to %parallel_loop3A_230 step %parallel_loop3A_231  : i32 {
            %parallel_loop3A_234 = arith.constant 16 : i32
            %parallel_loop3A_235 = arith.muli %parallel_loop3A_233, %parallel_loop3A_234 : i32
            %parallel_loop3A_236 = arith.index_cast %parallel_loop3A_232 : i32 to index
            %parallel_loop3A_237 = arith.index_cast %parallel_loop3A_235 : i32 to index
            %parallel_loop3A_238 = tpu.vector_load %arg7[%parallel_loop3A_236, %parallel_loop3A_237] {strides = array<i32>} : memref<2x5120xi32, #tpu.memory_space<vmem>>, vector<16xi32>,
            %parallel_loop3A_239 = vector.bitcast %parallel_loop3A_238 : vector<16xi32> to vector<16xi32>
            %parallel_loop3A_240 = arith.index_cast %parallel_loop3A_232 : i32 to index
            %parallel_loop3A_241 = arith.index_cast %parallel_loop3A_235 : i32 to index
            %parallel_loop3A_242 = tpu.vector_load %arg8[%parallel_loop3A_240, %parallel_loop3A_241] {strides = array<i32>} : memref<2x5136xi32, #tpu.memory_space<vmem>>, vector<16xi32>,
            %parallel_loop3A_243 = arith.constant 1 : i32
            %parallel_loop3A_244 = arith.addi %parallel_loop3A_235, %parallel_loop3A_243 : i32
            %parallel_loop3A_245 = arith.index_cast %parallel_loop3A_232 : i32 to index
            %parallel_loop3A_246 = arith.index_cast %parallel_loop3A_244 : i32 to index
            %parallel_loop3A_247 = tpu.vector_load %arg8[%parallel_loop3A_245, %parallel_loop3A_246] {strides = array<i32>} : memref<2x5136xi32, #tpu.memory_space<vmem>>, vector<16xi32>,
            %parallel_loop3A_248 = tpu.vector_load_idx %arg6[%parallel_loop3A_239] : memref<100000xf32, #tpu.memory_space<vmem>>[vector<16xi32>], vector<16xf32>,
            %parallel_loop3A_249 = arith.cmpi ne, %parallel_loop3A_242, %parallel_loop3A_247 : vector<16xi32>
            %parallel_loop3A_250 = arith.ori %parallel_loop3A_249, %eq3A_84 : vector<16xi1>
            %parallel_loop3A_251 = arith.constant true
            %parallel_loop3A_252 = vector.broadcast %parallel_loop3A_251 : i1 to vector<16xi1>
            %parallel_loop3A_253 = tpu.scan <sum>, %parallel_loop3A_248 masked %parallel_loop3A_252 : vector<16xf32>, vector<16xi1> -> vector<16xf32>
            %parallel_loop3A_254 = vector.broadcast %while3A_122 : f32 to vector<16xf32>
            %parallel_loop3A_255 = arith.select %parallel_loop3A_250, %parallel_loop3A_253, %parallel_loop3A_254 : vector<16xi1>, vector<16xf32>
            %parallel_loop3A_256 = arith.constant true
            %parallel_loop3A_257 = vector.broadcast %parallel_loop3A_256 : i1 to vector<16xi1>
            %parallel_loop3A_258 = tpu.scan <max>, %parallel_loop3A_255 masked %parallel_loop3A_257 : vector<16xf32>, vector<16xi1> -> vector<16xf32>
            %parallel_loop3A_259 = arith.constant 0 : i32
            %parallel_loop3A_260 = vector.broadcast %parallel_loop3A_259 : i32 to vector<16xi32>
            %parallel_loop3A_261 = arith.cmpi slt, %max3A_92, %parallel_loop3A_260 : vector<16xi32>
            %parallel_loop3A_262 = arith.constant 16 : i32
            %parallel_loop3A_263 = vector.broadcast %parallel_loop3A_262 : i32 to vector<16xi32>
            %parallel_loop3A_264 = arith.addi %max3A_92, %parallel_loop3A_263 : vector<16xi32>
            %parallel_loop3A_265 = arith.select %parallel_loop3A_261, %parallel_loop3A_264, %max3A_92 : vector<16xi1>, vector<16xi32>
            %parallel_loop3A_266 = vector.shape_cast %parallel_loop3A_265 : vector<16xi32> to vector<16x1xi32>
            %parallel_loop3A_267 = vector.shape_cast %parallel_loop3A_266 : vector<16x1xi32> to vector<16xi32>
            %parallel_loop3A_268 = tpu.dynamic_gather %parallel_loop3A_258[%parallel_loop3A_267] in [0] : vector<16xf32>, vector<16xi32> -> vector<16xf32>
            %parallel_loop3A_269 = vector.broadcast %while3A_122 : f32 to vector<16xf32>
            %parallel_loop3A_270 = arith.select %eq3A_87, %parallel_loop3A_269, %parallel_loop3A_268 : vector<16xi1>, vector<16xf32>
            %parallel_loop3A_271 = vector.bitcast %parallel_loop3A_242 : vector<16xi32> to vector<16xi32>
            %parallel_loop3A_272 = vector.broadcast %mul3A_2 : i32 to vector<16xi32>
            %parallel_loop3A_273 = arith.subi %parallel_loop3A_271, %parallel_loop3A_272 : vector<16xi32>
            %parallel_loop3A_274 = arith.subf %parallel_loop3A_253, %parallel_loop3A_270 : vector<16xf32>
            tpu.vector_store_idx %arg9[%parallel_loop3A_273], %parallel_loop3A_274 masked %parallel_loop3A_250 {add = true} : memref<3200xf32, #tpu.memory_space<vmem>>[vector<16xi32>], vector<16xf32>, vector<16xi1>
          } {sc.loop_unroll_factor = 8 : i64, sc.parallel_access}
        } else {
        }
        %not3A_219 = arith.constant true
        %not3A_220 = arith.xori %and3A_215, %not3A_219 : i1
        %convert_element_type3A_221 = arith.extui %not3A_220 : i1 to i32
        %cond3A_222 = arith.constant 0 : i32
        %cond3A_223 = arith.cmpi ne, %convert_element_type3A_221, %cond3A_222 : i32
        scf.if %cond3A_223 {
          %mul3A_230 = arith.constant 5120 : i32
          %mul3A_231 = arith.muli %add3A_206, %mul3A_230 : i32
          %while3A_232 = arith.constant 0 : i32
          %while3A_233 = arith.constant 1 : i32
          %while3A_234 = arith.constant 0 : i32
          %while3A_235 = arith.constant 80 : i32
          %while3A_236 = arith.subi %while3A_235, %while3A_234 : i32
          %while3A_237 = arith.addi %while3A_234, %while3A_236 : i32
          %while3A_238 = arith.constant 1 : i32
          %while3A_239 = arith.divsi %while3A_236, %while3A_238 : i32
          %while3A_240 = arith.muli %while3A_239, %while3A_238 : i32
          %while3A_241 = arith.addi %while3A_234, %while3A_240 : i32
          %while3A_242 = arith.constant 1 : i32
          scf.for %while3A_244 = %while3A_234 to %while3A_241 step %while3A_242  : i32 {
            %mul3A_245 = arith.constant 64 : i32
            %mul3A_246 = arith.muli %while3A_244, %mul3A_245 : i32
            %add3A_247 = arith.constant 0 : i32
            %add3A_248 = arith.addi %mul3A_246, %add3A_247 : i32
            %add3A_249 = arith.addi %mul3A_231, %add3A_248 : i32
            %add3A_250 = vector.broadcast %add3A_249 : i32 to vector<16xi32>
            %add3A_251 = arith.addi %add3A_250, %iota3A : vector<16xi32>
            %ge3A_252 = vector.broadcast %while3A_17#1 : i32 to vector<16xi32>
            %ge3A_253 = arith.cmpi sge, %add3A_251, %ge3A_252 : vector<16xi32>
            %lt3A_254 = vector.broadcast %while3A_17#3 : i32 to vector<16xi32>
            %lt3A_255 = arith.cmpi slt, %add3A_251, %lt3A_254 : vector<16xi32>
            %and3A_256 = arith.andi %ge3A_253, %lt3A_255 : vector<16xi1>
            %get3A = arith.index_cast %while3A_233 : i32 to index
            %get3A_257 = arith.index_cast %add3A_248 : i32 to index
            %get3A_258 = tpu.vector_load %arg7[%get3A, %get3A_257] {strides = array<i32>} : memref<2x5120xi32, #tpu.memory_space<vmem>>, vector<16xi32>,
            %bitcast3A = vector.bitcast %get3A_258 : vector<16xi32> to vector<16xi32>
            %get3A_259 = arith.index_cast %while3A_233 : i32 to index
            %get3A_260 = arith.index_cast %add3A_248 : i32 to index
            %get3A_261 = tpu.vector_load %arg8[%get3A_259, %get3A_260] {strides = array<i32>} : memref<2x5136xi32, #tpu.memory_space<vmem>>, vector<16xi32>,
            %bitcast3A_262 = vector.bitcast %get3A_261 : vector<16xi32> to vector<16xi32>
            %sub3A_263 = vector.broadcast %mul3A_2 : i32 to vector<16xi32>
            %sub3A_264 = arith.subi %bitcast3A_262, %sub3A_263 : vector<16xi32>
            %gather3A = tpu.vector_load_idx %arg6[%bitcast3A] : memref<100000xf32, #tpu.memory_space<vmem>>[vector<16xi32>], vector<16xf32>,
            %jit3A_265 = arith.constant 0 : i64
            %jit3A_266 = arith.constant 3199 : i64
            %convert_element_type3A_267 = arith.trunci %jit3A_265 : i64 to i32
            %max3A_268 = vector.broadcast %convert_element_type3A_267 : i32 to vector<16xi32>
            %max3A_269 = arith.maxsi %max3A_268, %sub3A_264 : vector<16xi32>
            %convert_element_type3A_270 = arith.trunci %jit3A_266 : i64 to i32
            %min3A = vector.broadcast %convert_element_type3A_270 : i32 to vector<16xi32>
            %min3A_271 = arith.minsi %min3A, %max3A_269 : vector<16xi32>
            tpu.vector_store_idx %arg9[%min3A_271], %gather3A masked %and3A_256 {add = true} : memref<3200xf32, #tpu.memory_space<vmem>>[vector<16xi32>], vector<16xf32>, vector<16xi1>
            %add3A_272 = arith.constant 16 : i32
            %add3A_273 = arith.addi %mul3A_246, %add3A_272 : i32
            %add3A_274 = arith.addi %mul3A_231, %add3A_273 : i32
            %add3A_275 = vector.broadcast %add3A_274 : i32 to vector<16xi32>
            %add3A_276 = arith.addi %add3A_275, %iota3A : vector<16xi32>
            %ge3A_277 = vector.broadcast %while3A_17#1 : i32 to vector<16xi32>
            %ge3A_278 = arith.cmpi sge, %add3A_276, %ge3A_277 : vector<16xi32>
            %lt3A_279 = vector.broadcast %while3A_17#3 : i32 to vector<16xi32>
            %lt3A_280 = arith.cmpi slt, %add3A_276, %lt3A_279 : vector<16xi32>
            %and3A_281 = arith.andi %ge3A_278, %lt3A_280 : vector<16xi1>
            %get3A_282 = arith.index_cast %while3A_233 : i32 to index
            %get3A_283 = arith.index_cast %add3A_273 : i32 to index
            %get3A_284 = tpu.vector_load %arg7[%get3A_282, %get3A_283] {strides = array<i32>} : memref<2x5120xi32, #tpu.memory_space<vmem>>, vector<16xi32>,
            %bitcast3A_285 = vector.bitcast %get3A_284 : vector<16xi32> to vector<16xi32>
            %get3A_286 = arith.index_cast %while3A_233 : i32 to index
            %get3A_287 = arith.index_cast %add3A_273 : i32 to index
            %get3A_288 = tpu.vector_load %arg8[%get3A_286, %get3A_287] {strides = array<i32>} : memref<2x5136xi32, #tpu.memory_space<vmem>>, vector<16xi32>,
            %bitcast3A_289 = vector.bitcast %get3A_288 : vector<16xi32> to vector<16xi32>
            %sub3A_290 = vector.broadcast %mul3A_2 : i32 to vector<16xi32>
            %sub3A_291 = arith.subi %bitcast3A_289, %sub3A_290 : vector<16xi32>
            %gather3A_292 = tpu.vector_load_idx %arg6[%bitcast3A_285] : memref<100000xf32, #tpu.memory_space<vmem>>[vector<16xi32>], vector<16xf32>,
            %jit3A_293 = arith.constant 0 : i64
            %jit3A_294 = arith.constant 3199 : i64
            %convert_element_type3A_295 = arith.trunci %jit3A_293 : i64 to i32
            %max3A_296 = vector.broadcast %convert_element_type3A_295 : i32 to vector<16xi32>
            %max3A_297 = arith.maxsi %max3A_296, %sub3A_291 : vector<16xi32>
            %convert_element_type3A_298 = arith.trunci %jit3A_294 : i64 to i32
            %min3A_299 = vector.broadcast %convert_element_type3A_298 : i32 to vector<16xi32>
            %min3A_300 = arith.minsi %min3A_299, %max3A_297 : vector<16xi32>
            tpu.vector_store_idx %arg9[%min3A_300], %gather3A_292 masked %and3A_281 {add = true} : memref<3200xf32, #tpu.memory_space<vmem>>[vector<16xi32>], vector<16xf32>, vector<16xi1>
            %add3A_301 = arith.constant 32 : i32
            %add3A_302 = arith.addi %mul3A_246, %add3A_301 : i32
            %add3A_303 = arith.addi %mul3A_231, %add3A_302 : i32
            %add3A_304 = vector.broadcast %add3A_303 : i32 to vector<16xi32>
            %add3A_305 = arith.addi %add3A_304, %iota3A : vector<16xi32>
            %ge3A_306 = vector.broadcast %while3A_17#1 : i32 to vector<16xi32>
            %ge3A_307 = arith.cmpi sge, %add3A_305, %ge3A_306 : vector<16xi32>
            %lt3A_308 = vector.broadcast %while3A_17#3 : i32 to vector<16xi32>
            %lt3A_309 = arith.cmpi slt, %add3A_305, %lt3A_308 : vector<16xi32>
            %and3A_310 = arith.andi %ge3A_307, %lt3A_309 : vector<16xi1>
            %get3A_311 = arith.index_cast %while3A_233 : i32 to index
            %get3A_312 = arith.index_cast %add3A_302 : i32 to index
            %get3A_313 = tpu.vector_load %arg7[%get3A_311, %get3A_312] {strides = array<i32>} : memref<2x5120xi32, #tpu.memory_space<vmem>>, vector<16xi32>,
            %bitcast3A_314 = vector.bitcast %get3A_313 : vector<16xi32> to vector<16xi32>
            %get3A_315 = arith.index_cast %while3A_233 : i32 to index
            %get3A_316 = arith.index_cast %add3A_302 : i32 to index
            %get3A_317 = tpu.vector_load %arg8[%get3A_315, %get3A_316] {strides = array<i32>} : memref<2x5136xi32, #tpu.memory_space<vmem>>, vector<16xi32>,
            %bitcast3A_318 = vector.bitcast %get3A_317 : vector<16xi32> to vector<16xi32>
            %sub3A_319 = vector.broadcast %mul3A_2 : i32 to vector<16xi32>
            %sub3A_320 = arith.subi %bitcast3A_318, %sub3A_319 : vector<16xi32>
            %gather3A_321 = tpu.vector_load_idx %arg6[%bitcast3A_314] : memref<100000xf32, #tpu.memory_space<vmem>>[vector<16xi32>], vector<16xf32>,
            %jit3A_322 = arith.constant 0 : i64
            %jit3A_323 = arith.constant 3199 : i64
            %convert_element_type3A_324 = arith.trunci %jit3A_322 : i64 to i32
            %max3A_325 = vector.broadcast %convert_element_type3A_324 : i32 to vector<16xi32>
            %max3A_326 = arith.maxsi %max3A_325, %sub3A_320 : vector<16xi32>
            %convert_element_type3A_327 = arith.trunci %jit3A_323 : i64 to i32
            %min3A_328 = vector.broadcast %convert_element_type3A_327 : i32 to vector<16xi32>
            %min3A_329 = arith.minsi %min3A_328, %max3A_326 : vector<16xi32>
            tpu.vector_store_idx %arg9[%min3A_329], %gather3A_321 masked %and3A_310 {add = true} : memref<3200xf32, #tpu.memory_space<vmem>>[vector<16xi32>], vector<16xf32>, vector<16xi1>
            %add3A_330 = arith.constant 48 : i32
            %add3A_331 = arith.addi %mul3A_246, %add3A_330 : i32
            %add3A_332 = arith.addi %mul3A_231, %add3A_331 : i32
            %add3A_333 = vector.broadcast %add3A_332 : i32 to vector<16xi32>
            %add3A_334 = arith.addi %add3A_333, %iota3A : vector<16xi32>
            %ge3A_335 = vector.broadcast %while3A_17#1 : i32 to vector<16xi32>
            %ge3A_336 = arith.cmpi sge, %add3A_334, %ge3A_335 : vector<16xi32>
            %lt3A_337 = vector.broadcast %while3A_17#3 : i32 to vector<16xi32>
            %lt3A_338 = arith.cmpi slt, %add3A_334, %lt3A_337 : vector<16xi32>
            %and3A_339 = arith.andi %ge3A_336, %lt3A_338 : vector<16xi1>
            %get3A_340 = arith.index_cast %while3A_233 : i32 to index
            %get3A_341 = arith.index_cast %add3A_331 : i32 to index
            %get3A_342 = tpu.vector_load %arg7[%get3A_340, %get3A_341] {strides = array<i32>} : memref<2x5120xi32, #tpu.memory_space<vmem>>, vector<16xi32>,
            %bitcast3A_343 = vector.bitcast %get3A_342 : vector<16xi32> to vector<16xi32>
            %get3A_344 = arith.index_cast %while3A_233 : i32 to index
            %get3A_345 = arith.index_cast %add3A_331 : i32 to index
            %get3A_346 = tpu.vector_load %arg8[%get3A_344, %get3A_345] {strides = array<i32>} : memref<2x5136xi32, #tpu.memory_space<vmem>>, vector<16xi32>,
            %bitcast3A_347 = vector.bitcast %get3A_346 : vector<16xi32> to vector<16xi32>
            %sub3A_348 = vector.broadcast %mul3A_2 : i32 to vector<16xi32>
            %sub3A_349 = arith.subi %bitcast3A_347, %sub3A_348 : vector<16xi32>
            %gather3A_350 = tpu.vector_load_idx %arg6[%bitcast3A_343] : memref<100000xf32, #tpu.memory_space<vmem>>[vector<16xi32>], vector<16xf32>,
            %jit3A_351 = arith.constant 0 : i64
            %jit3A_352 = arith.constant 3199 : i64
            %convert_element_type3A_353 = arith.trunci %jit3A_351 : i64 to i32
            %max3A_354 = vector.broadcast %convert_element_type3A_353 : i32 to vector<16xi32>
            %max3A_355 = arith.maxsi %max3A_354, %sub3A_349 : vector<16xi32>
            %convert_element_type3A_356 = arith.trunci %jit3A_352 : i64 to i32
            %min3A_357 = vector.broadcast %convert_element_type3A_356 : i32 to vector<16xi32>
            %min3A_358 = arith.minsi %min3A_357, %max3A_355 : vector<16xi32>
            tpu.vector_store_idx %arg9[%min3A_358], %gather3A_350 masked %and3A_339 {add = true} : memref<3200xf32, #tpu.memory_space<vmem>>[vector<16xi32>], vector<16xf32>, vector<16xi1>
          }
          %while3A_243 = arith.constant 1 : i32
          scf.for %while3A_244 = %while3A_241 to %while3A_237 step %while3A_243  : i32 {
            %mul3A_245 = arith.constant 64 : i32
            %mul3A_246 = arith.muli %while3A_244, %mul3A_245 : i32
            %add3A_247 = arith.constant 0 : i32
            %add3A_248 = arith.addi %mul3A_246, %add3A_247 : i32
            %add3A_249 = arith.addi %mul3A_231, %add3A_248 : i32
            %add3A_250 = vector.broadcast %add3A_249 : i32 to vector<16xi32>
            %add3A_251 = arith.addi %add3A_250, %iota3A : vector<16xi32>
            %ge3A_252 = vector.broadcast %while3A_17#1 : i32 to vector<16xi32>
            %ge3A_253 = arith.cmpi sge, %add3A_251, %ge3A_252 : vector<16xi32>
            %lt3A_254 = vector.broadcast %while3A_17#3 : i32 to vector<16xi32>
            %lt3A_255 = arith.cmpi slt, %add3A_251, %lt3A_254 : vector<16xi32>
            %and3A_256 = arith.andi %ge3A_253, %lt3A_255 : vector<16xi1>
            %get3A = arith.index_cast %while3A_233 : i32 to index
            %get3A_257 = arith.index_cast %add3A_248 : i32 to index
            %get3A_258 = tpu.vector_load %arg7[%get3A, %get3A_257] {strides = array<i32>} : memref<2x5120xi32, #tpu.memory_space<vmem>>, vector<16xi32>,
            %bitcast3A = vector.bitcast %get3A_258 : vector<16xi32> to vector<16xi32>
            %get3A_259 = arith.index_cast %while3A_233 : i32 to index
            %get3A_260 = arith.index_cast %add3A_248 : i32 to index
            %get3A_261 = tpu.vector_load %arg8[%get3A_259, %get3A_260] {strides = array<i32>} : memref<2x5136xi32, #tpu.memory_space<vmem>>, vector<16xi32>,
            %bitcast3A_262 = vector.bitcast %get3A_261 : vector<16xi32> to vector<16xi32>
            %sub3A_263 = vector.broadcast %mul3A_2 : i32 to vector<16xi32>
            %sub3A_264 = arith.subi %bitcast3A_262, %sub3A_263 : vector<16xi32>
            %gather3A = tpu.vector_load_idx %arg6[%bitcast3A] : memref<100000xf32, #tpu.memory_space<vmem>>[vector<16xi32>], vector<16xf32>,
            %jit3A_265 = arith.constant 0 : i64
            %jit3A_266 = arith.constant 3199 : i64
            %convert_element_type3A_267 = arith.trunci %jit3A_265 : i64 to i32
            %max3A_268 = vector.broadcast %convert_element_type3A_267 : i32 to vector<16xi32>
            %max3A_269 = arith.maxsi %max3A_268, %sub3A_264 : vector<16xi32>
            %convert_element_type3A_270 = arith.trunci %jit3A_266 : i64 to i32
            %min3A = vector.broadcast %convert_element_type3A_270 : i32 to vector<16xi32>
            %min3A_271 = arith.minsi %min3A, %max3A_269 : vector<16xi32>
            tpu.vector_store_idx %arg9[%min3A_271], %gather3A masked %and3A_256 {add = true} : memref<3200xf32, #tpu.memory_space<vmem>>[vector<16xi32>], vector<16xf32>, vector<16xi1>
            %add3A_272 = arith.constant 16 : i32
            %add3A_273 = arith.addi %mul3A_246, %add3A_272 : i32
            %add3A_274 = arith.addi %mul3A_231, %add3A_273 : i32
            %add3A_275 = vector.broadcast %add3A_274 : i32 to vector<16xi32>
            %add3A_276 = arith.addi %add3A_275, %iota3A : vector<16xi32>
            %ge3A_277 = vector.broadcast %while3A_17#1 : i32 to vector<16xi32>
            %ge3A_278 = arith.cmpi sge, %add3A_276, %ge3A_277 : vector<16xi32>
            %lt3A_279 = vector.broadcast %while3A_17#3 : i32 to vector<16xi32>
            %lt3A_280 = arith.cmpi slt, %add3A_276, %lt3A_279 : vector<16xi32>
            %and3A_281 = arith.andi %ge3A_278, %lt3A_280 : vector<16xi1>
            %get3A_282 = arith.index_cast %while3A_233 : i32 to index
            %get3A_283 = arith.index_cast %add3A_273 : i32 to index
            %get3A_284 = tpu.vector_load %arg7[%get3A_282, %get3A_283] {strides = array<i32>} : memref<2x5120xi32, #tpu.memory_space<vmem>>, vector<16xi32>,
            %bitcast3A_285 = vector.bitcast %get3A_284 : vector<16xi32> to vector<16xi32>
            %get3A_286 = arith.index_cast %while3A_233 : i32 to index
            %get3A_287 = arith.index_cast %add3A_273 : i32 to index
            %get3A_288 = tpu.vector_load %arg8[%get3A_286, %get3A_287] {strides = array<i32>} : memref<2x5136xi32, #tpu.memory_space<vmem>>, vector<16xi32>,
            %bitcast3A_289 = vector.bitcast %get3A_288 : vector<16xi32> to vector<16xi32>
            %sub3A_290 = vector.broadcast %mul3A_2 : i32 to vector<16xi32>
            %sub3A_291 = arith.subi %bitcast3A_289, %sub3A_290 : vector<16xi32>
            %gather3A_292 = tpu.vector_load_idx %arg6[%bitcast3A_285] : memref<100000xf32, #tpu.memory_space<vmem>>[vector<16xi32>], vector<16xf32>,
            %jit3A_293 = arith.constant 0 : i64
            %jit3A_294 = arith.constant 3199 : i64
            %convert_element_type3A_295 = arith.trunci %jit3A_293 : i64 to i32
            %max3A_296 = vector.broadcast %convert_element_type3A_295 : i32 to vector<16xi32>
            %max3A_297 = arith.maxsi %max3A_296, %sub3A_291 : vector<16xi32>
            %convert_element_type3A_298 = arith.trunci %jit3A_294 : i64 to i32
            %min3A_299 = vector.broadcast %convert_element_type3A_298 : i32 to vector<16xi32>
            %min3A_300 = arith.minsi %min3A_299, %max3A_297 : vector<16xi32>
            tpu.vector_store_idx %arg9[%min3A_300], %gather3A_292 masked %and3A_281 {add = true} : memref<3200xf32, #tpu.memory_space<vmem>>[vector<16xi32>], vector<16xf32>, vector<16xi1>
            %add3A_301 = arith.constant 32 : i32
            %add3A_302 = arith.addi %mul3A_246, %add3A_301 : i32
            %add3A_303 = arith.addi %mul3A_231, %add3A_302 : i32
            %add3A_304 = vector.broadcast %add3A_303 : i32 to vector<16xi32>
            %add3A_305 = arith.addi %add3A_304, %iota3A : vector<16xi32>
            %ge3A_306 = vector.broadcast %while3A_17#1 : i32 to vector<16xi32>
            %ge3A_307 = arith.cmpi sge, %add3A_305, %ge3A_306 : vector<16xi32>
            %lt3A_308 = vector.broadcast %while3A_17#3 : i32 to vector<16xi32>
            %lt3A_309 = arith.cmpi slt, %add3A_305, %lt3A_308 : vector<16xi32>
            %and3A_310 = arith.andi %ge3A_307, %lt3A_309 : vector<16xi1>
            %get3A_311 = arith.index_cast %while3A_233 : i32 to index
            %get3A_312 = arith.index_cast %add3A_302 : i32 to index
            %get3A_313 = tpu.vector_load %arg7[%get3A_311, %get3A_312] {strides = array<i32>} : memref<2x5120xi32, #tpu.memory_space<vmem>>, vector<16xi32>,
            %bitcast3A_314 = vector.bitcast %get3A_313 : vector<16xi32> to vector<16xi32>
            %get3A_315 = arith.index_cast %while3A_233 : i32 to index
            %get3A_316 = arith.index_cast %add3A_302 : i32 to index
            %get3A_317 = tpu.vector_load %arg8[%get3A_315, %get3A_316] {strides = array<i32>} : memref<2x5136xi32, #tpu.memory_space<vmem>>, vector<16xi32>,
            %bitcast3A_318 = vector.bitcast %get3A_317 : vector<16xi32> to vector<16xi32>
            %sub3A_319 = vector.broadcast %mul3A_2 : i32 to vector<16xi32>
            %sub3A_320 = arith.subi %bitcast3A_318, %sub3A_319 : vector<16xi32>
            %gather3A_321 = tpu.vector_load_idx %arg6[%bitcast3A_314] : memref<100000xf32, #tpu.memory_space<vmem>>[vector<16xi32>], vector<16xf32>,
            %jit3A_322 = arith.constant 0 : i64
            %jit3A_323 = arith.constant 3199 : i64
            %convert_element_type3A_324 = arith.trunci %jit3A_322 : i64 to i32
            %max3A_325 = vector.broadcast %convert_element_type3A_324 : i32 to vector<16xi32>
            %max3A_326 = arith.maxsi %max3A_325, %sub3A_320 : vector<16xi32>
            %convert_element_type3A_327 = arith.trunci %jit3A_323 : i64 to i32
            %min3A_328 = vector.broadcast %convert_element_type3A_327 : i32 to vector<16xi32>
            %min3A_329 = arith.minsi %min3A_328, %max3A_326 : vector<16xi32>
            tpu.vector_store_idx %arg9[%min3A_329], %gather3A_321 masked %and3A_310 {add = true} : memref<3200xf32, #tpu.memory_space<vmem>>[vector<16xi32>], vector<16xf32>, vector<16xi1>
            %add3A_330 = arith.constant 48 : i32
            %add3A_331 = arith.addi %mul3A_246, %add3A_330 : i32
            %add3A_332 = arith.addi %mul3A_231, %add3A_331 : i32
            %add3A_333 = vector.broadcast %add3A_332 : i32 to vector<16xi32>
            %add3A_334 = arith.addi %add3A_333, %iota3A : vector<16xi32>
            %ge3A_335 = vector.broadcast %while3A_17#1 : i32 to vector<16xi32>
            %ge3A_336 = arith.cmpi sge, %add3A_334, %ge3A_335 : vector<16xi32>
            %lt3A_337 = vector.broadcast %while3A_17#3 : i32 to vector<16xi32>
            %lt3A_338 = arith.cmpi slt, %add3A_334, %lt3A_337 : vector<16xi32>
            %and3A_339 = arith.andi %ge3A_336, %lt3A_338 : vector<16xi1>
            %get3A_340 = arith.index_cast %while3A_233 : i32 to index
            %get3A_341 = arith.index_cast %add3A_331 : i32 to index
            %get3A_342 = tpu.vector_load %arg7[%get3A_340, %get3A_341] {strides = array<i32>} : memref<2x5120xi32, #tpu.memory_space<vmem>>, vector<16xi32>,
            %bitcast3A_343 = vector.bitcast %get3A_342 : vector<16xi32> to vector<16xi32>
            %get3A_344 = arith.index_cast %while3A_233 : i32 to index
            %get3A_345 = arith.index_cast %add3A_331 : i32 to index
            %get3A_346 = tpu.vector_load %arg8[%get3A_344, %get3A_345] {strides = array<i32>} : memref<2x5136xi32, #tpu.memory_space<vmem>>, vector<16xi32>,
            %bitcast3A_347 = vector.bitcast %get3A_346 : vector<16xi32> to vector<16xi32>
            %sub3A_348 = vector.broadcast %mul3A_2 : i32 to vector<16xi32>
            %sub3A_349 = arith.subi %bitcast3A_347, %sub3A_348 : vector<16xi32>
            %gather3A_350 = tpu.vector_load_idx %arg6[%bitcast3A_343] : memref<100000xf32, #tpu.memory_space<vmem>>[vector<16xi32>], vector<16xf32>,
            %jit3A_351 = arith.constant 0 : i64
            %jit3A_352 = arith.constant 3199 : i64
            %convert_element_type3A_353 = arith.trunci %jit3A_351 : i64 to i32
            %max3A_354 = vector.broadcast %convert_element_type3A_353 : i32 to vector<16xi32>
            %max3A_355 = arith.maxsi %max3A_354, %sub3A_349 : vector<16xi32>
            %convert_element_type3A_356 = arith.trunci %jit3A_352 : i64 to i32
            %min3A_357 = vector.broadcast %convert_element_type3A_356 : i32 to vector<16xi32>
            %min3A_358 = arith.minsi %min3A_357, %max3A_355 : vector<16xi32>
            tpu.vector_store_idx %arg9[%min3A_358], %gather3A_350 masked %and3A_339 {add = true} : memref<3200xf32, #tpu.memory_space<vmem>>[vector<16xi32>], vector<16xf32>, vector<16xi1>
          }
        } else {
        }
        %add3A_224 = arith.constant 3 : i32
        %add3A_225 = arith.addi %add3A_135, %add3A_224 : i32
        %lt3A_226 = arith.cmpi slt, %add3A_225, %select_n3A_62 : i32
        %convert_element_type3A_227 = arith.extui %lt3A_226 : i1 to i32
        %cond3A_228 = arith.constant 0 : i32
        %cond3A_229 = arith.cmpi ne, %convert_element_type3A_227, %cond3A_228 : i32
        scf.if %cond3A_229 {
          %add3A_230 = arith.constant 3 : i32
          %add3A_231 = arith.addi %add3A_135, %add3A_230 : i32
          %mul3A_232 = arith.constant 5120 : i32
          %mul3A_233 = arith.muli %add3A_231, %mul3A_232 : i32
          %dma_start3A = arith.constant 1 : i32
          %dma_start3A_234 = arith.constant 0 : i32
          %dma_start3A_235 = tpu.memref_slice %arg7[%dma_start3A, %dma_start3A_234] : memref<2x5120xi32, #tpu.memory_space<vmem>> -> memref<1x5120xi32, #tpu.memory_space<vmem>>
          %dma_start3A_236 = tpu.memref_squeeze %dma_start3A_235 : memref<1x5120xi32, #tpu.memory_space<vmem>> -> memref<5120xi32, #tpu.memory_space<vmem>>
          %dma_start3A_237 = tpu.memref_slice %arg3[%mul3A_233] : memref<6400000xi32, #tpu.memory_space<hbm>> -> memref<5120xi32, #tpu.memory_space<hbm>>
          %dma_start3A_238 = arith.constant 0 : i32
          %dma_start3A_239 = tpu.memref_slice %arg7[%dma_start3A, %dma_start3A_238] : memref<2x5120xi32, #tpu.memory_space<vmem>> -> memref<1x5120xi32, #tpu.memory_space<vmem>>
          %dma_start3A_240 = tpu.memref_squeeze %dma_start3A_239 : memref<1x5120xi32, #tpu.memory_space<vmem>> -> memref<5120xi32, #tpu.memory_space<vmem>>
          %dma_start3A_241 = tpu.memref_slice %arg3[%mul3A_233] : memref<6400000xi32, #tpu.memory_space<hbm>> -> memref<5120xi32, #tpu.memory_space<hbm>>
          tpu.enqueue_dma source(%dma_start3A_241 : memref<5120xi32, #tpu.memory_space<hbm>>) target(%dma_start3A_240 : memref<5120xi32, #tpu.memory_space<vmem>>) target_semaphore(%arg13 : memref<!tpu.dma_semaphore, #tpu.memory_space<semaphore_mem>>)
          %mul3A_242 = arith.constant 5120 : i32
          %mul3A_243 = arith.muli %add3A_231, %mul3A_242 : i32
          %dma_start3A_244 = arith.constant 1 : i32
          %dma_start3A_245 = arith.constant 0 : i32
          %dma_start3A_246 = tpu.memref_slice %arg8[%dma_start3A_244, %dma_start3A_245] : memref<2x5136xi32, #tpu.memory_space<vmem>> -> memref<1x5120xi32, #tpu.memory_space<vmem>>
          %dma_start3A_247 = tpu.memref_squeeze %dma_start3A_246 : memref<1x5120xi32, #tpu.memory_space<vmem>> -> memref<5120xi32, #tpu.memory_space<vmem>>
          %dma_start3A_248 = tpu.memref_slice %arg4[%mul3A_243] : memref<6400000xi32, #tpu.memory_space<hbm>> -> memref<5120xi32, #tpu.memory_space<hbm>>
          %dma_start3A_249 = arith.constant 0 : i32
          %dma_start3A_250 = tpu.memref_slice %arg8[%dma_start3A_244, %dma_start3A_249] : memref<2x5136xi32, #tpu.memory_space<vmem>> -> memref<1x5120xi32, #tpu.memory_space<vmem>>
          %dma_start3A_251 = tpu.memref_squeeze %dma_start3A_250 : memref<1x5120xi32, #tpu.memory_space<vmem>> -> memref<5120xi32, #tpu.memory_space<vmem>>
          %dma_start3A_252 = tpu.memref_slice %arg4[%mul3A_243] : memref<6400000xi32, #tpu.memory_space<hbm>> -> memref<5120xi32, #tpu.memory_space<hbm>>
          tpu.enqueue_dma source(%dma_start3A_252 : memref<5120xi32, #tpu.memory_space<hbm>>) target(%dma_start3A_251 : memref<5120xi32, #tpu.memory_space<vmem>>) target_semaphore(%arg13 : memref<!tpu.dma_semaphore, #tpu.memory_space<semaphore_mem>>)
        } else {
        }
      } else {
      }
    }
    %while3A_131 = arith.constant 1 : i32
    scf.for %while3A_132 = %while3A_129 to %while3A_125 step %while3A_131  : i32 {
      %mul3A_133 = arith.constant 2 : i32
      %mul3A_134 = arith.muli %mul3A_133, %while3A_132 : i32
      %add3A_135 = arith.addi %select_n3A, %mul3A_134 : i32
      %dma_wait3A = arith.constant 0 : i32
      %dma_wait3A_136 = arith.constant 0 : i32
      %dma_wait3A_137 = tpu.memref_slice %arg7[%dma_wait3A, %dma_wait3A_136] : memref<2x5120xi32, #tpu.memory_space<vmem>> -> memref<1x5120xi32, #tpu.memory_space<vmem>>
      %dma_wait3A_138 = tpu.memref_squeeze %dma_wait3A_137 : memref<1x5120xi32, #tpu.memory_space<vmem>> -> memref<5120xi32, #tpu.memory_space<vmem>>
      %dma_wait3A_139 = arith.constant 0 : i32
      %dma_wait3A_140 = tpu.memref_slice %arg3[%dma_wait3A_139] : memref<6400000xi32, #tpu.memory_space<hbm>> -> memref<5120xi32, #tpu.memory_space<hbm>>
      %dma_wait3A_141 = arith.constant 0 : i32
      %dma_wait3A_142 = tpu.memref_slice %arg7[%dma_wait3A, %dma_wait3A_141] : memref<2x5120xi32, #tpu.memory_space<vmem>> -> memref<1x5120xi32, #tpu.memory_space<vmem>>
      %dma_wait3A_143 = tpu.memref_squeeze %dma_wait3A_142 : memref<1x5120xi32, #tpu.memory_space<vmem>> -> memref<5120xi32, #tpu.memory_space<vmem>>
      %dma_wait3A_144 = arith.constant 0 : i32
      %dma_wait3A_145 = tpu.memref_slice %arg3[%dma_wait3A_144] : memref<6400000xi32, #tpu.memory_space<hbm>> -> memref<5120xi32, #tpu.memory_space<hbm>>
      tpu.wait_dma2 semaphore(%arg12 : memref<!tpu.dma_semaphore, #tpu.memory_space<semaphore_mem>>) src(%dma_wait3A_145 : memref<5120xi32, #tpu.memory_space<hbm>>) dst(%dma_wait3A_143 : memref<5120xi32, #tpu.memory_space<vmem>>)
      %dma_wait3A_146 = arith.constant 0 : i32
      %dma_wait3A_147 = arith.constant 0 : i32
      %dma_wait3A_148 = tpu.memref_slice %arg8[%dma_wait3A_146, %dma_wait3A_147] : memref<2x5136xi32, #tpu.memory_space<vmem>> -> memref<1x5120xi32, #tpu.memory_space<vmem>>
      %dma_wait3A_149 = tpu.memref_squeeze %dma_wait3A_148 : memref<1x5120xi32, #tpu.memory_space<vmem>> -> memref<5120xi32, #tpu.memory_space<vmem>>
      %dma_wait3A_150 = arith.constant 0 : i32
      %dma_wait3A_151 = tpu.memref_slice %arg4[%dma_wait3A_150] : memref<6400000xi32, #tpu.memory_space<hbm>> -> memref<5120xi32, #tpu.memory_space<hbm>>
      %dma_wait3A_152 = arith.constant 0 : i32
      %dma_wait3A_153 = tpu.memref_slice %arg8[%dma_wait3A_146, %dma_wait3A_152] : memref<2x5136xi32, #tpu.memory_space<vmem>> -> memref<1x5120xi32, #tpu.memory_space<vmem>>
      %dma_wait3A_154 = tpu.memref_squeeze %dma_wait3A_153 : memref<1x5120xi32, #tpu.memory_space<vmem>> -> memref<5120xi32, #tpu.memory_space<vmem>>
      %dma_wait3A_155 = arith.constant 0 : i32
      %dma_wait3A_156 = tpu.memref_slice %arg4[%dma_wait3A_155] : memref<6400000xi32, #tpu.memory_space<hbm>> -> memref<5120xi32, #tpu.memory_space<hbm>>
      tpu.wait_dma2 semaphore(%arg12 : memref<!tpu.dma_semaphore, #tpu.memory_space<semaphore_mem>>) src(%dma_wait3A_156 : memref<5120xi32, #tpu.memory_space<hbm>>) dst(%dma_wait3A_154 : memref<5120xi32, #tpu.memory_space<vmem>>)
      %mul3A_157 = arith.constant 5120 : i32
      %mul3A_158 = arith.muli %add3A_135, %mul3A_157 : i32
      %ge3A = arith.cmpi sge, %mul3A_158, %while3A_17#1 : i32
      %add3A_159 = arith.constant 1 : i32
      %add3A_160 = arith.addi %add3A_135, %add3A_159 : i32
      %mul3A_161 = arith.constant 5120 : i32
      %mul3A_162 = arith.muli %add3A_160, %mul3A_161 : i32
      %le3A = arith.cmpi sle, %mul3A_162, %while3A_17#3 : i32
      %and3A_163 = arith.andi %ge3A, %le3A : i1
      %convert_element_type3A_164 = arith.extui %and3A_163 : i1 to i32
      %cond3A_165 = arith.constant 0 : i32
      %cond3A_166 = arith.cmpi ne, %convert_element_type3A_164, %cond3A_165 : i32
      scf.if %cond3A_166 {
        %parallel_loop3A = arith.constant 0 : i32
        %parallel_loop3A_183 = arith.constant 320 : i32
        %parallel_loop3A_184 = arith.constant 1 : i32
        %parallel_loop3A_185 = arith.constant 0 : i32
        scf.for %parallel_loop3A_186 = %parallel_loop3A to %parallel_loop3A_183 step %parallel_loop3A_184  : i32 {
          %parallel_loop3A_187 = arith.constant 16 : i32
          %parallel_loop3A_188 = arith.muli %parallel_loop3A_186, %parallel_loop3A_187 : i32
          %parallel_loop3A_189 = arith.index_cast %parallel_loop3A_185 : i32 to index
          %parallel_loop3A_190 = arith.index_cast %parallel_loop3A_188 : i32 to index
          %parallel_loop3A_191 = tpu.vector_load %arg7[%parallel_loop3A_189, %parallel_loop3A_190] {strides = array<i32>} : memref<2x5120xi32, #tpu.memory_space<vmem>>, vector<16xi32>,
          %parallel_loop3A_192 = vector.bitcast %parallel_loop3A_191 : vector<16xi32> to vector<16xi32>
          %parallel_loop3A_193 = arith.index_cast %parallel_loop3A_185 : i32 to index
          %parallel_loop3A_194 = arith.index_cast %parallel_loop3A_188 : i32 to index
          %parallel_loop3A_195 = tpu.vector_load %arg8[%parallel_loop3A_193, %parallel_loop3A_194] {strides = array<i32>} : memref<2x5136xi32, #tpu.memory_space<vmem>>, vector<16xi32>,
          %parallel_loop3A_196 = arith.constant 1 : i32
          %parallel_loop3A_197 = arith.addi %parallel_loop3A_188, %parallel_loop3A_196 : i32
          %parallel_loop3A_198 = arith.index_cast %parallel_loop3A_185 : i32 to index
          %parallel_loop3A_199 = arith.index_cast %parallel_loop3A_197 : i32 to index
          %parallel_loop3A_200 = tpu.vector_load %arg8[%parallel_loop3A_198, %parallel_loop3A_199] {strides = array<i32>} : memref<2x5136xi32, #tpu.memory_space<vmem>>, vector<16xi32>,
          %parallel_loop3A_201 = tpu.vector_load_idx %arg6[%parallel_loop3A_192] : memref<100000xf32, #tpu.memory_space<vmem>>[vector<16xi32>], vector<16xf32>,
          %parallel_loop3A_202 = arith.cmpi ne, %parallel_loop3A_195, %parallel_loop3A_200 : vector<16xi32>
          %parallel_loop3A_203 = arith.ori %parallel_loop3A_202, %eq3A_84 : vector<16xi1>
          %parallel_loop3A_204 = arith.constant true
          %parallel_loop3A_205 = vector.broadcast %parallel_loop3A_204 : i1 to vector<16xi1>
          %parallel_loop3A_206 = tpu.scan <sum>, %parallel_loop3A_201 masked %parallel_loop3A_205 : vector<16xf32>, vector<16xi1> -> vector<16xf32>
          %parallel_loop3A_207 = vector.broadcast %while3A_122 : f32 to vector<16xf32>
          %parallel_loop3A_208 = arith.select %parallel_loop3A_203, %parallel_loop3A_206, %parallel_loop3A_207 : vector<16xi1>, vector<16xf32>
          %parallel_loop3A_209 = arith.constant true
          %parallel_loop3A_210 = vector.broadcast %parallel_loop3A_209 : i1 to vector<16xi1>
          %parallel_loop3A_211 = tpu.scan <max>, %parallel_loop3A_208 masked %parallel_loop3A_210 : vector<16xf32>, vector<16xi1> -> vector<16xf32>
          %parallel_loop3A_212 = arith.constant 0 : i32
          %parallel_loop3A_213 = vector.broadcast %parallel_loop3A_212 : i32 to vector<16xi32>
          %parallel_loop3A_214 = arith.cmpi slt, %max3A_92, %parallel_loop3A_213 : vector<16xi32>
          %parallel_loop3A_215 = arith.constant 16 : i32
          %parallel_loop3A_216 = vector.broadcast %parallel_loop3A_215 : i32 to vector<16xi32>
          %parallel_loop3A_217 = arith.addi %max3A_92, %parallel_loop3A_216 : vector<16xi32>
          %parallel_loop3A_218 = arith.select %parallel_loop3A_214, %parallel_loop3A_217, %max3A_92 : vector<16xi1>, vector<16xi32>
          %parallel_loop3A_219 = vector.shape_cast %parallel_loop3A_218 : vector<16xi32> to vector<16x1xi32>
          %parallel_loop3A_220 = vector.shape_cast %parallel_loop3A_219 : vector<16x1xi32> to vector<16xi32>
          %parallel_loop3A_221 = tpu.dynamic_gather %parallel_loop3A_211[%parallel_loop3A_220] in [0] : vector<16xf32>, vector<16xi32> -> vector<16xf32>
          %parallel_loop3A_222 = vector.broadcast %while3A_122 : f32 to vector<16xf32>
          %parallel_loop3A_223 = arith.select %eq3A_87, %parallel_loop3A_222, %parallel_loop3A_221 : vector<16xi1>, vector<16xf32>
          %parallel_loop3A_224 = vector.bitcast %parallel_loop3A_195 : vector<16xi32> to vector<16xi32>
          %parallel_loop3A_225 = vector.broadcast %mul3A_2 : i32 to vector<16xi32>
          %parallel_loop3A_226 = arith.subi %parallel_loop3A_224, %parallel_loop3A_225 : vector<16xi32>
          %parallel_loop3A_227 = arith.subf %parallel_loop3A_206, %parallel_loop3A_223 : vector<16xf32>
          tpu.vector_store_idx %arg9[%parallel_loop3A_226], %parallel_loop3A_227 masked %parallel_loop3A_203 {add = true} : memref<3200xf32, #tpu.memory_space<vmem>>[vector<16xi32>], vector<16xf32>, vector<16xi1>
        } {sc.loop_unroll_factor = 8 : i64, sc.parallel_access}
      } else {
      }
      %not3A = arith.constant true
      %not3A_167 = arith.xori %and3A_163, %not3A : i1
      %convert_element_type3A_168 = arith.extui %not3A_167 : i1 to i32
      %cond3A_169 = arith.constant 0 : i32
      %cond3A_170 = arith.cmpi ne, %convert_element_type3A_168, %cond3A_169 : i32
      scf.if %cond3A_170 {
        %mul3A_183 = arith.constant 5120 : i32
        %mul3A_184 = arith.muli %add3A_135, %mul3A_183 : i32
        %while3A_185 = arith.constant 0 : i32
        %while3A_186 = arith.constant 0 : i32
        %while3A_187 = arith.constant 0 : i32
        %while3A_188 = arith.constant 80 : i32
        %while3A_189 = arith.subi %while3A_188, %while3A_187 : i32
        %while3A_190 = arith.addi %while3A_187, %while3A_189 : i32
        %while3A_191 = arith.constant 1 : i32
        %while3A_192 = arith.divsi %while3A_189, %while3A_191 : i32
        %while3A_193 = arith.muli %while3A_192, %while3A_191 : i32
        %while3A_194 = arith.addi %while3A_187, %while3A_193 : i32
        %while3A_195 = arith.constant 1 : i32
        scf.for %while3A_197 = %while3A_187 to %while3A_194 step %while3A_195  : i32 {
          %mul3A_198 = arith.constant 64 : i32
          %mul3A_199 = arith.muli %while3A_197, %mul3A_198 : i32
          %add3A_200 = arith.constant 0 : i32
          %add3A_201 = arith.addi %mul3A_199, %add3A_200 : i32
          %add3A_202 = arith.addi %mul3A_184, %add3A_201 : i32
          %add3A_203 = vector.broadcast %add3A_202 : i32 to vector<16xi32>
          %add3A_204 = arith.addi %add3A_203, %iota3A : vector<16xi32>
          %ge3A_205 = vector.broadcast %while3A_17#1 : i32 to vector<16xi32>
          %ge3A_206 = arith.cmpi sge, %add3A_204, %ge3A_205 : vector<16xi32>
          %lt3A_207 = vector.broadcast %while3A_17#3 : i32 to vector<16xi32>
          %lt3A_208 = arith.cmpi slt, %add3A_204, %lt3A_207 : vector<16xi32>
          %and3A_209 = arith.andi %ge3A_206, %lt3A_208 : vector<16xi1>
          %get3A = arith.index_cast %while3A_186 : i32 to index
          %get3A_210 = arith.index_cast %add3A_201 : i32 to index
          %get3A_211 = tpu.vector_load %arg7[%get3A, %get3A_210] {strides = array<i32>} : memref<2x5120xi32, #tpu.memory_space<vmem>>, vector<16xi32>,
          %bitcast3A = vector.bitcast %get3A_211 : vector<16xi32> to vector<16xi32>
          %get3A_212 = arith.index_cast %while3A_186 : i32 to index
          %get3A_213 = arith.index_cast %add3A_201 : i32 to index
          %get3A_214 = tpu.vector_load %arg8[%get3A_212, %get3A_213] {strides = array<i32>} : memref<2x5136xi32, #tpu.memory_space<vmem>>, vector<16xi32>,
          %bitcast3A_215 = vector.bitcast %get3A_214 : vector<16xi32> to vector<16xi32>
          %sub3A_216 = vector.broadcast %mul3A_2 : i32 to vector<16xi32>
          %sub3A_217 = arith.subi %bitcast3A_215, %sub3A_216 : vector<16xi32>
          %gather3A = tpu.vector_load_idx %arg6[%bitcast3A] : memref<100000xf32, #tpu.memory_space<vmem>>[vector<16xi32>], vector<16xf32>,
          %jit3A_218 = arith.constant 0 : i64
          %jit3A_219 = arith.constant 3199 : i64
          %convert_element_type3A_220 = arith.trunci %jit3A_218 : i64 to i32
          %max3A_221 = vector.broadcast %convert_element_type3A_220 : i32 to vector<16xi32>
          %max3A_222 = arith.maxsi %max3A_221, %sub3A_217 : vector<16xi32>
          %convert_element_type3A_223 = arith.trunci %jit3A_219 : i64 to i32
          %min3A = vector.broadcast %convert_element_type3A_223 : i32 to vector<16xi32>
          %min3A_224 = arith.minsi %min3A, %max3A_222 : vector<16xi32>
          tpu.vector_store_idx %arg9[%min3A_224], %gather3A masked %and3A_209 {add = true} : memref<3200xf32, #tpu.memory_space<vmem>>[vector<16xi32>], vector<16xf32>, vector<16xi1>
          %add3A_225 = arith.constant 16 : i32
          %add3A_226 = arith.addi %mul3A_199, %add3A_225 : i32
          %add3A_227 = arith.addi %mul3A_184, %add3A_226 : i32
          %add3A_228 = vector.broadcast %add3A_227 : i32 to vector<16xi32>
          %add3A_229 = arith.addi %add3A_228, %iota3A : vector<16xi32>
          %ge3A_230 = vector.broadcast %while3A_17#1 : i32 to vector<16xi32>
          %ge3A_231 = arith.cmpi sge, %add3A_229, %ge3A_230 : vector<16xi32>
          %lt3A_232 = vector.broadcast %while3A_17#3 : i32 to vector<16xi32>
          %lt3A_233 = arith.cmpi slt, %add3A_229, %lt3A_232 : vector<16xi32>
          %and3A_234 = arith.andi %ge3A_231, %lt3A_233 : vector<16xi1>
          %get3A_235 = arith.index_cast %while3A_186 : i32 to index
          %get3A_236 = arith.index_cast %add3A_226 : i32 to index
          %get3A_237 = tpu.vector_load %arg7[%get3A_235, %get3A_236] {strides = array<i32>} : memref<2x5120xi32, #tpu.memory_space<vmem>>, vector<16xi32>,
          %bitcast3A_238 = vector.bitcast %get3A_237 : vector<16xi32> to vector<16xi32>
          %get3A_239 = arith.index_cast %while3A_186 : i32 to index
          %get3A_240 = arith.index_cast %add3A_226 : i32 to index
          %get3A_241 = tpu.vector_load %arg8[%get3A_239, %get3A_240] {strides = array<i32>} : memref<2x5136xi32, #tpu.memory_space<vmem>>, vector<16xi32>,
          %bitcast3A_242 = vector.bitcast %get3A_241 : vector<16xi32> to vector<16xi32>
          %sub3A_243 = vector.broadcast %mul3A_2 : i32 to vector<16xi32>
          %sub3A_244 = arith.subi %bitcast3A_242, %sub3A_243 : vector<16xi32>
          %gather3A_245 = tpu.vector_load_idx %arg6[%bitcast3A_238] : memref<100000xf32, #tpu.memory_space<vmem>>[vector<16xi32>], vector<16xf32>,
          %jit3A_246 = arith.constant 0 : i64
          %jit3A_247 = arith.constant 3199 : i64
          %convert_element_type3A_248 = arith.trunci %jit3A_246 : i64 to i32
          %max3A_249 = vector.broadcast %convert_element_type3A_248 : i32 to vector<16xi32>
          %max3A_250 = arith.maxsi %max3A_249, %sub3A_244 : vector<16xi32>
          %convert_element_type3A_251 = arith.trunci %jit3A_247 : i64 to i32
          %min3A_252 = vector.broadcast %convert_element_type3A_251 : i32 to vector<16xi32>
          %min3A_253 = arith.minsi %min3A_252, %max3A_250 : vector<16xi32>
          tpu.vector_store_idx %arg9[%min3A_253], %gather3A_245 masked %and3A_234 {add = true} : memref<3200xf32, #tpu.memory_space<vmem>>[vector<16xi32>], vector<16xf32>, vector<16xi1>
          %add3A_254 = arith.constant 32 : i32
          %add3A_255 = arith.addi %mul3A_199, %add3A_254 : i32
          %add3A_256 = arith.addi %mul3A_184, %add3A_255 : i32
          %add3A_257 = vector.broadcast %add3A_256 : i32 to vector<16xi32>
          %add3A_258 = arith.addi %add3A_257, %iota3A : vector<16xi32>
          %ge3A_259 = vector.broadcast %while3A_17#1 : i32 to vector<16xi32>
          %ge3A_260 = arith.cmpi sge, %add3A_258, %ge3A_259 : vector<16xi32>
          %lt3A_261 = vector.broadcast %while3A_17#3 : i32 to vector<16xi32>
          %lt3A_262 = arith.cmpi slt, %add3A_258, %lt3A_261 : vector<16xi32>
          %and3A_263 = arith.andi %ge3A_260, %lt3A_262 : vector<16xi1>
          %get3A_264 = arith.index_cast %while3A_186 : i32 to index
          %get3A_265 = arith.index_cast %add3A_255 : i32 to index
          %get3A_266 = tpu.vector_load %arg7[%get3A_264, %get3A_265] {strides = array<i32>} : memref<2x5120xi32, #tpu.memory_space<vmem>>, vector<16xi32>,
          %bitcast3A_267 = vector.bitcast %get3A_266 : vector<16xi32> to vector<16xi32>
          %get3A_268 = arith.index_cast %while3A_186 : i32 to index
          %get3A_269 = arith.index_cast %add3A_255 : i32 to index
          %get3A_270 = tpu.vector_load %arg8[%get3A_268, %get3A_269] {strides = array<i32>} : memref<2x5136xi32, #tpu.memory_space<vmem>>, vector<16xi32>,
          %bitcast3A_271 = vector.bitcast %get3A_270 : vector<16xi32> to vector<16xi32>
          %sub3A_272 = vector.broadcast %mul3A_2 : i32 to vector<16xi32>
          %sub3A_273 = arith.subi %bitcast3A_271, %sub3A_272 : vector<16xi32>
          %gather3A_274 = tpu.vector_load_idx %arg6[%bitcast3A_267] : memref<100000xf32, #tpu.memory_space<vmem>>[vector<16xi32>], vector<16xf32>,
          %jit3A_275 = arith.constant 0 : i64
          %jit3A_276 = arith.constant 3199 : i64
          %convert_element_type3A_277 = arith.trunci %jit3A_275 : i64 to i32
          %max3A_278 = vector.broadcast %convert_element_type3A_277 : i32 to vector<16xi32>
          %max3A_279 = arith.maxsi %max3A_278, %sub3A_273 : vector<16xi32>
          %convert_element_type3A_280 = arith.trunci %jit3A_276 : i64 to i32
          %min3A_281 = vector.broadcast %convert_element_type3A_280 : i32 to vector<16xi32>
          %min3A_282 = arith.minsi %min3A_281, %max3A_279 : vector<16xi32>
          tpu.vector_store_idx %arg9[%min3A_282], %gather3A_274 masked %and3A_263 {add = true} : memref<3200xf32, #tpu.memory_space<vmem>>[vector<16xi32>], vector<16xf32>, vector<16xi1>
          %add3A_283 = arith.constant 48 : i32
          %add3A_284 = arith.addi %mul3A_199, %add3A_283 : i32
          %add3A_285 = arith.addi %mul3A_184, %add3A_284 : i32
          %add3A_286 = vector.broadcast %add3A_285 : i32 to vector<16xi32>
          %add3A_287 = arith.addi %add3A_286, %iota3A : vector<16xi32>
          %ge3A_288 = vector.broadcast %while3A_17#1 : i32 to vector<16xi32>
          %ge3A_289 = arith.cmpi sge, %add3A_287, %ge3A_288 : vector<16xi32>
          %lt3A_290 = vector.broadcast %while3A_17#3 : i32 to vector<16xi32>
          %lt3A_291 = arith.cmpi slt, %add3A_287, %lt3A_290 : vector<16xi32>
          %and3A_292 = arith.andi %ge3A_289, %lt3A_291 : vector<16xi1>
          %get3A_293 = arith.index_cast %while3A_186 : i32 to index
          %get3A_294 = arith.index_cast %add3A_284 : i32 to index
          %get3A_295 = tpu.vector_load %arg7[%get3A_293, %get3A_294] {strides = array<i32>} : memref<2x5120xi32, #tpu.memory_space<vmem>>, vector<16xi32>,
          %bitcast3A_296 = vector.bitcast %get3A_295 : vector<16xi32> to vector<16xi32>
          %get3A_297 = arith.index_cast %while3A_186 : i32 to index
          %get3A_298 = arith.index_cast %add3A_284 : i32 to index
          %get3A_299 = tpu.vector_load %arg8[%get3A_297, %get3A_298] {strides = array<i32>} : memref<2x5136xi32, #tpu.memory_space<vmem>>, vector<16xi32>,
          %bitcast3A_300 = vector.bitcast %get3A_299 : vector<16xi32> to vector<16xi32>
          %sub3A_301 = vector.broadcast %mul3A_2 : i32 to vector<16xi32>
          %sub3A_302 = arith.subi %bitcast3A_300, %sub3A_301 : vector<16xi32>
          %gather3A_303 = tpu.vector_load_idx %arg6[%bitcast3A_296] : memref<100000xf32, #tpu.memory_space<vmem>>[vector<16xi32>], vector<16xf32>,
          %jit3A_304 = arith.constant 0 : i64
          %jit3A_305 = arith.constant 3199 : i64
          %convert_element_type3A_306 = arith.trunci %jit3A_304 : i64 to i32
          %max3A_307 = vector.broadcast %convert_element_type3A_306 : i32 to vector<16xi32>
          %max3A_308 = arith.maxsi %max3A_307, %sub3A_302 : vector<16xi32>
          %convert_element_type3A_309 = arith.trunci %jit3A_305 : i64 to i32
          %min3A_310 = vector.broadcast %convert_element_type3A_309 : i32 to vector<16xi32>
          %min3A_311 = arith.minsi %min3A_310, %max3A_308 : vector<16xi32>
          tpu.vector_store_idx %arg9[%min3A_311], %gather3A_303 masked %and3A_292 {add = true} : memref<3200xf32, #tpu.memory_space<vmem>>[vector<16xi32>], vector<16xf32>, vector<16xi1>
        }
        %while3A_196 = arith.constant 1 : i32
        scf.for %while3A_197 = %while3A_194 to %while3A_190 step %while3A_196  : i32 {
          %mul3A_198 = arith.constant 64 : i32
          %mul3A_199 = arith.muli %while3A_197, %mul3A_198 : i32
          %add3A_200 = arith.constant 0 : i32
          %add3A_201 = arith.addi %mul3A_199, %add3A_200 : i32
          %add3A_202 = arith.addi %mul3A_184, %add3A_201 : i32
          %add3A_203 = vector.broadcast %add3A_202 : i32 to vector<16xi32>
          %add3A_204 = arith.addi %add3A_203, %iota3A : vector<16xi32>
          %ge3A_205 = vector.broadcast %while3A_17#1 : i32 to vector<16xi32>
          %ge3A_206 = arith.cmpi sge, %add3A_204, %ge3A_205 : vector<16xi32>
          %lt3A_207 = vector.broadcast %while3A_17#3 : i32 to vector<16xi32>
          %lt3A_208 = arith.cmpi slt, %add3A_204, %lt3A_207 : vector<16xi32>
          %and3A_209 = arith.andi %ge3A_206, %lt3A_208 : vector<16xi1>
          %get3A = arith.index_cast %while3A_186 : i32 to index
          %get3A_210 = arith.index_cast %add3A_201 : i32 to index
          %get3A_211 = tpu.vector_load %arg7[%get3A, %get3A_210] {strides = array<i32>} : memref<2x5120xi32, #tpu.memory_space<vmem>>, vector<16xi32>,
          %bitcast3A = vector.bitcast %get3A_211 : vector<16xi32> to vector<16xi32>
          %get3A_212 = arith.index_cast %while3A_186 : i32 to index
          %get3A_213 = arith.index_cast %add3A_201 : i32 to index
          %get3A_214 = tpu.vector_load %arg8[%get3A_212, %get3A_213] {strides = array<i32>} : memref<2x5136xi32, #tpu.memory_space<vmem>>, vector<16xi32>,
          %bitcast3A_215 = vector.bitcast %get3A_214 : vector<16xi32> to vector<16xi32>
          %sub3A_216 = vector.broadcast %mul3A_2 : i32 to vector<16xi32>
          %sub3A_217 = arith.subi %bitcast3A_215, %sub3A_216 : vector<16xi32>
          %gather3A = tpu.vector_load_idx %arg6[%bitcast3A] : memref<100000xf32, #tpu.memory_space<vmem>>[vector<16xi32>], vector<16xf32>,
          %jit3A_218 = arith.constant 0 : i64
          %jit3A_219 = arith.constant 3199 : i64
          %convert_element_type3A_220 = arith.trunci %jit3A_218 : i64 to i32
          %max3A_221 = vector.broadcast %convert_element_type3A_220 : i32 to vector<16xi32>
          %max3A_222 = arith.maxsi %max3A_221, %sub3A_217 : vector<16xi32>
          %convert_element_type3A_223 = arith.trunci %jit3A_219 : i64 to i32
          %min3A = vector.broadcast %convert_element_type3A_223 : i32 to vector<16xi32>
          %min3A_224 = arith.minsi %min3A, %max3A_222 : vector<16xi32>
          tpu.vector_store_idx %arg9[%min3A_224], %gather3A masked %and3A_209 {add = true} : memref<3200xf32, #tpu.memory_space<vmem>>[vector<16xi32>], vector<16xf32>, vector<16xi1>
          %add3A_225 = arith.constant 16 : i32
          %add3A_226 = arith.addi %mul3A_199, %add3A_225 : i32
          %add3A_227 = arith.addi %mul3A_184, %add3A_226 : i32
          %add3A_228 = vector.broadcast %add3A_227 : i32 to vector<16xi32>
          %add3A_229 = arith.addi %add3A_228, %iota3A : vector<16xi32>
          %ge3A_230 = vector.broadcast %while3A_17#1 : i32 to vector<16xi32>
          %ge3A_231 = arith.cmpi sge, %add3A_229, %ge3A_230 : vector<16xi32>
          %lt3A_232 = vector.broadcast %while3A_17#3 : i32 to vector<16xi32>
          %lt3A_233 = arith.cmpi slt, %add3A_229, %lt3A_232 : vector<16xi32>
          %and3A_234 = arith.andi %ge3A_231, %lt3A_233 : vector<16xi1>
          %get3A_235 = arith.index_cast %while3A_186 : i32 to index
          %get3A_236 = arith.index_cast %add3A_226 : i32 to index
          %get3A_237 = tpu.vector_load %arg7[%get3A_235, %get3A_236] {strides = array<i32>} : memref<2x5120xi32, #tpu.memory_space<vmem>>, vector<16xi32>,
          %bitcast3A_238 = vector.bitcast %get3A_237 : vector<16xi32> to vector<16xi32>
          %get3A_239 = arith.index_cast %while3A_186 : i32 to index
          %get3A_240 = arith.index_cast %add3A_226 : i32 to index
          %get3A_241 = tpu.vector_load %arg8[%get3A_239, %get3A_240] {strides = array<i32>} : memref<2x5136xi32, #tpu.memory_space<vmem>>, vector<16xi32>,
          %bitcast3A_242 = vector.bitcast %get3A_241 : vector<16xi32> to vector<16xi32>
          %sub3A_243 = vector.broadcast %mul3A_2 : i32 to vector<16xi32>
          %sub3A_244 = arith.subi %bitcast3A_242, %sub3A_243 : vector<16xi32>
          %gather3A_245 = tpu.vector_load_idx %arg6[%bitcast3A_238] : memref<100000xf32, #tpu.memory_space<vmem>>[vector<16xi32>], vector<16xf32>,
          %jit3A_246 = arith.constant 0 : i64
          %jit3A_247 = arith.constant 3199 : i64
          %convert_element_type3A_248 = arith.trunci %jit3A_246 : i64 to i32
          %max3A_249 = vector.broadcast %convert_element_type3A_248 : i32 to vector<16xi32>
          %max3A_250 = arith.maxsi %max3A_249, %sub3A_244 : vector<16xi32>
          %convert_element_type3A_251 = arith.trunci %jit3A_247 : i64 to i32
          %min3A_252 = vector.broadcast %convert_element_type3A_251 : i32 to vector<16xi32>
          %min3A_253 = arith.minsi %min3A_252, %max3A_250 : vector<16xi32>
          tpu.vector_store_idx %arg9[%min3A_253], %gather3A_245 masked %and3A_234 {add = true} : memref<3200xf32, #tpu.memory_space<vmem>>[vector<16xi32>], vector<16xf32>, vector<16xi1>
          %add3A_254 = arith.constant 32 : i32
          %add3A_255 = arith.addi %mul3A_199, %add3A_254 : i32
          %add3A_256 = arith.addi %mul3A_184, %add3A_255 : i32
          %add3A_257 = vector.broadcast %add3A_256 : i32 to vector<16xi32>
          %add3A_258 = arith.addi %add3A_257, %iota3A : vector<16xi32>
          %ge3A_259 = vector.broadcast %while3A_17#1 : i32 to vector<16xi32>
          %ge3A_260 = arith.cmpi sge, %add3A_258, %ge3A_259 : vector<16xi32>
          %lt3A_261 = vector.broadcast %while3A_17#3 : i32 to vector<16xi32>
          %lt3A_262 = arith.cmpi slt, %add3A_258, %lt3A_261 : vector<16xi32>
          %and3A_263 = arith.andi %ge3A_260, %lt3A_262 : vector<16xi1>
          %get3A_264 = arith.index_cast %while3A_186 : i32 to index
          %get3A_265 = arith.index_cast %add3A_255 : i32 to index
          %get3A_266 = tpu.vector_load %arg7[%get3A_264, %get3A_265] {strides = array<i32>} : memref<2x5120xi32, #tpu.memory_space<vmem>>, vector<16xi32>,
          %bitcast3A_267 = vector.bitcast %get3A_266 : vector<16xi32> to vector<16xi32>
          %get3A_268 = arith.index_cast %while3A_186 : i32 to index
          %get3A_269 = arith.index_cast %add3A_255 : i32 to index
          %get3A_270 = tpu.vector_load %arg8[%get3A_268, %get3A_269] {strides = array<i32>} : memref<2x5136xi32, #tpu.memory_space<vmem>>, vector<16xi32>,
          %bitcast3A_271 = vector.bitcast %get3A_270 : vector<16xi32> to vector<16xi32>
          %sub3A_272 = vector.broadcast %mul3A_2 : i32 to vector<16xi32>
          %sub3A_273 = arith.subi %bitcast3A_271, %sub3A_272 : vector<16xi32>
          %gather3A_274 = tpu.vector_load_idx %arg6[%bitcast3A_267] : memref<100000xf32, #tpu.memory_space<vmem>>[vector<16xi32>], vector<16xf32>,
          %jit3A_275 = arith.constant 0 : i64
          %jit3A_276 = arith.constant 3199 : i64
          %convert_element_type3A_277 = arith.trunci %jit3A_275 : i64 to i32
          %max3A_278 = vector.broadcast %convert_element_type3A_277 : i32 to vector<16xi32>
          %max3A_279 = arith.maxsi %max3A_278, %sub3A_273 : vector<16xi32>
          %convert_element_type3A_280 = arith.trunci %jit3A_276 : i64 to i32
          %min3A_281 = vector.broadcast %convert_element_type3A_280 : i32 to vector<16xi32>
          %min3A_282 = arith.minsi %min3A_281, %max3A_279 : vector<16xi32>
          tpu.vector_store_idx %arg9[%min3A_282], %gather3A_274 masked %and3A_263 {add = true} : memref<3200xf32, #tpu.memory_space<vmem>>[vector<16xi32>], vector<16xf32>, vector<16xi1>
          %add3A_283 = arith.constant 48 : i32
          %add3A_284 = arith.addi %mul3A_199, %add3A_283 : i32
          %add3A_285 = arith.addi %mul3A_184, %add3A_284 : i32
          %add3A_286 = vector.broadcast %add3A_285 : i32 to vector<16xi32>
          %add3A_287 = arith.addi %add3A_286, %iota3A : vector<16xi32>
          %ge3A_288 = vector.broadcast %while3A_17#1 : i32 to vector<16xi32>
          %ge3A_289 = arith.cmpi sge, %add3A_287, %ge3A_288 : vector<16xi32>
          %lt3A_290 = vector.broadcast %while3A_17#3 : i32 to vector<16xi32>
          %lt3A_291 = arith.cmpi slt, %add3A_287, %lt3A_290 : vector<16xi32>
          %and3A_292 = arith.andi %ge3A_289, %lt3A_291 : vector<16xi1>
          %get3A_293 = arith.index_cast %while3A_186 : i32 to index
          %get3A_294 = arith.index_cast %add3A_284 : i32 to index
          %get3A_295 = tpu.vector_load %arg7[%get3A_293, %get3A_294] {strides = array<i32>} : memref<2x5120xi32, #tpu.memory_space<vmem>>, vector<16xi32>,
          %bitcast3A_296 = vector.bitcast %get3A_295 : vector<16xi32> to vector<16xi32>
          %get3A_297 = arith.index_cast %while3A_186 : i32 to index
          %get3A_298 = arith.index_cast %add3A_284 : i32 to index
          %get3A_299 = tpu.vector_load %arg8[%get3A_297, %get3A_298] {strides = array<i32>} : memref<2x5136xi32, #tpu.memory_space<vmem>>, vector<16xi32>,
          %bitcast3A_300 = vector.bitcast %get3A_299 : vector<16xi32> to vector<16xi32>
          %sub3A_301 = vector.broadcast %mul3A_2 : i32 to vector<16xi32>
          %sub3A_302 = arith.subi %bitcast3A_300, %sub3A_301 : vector<16xi32>
          %gather3A_303 = tpu.vector_load_idx %arg6[%bitcast3A_296] : memref<100000xf32, #tpu.memory_space<vmem>>[vector<16xi32>], vector<16xf32>,
          %jit3A_304 = arith.constant 0 : i64
          %jit3A_305 = arith.constant 3199 : i64
          %convert_element_type3A_306 = arith.trunci %jit3A_304 : i64 to i32
          %max3A_307 = vector.broadcast %convert_element_type3A_306 : i32 to vector<16xi32>
          %max3A_308 = arith.maxsi %max3A_307, %sub3A_302 : vector<16xi32>
          %convert_element_type3A_309 = arith.trunci %jit3A_305 : i64 to i32
          %min3A_310 = vector.broadcast %convert_element_type3A_309 : i32 to vector<16xi32>
          %min3A_311 = arith.minsi %min3A_310, %max3A_308 : vector<16xi32>
          tpu.vector_store_idx %arg9[%min3A_311], %gather3A_303 masked %and3A_292 {add = true} : memref<3200xf32, #tpu.memory_space<vmem>>[vector<16xi32>], vector<16xf32>, vector<16xi1>
        }
      } else {
      }
      %add3A_171 = arith.constant 2 : i32
      %add3A_172 = arith.addi %add3A_135, %add3A_171 : i32
      %lt3A_173 = arith.cmpi slt, %add3A_172, %select_n3A_62 : i32
      %convert_element_type3A_174 = arith.extui %lt3A_173 : i1 to i32
      %cond3A_175 = arith.constant 0 : i32
      %cond3A_176 = arith.cmpi ne, %convert_element_type3A_174, %cond3A_175 : i32
      scf.if %cond3A_176 {
        %add3A_183 = arith.constant 2 : i32
        %add3A_184 = arith.addi %add3A_135, %add3A_183 : i32
        %mul3A_185 = arith.constant 5120 : i32
        %mul3A_186 = arith.muli %add3A_184, %mul3A_185 : i32
        %dma_start3A = arith.constant 0 : i32
        %dma_start3A_187 = arith.constant 0 : i32
        %dma_start3A_188 = tpu.memref_slice %arg7[%dma_start3A, %dma_start3A_187] : memref<2x5120xi32, #tpu.memory_space<vmem>> -> memref<1x5120xi32, #tpu.memory_space<vmem>>
        %dma_start3A_189 = tpu.memref_squeeze %dma_start3A_188 : memref<1x5120xi32, #tpu.memory_space<vmem>> -> memref<5120xi32, #tpu.memory_space<vmem>>
        %dma_start3A_190 = tpu.memref_slice %arg3[%mul3A_186] : memref<6400000xi32, #tpu.memory_space<hbm>> -> memref<5120xi32, #tpu.memory_space<hbm>>
        %dma_start3A_191 = arith.constant 0 : i32
        %dma_start3A_192 = tpu.memref_slice %arg7[%dma_start3A, %dma_start3A_191] : memref<2x5120xi32, #tpu.memory_space<vmem>> -> memref<1x5120xi32, #tpu.memory_space<vmem>>
        %dma_start3A_193 = tpu.memref_squeeze %dma_start3A_192 : memref<1x5120xi32, #tpu.memory_space<vmem>> -> memref<5120xi32, #tpu.memory_space<vmem>>
        %dma_start3A_194 = tpu.memref_slice %arg3[%mul3A_186] : memref<6400000xi32, #tpu.memory_space<hbm>> -> memref<5120xi32, #tpu.memory_space<hbm>>
        tpu.enqueue_dma source(%dma_start3A_194 : memref<5120xi32, #tpu.memory_space<hbm>>) target(%dma_start3A_193 : memref<5120xi32, #tpu.memory_space<vmem>>) target_semaphore(%arg12 : memref<!tpu.dma_semaphore, #tpu.memory_space<semaphore_mem>>)
        %mul3A_195 = arith.constant 5120 : i32
        %mul3A_196 = arith.muli %add3A_184, %mul3A_195 : i32
        %dma_start3A_197 = arith.constant 0 : i32
        %dma_start3A_198 = arith.constant 0 : i32
        %dma_start3A_199 = tpu.memref_slice %arg8[%dma_start3A_197, %dma_start3A_198] : memref<2x5136xi32, #tpu.memory_space<vmem>> -> memref<1x5120xi32, #tpu.memory_space<vmem>>
        %dma_start3A_200 = tpu.memref_squeeze %dma_start3A_199 : memref<1x5120xi32, #tpu.memory_space<vmem>> -> memref<5120xi32, #tpu.memory_space<vmem>>
        %dma_start3A_201 = tpu.memref_slice %arg4[%mul3A_196] : memref<6400000xi32, #tpu.memory_space<hbm>> -> memref<5120xi32, #tpu.memory_space<hbm>>
        %dma_start3A_202 = arith.constant 0 : i32
        %dma_start3A_203 = tpu.memref_slice %arg8[%dma_start3A_197, %dma_start3A_202] : memref<2x5136xi32, #tpu.memory_space<vmem>> -> memref<1x5120xi32, #tpu.memory_space<vmem>>
        %dma_start3A_204 = tpu.memref_squeeze %dma_start3A_203 : memref<1x5120xi32, #tpu.memory_space<vmem>> -> memref<5120xi32, #tpu.memory_space<vmem>>
        %dma_start3A_205 = tpu.memref_slice %arg4[%mul3A_196] : memref<6400000xi32, #tpu.memory_space<hbm>> -> memref<5120xi32, #tpu.memory_space<hbm>>
        tpu.enqueue_dma source(%dma_start3A_205 : memref<5120xi32, #tpu.memory_space<hbm>>) target(%dma_start3A_204 : memref<5120xi32, #tpu.memory_space<vmem>>) target_semaphore(%arg12 : memref<!tpu.dma_semaphore, #tpu.memory_space<semaphore_mem>>)
      } else {
      }
      %add3A_177 = arith.constant 1 : i32
      %add3A_178 = arith.addi %add3A_135, %add3A_177 : i32
      %lt3A_179 = arith.cmpi slt, %add3A_178, %select_n3A_62 : i32
      %convert_element_type3A_180 = arith.extui %lt3A_179 : i1 to i32
      %cond3A_181 = arith.constant 0 : i32
      %cond3A_182 = arith.cmpi ne, %convert_element_type3A_180, %cond3A_181 : i32
      scf.if %cond3A_182 {
        %dma_wait3A_183 = arith.constant 1 : i32
        %dma_wait3A_184 = arith.constant 0 : i32
        %dma_wait3A_185 = tpu.memref_slice %arg7[%dma_wait3A_183, %dma_wait3A_184] : memref<2x5120xi32, #tpu.memory_space<vmem>> -> memref<1x5120xi32, #tpu.memory_space<vmem>>
        %dma_wait3A_186 = tpu.memref_squeeze %dma_wait3A_185 : memref<1x5120xi32, #tpu.memory_space<vmem>> -> memref<5120xi32, #tpu.memory_space<vmem>>
        %dma_wait3A_187 = arith.constant 0 : i32
        %dma_wait3A_188 = tpu.memref_slice %arg3[%dma_wait3A_187] : memref<6400000xi32, #tpu.memory_space<hbm>> -> memref<5120xi32, #tpu.memory_space<hbm>>
        %dma_wait3A_189 = arith.constant 0 : i32
        %dma_wait3A_190 = tpu.memref_slice %arg7[%dma_wait3A_183, %dma_wait3A_189] : memref<2x5120xi32, #tpu.memory_space<vmem>> -> memref<1x5120xi32, #tpu.memory_space<vmem>>
        %dma_wait3A_191 = tpu.memref_squeeze %dma_wait3A_190 : memref<1x5120xi32, #tpu.memory_space<vmem>> -> memref<5120xi32, #tpu.memory_space<vmem>>
        %dma_wait3A_192 = arith.constant 0 : i32
        %dma_wait3A_193 = tpu.memref_slice %arg3[%dma_wait3A_192] : memref<6400000xi32, #tpu.memory_space<hbm>> -> memref<5120xi32, #tpu.memory_space<hbm>>
        tpu.wait_dma2 semaphore(%arg13 : memref<!tpu.dma_semaphore, #tpu.memory_space<semaphore_mem>>) src(%dma_wait3A_193 : memref<5120xi32, #tpu.memory_space<hbm>>) dst(%dma_wait3A_191 : memref<5120xi32, #tpu.memory_space<vmem>>)
        %dma_wait3A_194 = arith.constant 1 : i32
        %dma_wait3A_195 = arith.constant 0 : i32
        %dma_wait3A_196 = tpu.memref_slice %arg8[%dma_wait3A_194, %dma_wait3A_195] : memref<2x5136xi32, #tpu.memory_space<vmem>> -> memref<1x5120xi32, #tpu.memory_space<vmem>>
        %dma_wait3A_197 = tpu.memref_squeeze %dma_wait3A_196 : memref<1x5120xi32, #tpu.memory_space<vmem>> -> memref<5120xi32, #tpu.memory_space<vmem>>
        %dma_wait3A_198 = arith.constant 0 : i32
        %dma_wait3A_199 = tpu.memref_slice %arg4[%dma_wait3A_198] : memref<6400000xi32, #tpu.memory_space<hbm>> -> memref<5120xi32, #tpu.memory_space<hbm>>
        %dma_wait3A_200 = arith.constant 0 : i32
        %dma_wait3A_201 = tpu.memref_slice %arg8[%dma_wait3A_194, %dma_wait3A_200] : memref<2x5136xi32, #tpu.memory_space<vmem>> -> memref<1x5120xi32, #tpu.memory_space<vmem>>
        %dma_wait3A_202 = tpu.memref_squeeze %dma_wait3A_201 : memref<1x5120xi32, #tpu.memory_space<vmem>> -> memref<5120xi32, #tpu.memory_space<vmem>>
        %dma_wait3A_203 = arith.constant 0 : i32
        %dma_wait3A_204 = tpu.memref_slice %arg4[%dma_wait3A_203] : memref<6400000xi32, #tpu.memory_space<hbm>> -> memref<5120xi32, #tpu.memory_space<hbm>>
        tpu.wait_dma2 semaphore(%arg13 : memref<!tpu.dma_semaphore, #tpu.memory_space<semaphore_mem>>) src(%dma_wait3A_204 : memref<5120xi32, #tpu.memory_space<hbm>>) dst(%dma_wait3A_202 : memref<5120xi32, #tpu.memory_space<vmem>>)
        %add3A_205 = arith.constant 1 : i32
        %add3A_206 = arith.addi %add3A_135, %add3A_205 : i32
        %mul3A_207 = arith.constant 5120 : i32
        %mul3A_208 = arith.muli %add3A_206, %mul3A_207 : i32
        %ge3A_209 = arith.cmpi sge, %mul3A_208, %while3A_17#1 : i32
        %add3A_210 = arith.constant 1 : i32
        %add3A_211 = arith.addi %add3A_206, %add3A_210 : i32
        %mul3A_212 = arith.constant 5120 : i32
        %mul3A_213 = arith.muli %add3A_211, %mul3A_212 : i32
        %le3A_214 = arith.cmpi sle, %mul3A_213, %while3A_17#3 : i32
        %and3A_215 = arith.andi %ge3A_209, %le3A_214 : i1
        %convert_element_type3A_216 = arith.extui %and3A_215 : i1 to i32
        %cond3A_217 = arith.constant 0 : i32
        %cond3A_218 = arith.cmpi ne, %convert_element_type3A_216, %cond3A_217 : i32
        scf.if %cond3A_218 {
          %parallel_loop3A = arith.constant 0 : i32
          %parallel_loop3A_230 = arith.constant 320 : i32
          %parallel_loop3A_231 = arith.constant 1 : i32
          %parallel_loop3A_232 = arith.constant 1 : i32
          scf.for %parallel_loop3A_233 = %parallel_loop3A to %parallel_loop3A_230 step %parallel_loop3A_231  : i32 {
            %parallel_loop3A_234 = arith.constant 16 : i32
            %parallel_loop3A_235 = arith.muli %parallel_loop3A_233, %parallel_loop3A_234 : i32
            %parallel_loop3A_236 = arith.index_cast %parallel_loop3A_232 : i32 to index
            %parallel_loop3A_237 = arith.index_cast %parallel_loop3A_235 : i32 to index
            %parallel_loop3A_238 = tpu.vector_load %arg7[%parallel_loop3A_236, %parallel_loop3A_237] {strides = array<i32>} : memref<2x5120xi32, #tpu.memory_space<vmem>>, vector<16xi32>,
            %parallel_loop3A_239 = vector.bitcast %parallel_loop3A_238 : vector<16xi32> to vector<16xi32>
            %parallel_loop3A_240 = arith.index_cast %parallel_loop3A_232 : i32 to index
            %parallel_loop3A_241 = arith.index_cast %parallel_loop3A_235 : i32 to index
            %parallel_loop3A_242 = tpu.vector_load %arg8[%parallel_loop3A_240, %parallel_loop3A_241] {strides = array<i32>} : memref<2x5136xi32, #tpu.memory_space<vmem>>, vector<16xi32>,
            %parallel_loop3A_243 = arith.constant 1 : i32
            %parallel_loop3A_244 = arith.addi %parallel_loop3A_235, %parallel_loop3A_243 : i32
            %parallel_loop3A_245 = arith.index_cast %parallel_loop3A_232 : i32 to index
            %parallel_loop3A_246 = arith.index_cast %parallel_loop3A_244 : i32 to index
            %parallel_loop3A_247 = tpu.vector_load %arg8[%parallel_loop3A_245, %parallel_loop3A_246] {strides = array<i32>} : memref<2x5136xi32, #tpu.memory_space<vmem>>, vector<16xi32>,
            %parallel_loop3A_248 = tpu.vector_load_idx %arg6[%parallel_loop3A_239] : memref<100000xf32, #tpu.memory_space<vmem>>[vector<16xi32>], vector<16xf32>,
            %parallel_loop3A_249 = arith.cmpi ne, %parallel_loop3A_242, %parallel_loop3A_247 : vector<16xi32>
            %parallel_loop3A_250 = arith.ori %parallel_loop3A_249, %eq3A_84 : vector<16xi1>
            %parallel_loop3A_251 = arith.constant true
            %parallel_loop3A_252 = vector.broadcast %parallel_loop3A_251 : i1 to vector<16xi1>
            %parallel_loop3A_253 = tpu.scan <sum>, %parallel_loop3A_248 masked %parallel_loop3A_252 : vector<16xf32>, vector<16xi1> -> vector<16xf32>
            %parallel_loop3A_254 = vector.broadcast %while3A_122 : f32 to vector<16xf32>
            %parallel_loop3A_255 = arith.select %parallel_loop3A_250, %parallel_loop3A_253, %parallel_loop3A_254 : vector<16xi1>, vector<16xf32>
            %parallel_loop3A_256 = arith.constant true
            %parallel_loop3A_257 = vector.broadcast %parallel_loop3A_256 : i1 to vector<16xi1>
            %parallel_loop3A_258 = tpu.scan <max>, %parallel_loop3A_255 masked %parallel_loop3A_257 : vector<16xf32>, vector<16xi1> -> vector<16xf32>
            %parallel_loop3A_259 = arith.constant 0 : i32
            %parallel_loop3A_260 = vector.broadcast %parallel_loop3A_259 : i32 to vector<16xi32>
            %parallel_loop3A_261 = arith.cmpi slt, %max3A_92, %parallel_loop3A_260 : vector<16xi32>
            %parallel_loop3A_262 = arith.constant 16 : i32
            %parallel_loop3A_263 = vector.broadcast %parallel_loop3A_262 : i32 to vector<16xi32>
            %parallel_loop3A_264 = arith.addi %max3A_92, %parallel_loop3A_263 : vector<16xi32>
            %parallel_loop3A_265 = arith.select %parallel_loop3A_261, %parallel_loop3A_264, %max3A_92 : vector<16xi1>, vector<16xi32>
            %parallel_loop3A_266 = vector.shape_cast %parallel_loop3A_265 : vector<16xi32> to vector<16x1xi32>
            %parallel_loop3A_267 = vector.shape_cast %parallel_loop3A_266 : vector<16x1xi32> to vector<16xi32>
            %parallel_loop3A_268 = tpu.dynamic_gather %parallel_loop3A_258[%parallel_loop3A_267] in [0] : vector<16xf32>, vector<16xi32> -> vector<16xf32>
            %parallel_loop3A_269 = vector.broadcast %while3A_122 : f32 to vector<16xf32>
            %parallel_loop3A_270 = arith.select %eq3A_87, %parallel_loop3A_269, %parallel_loop3A_268 : vector<16xi1>, vector<16xf32>
            %parallel_loop3A_271 = vector.bitcast %parallel_loop3A_242 : vector<16xi32> to vector<16xi32>
            %parallel_loop3A_272 = vector.broadcast %mul3A_2 : i32 to vector<16xi32>
            %parallel_loop3A_273 = arith.subi %parallel_loop3A_271, %parallel_loop3A_272 : vector<16xi32>
            %parallel_loop3A_274 = arith.subf %parallel_loop3A_253, %parallel_loop3A_270 : vector<16xf32>
            tpu.vector_store_idx %arg9[%parallel_loop3A_273], %parallel_loop3A_274 masked %parallel_loop3A_250 {add = true} : memref<3200xf32, #tpu.memory_space<vmem>>[vector<16xi32>], vector<16xf32>, vector<16xi1>
          } {sc.loop_unroll_factor = 8 : i64, sc.parallel_access}
        } else {
        }
        %not3A_219 = arith.constant true
        %not3A_220 = arith.xori %and3A_215, %not3A_219 : i1
        %convert_element_type3A_221 = arith.extui %not3A_220 : i1 to i32
        %cond3A_222 = arith.constant 0 : i32
        %cond3A_223 = arith.cmpi ne, %convert_element_type3A_221, %cond3A_222 : i32
        scf.if %cond3A_223 {
          %mul3A_230 = arith.constant 5120 : i32
          %mul3A_231 = arith.muli %add3A_206, %mul3A_230 : i32
          %while3A_232 = arith.constant 0 : i32
          %while3A_233 = arith.constant 1 : i32
          %while3A_234 = arith.constant 0 : i32
          %while3A_235 = arith.constant 80 : i32
          %while3A_236 = arith.subi %while3A_235, %while3A_234 : i32
          %while3A_237 = arith.addi %while3A_234, %while3A_236 : i32
          %while3A_238 = arith.constant 1 : i32
          %while3A_239 = arith.divsi %while3A_236, %while3A_238 : i32
          %while3A_240 = arith.muli %while3A_239, %while3A_238 : i32
          %while3A_241 = arith.addi %while3A_234, %while3A_240 : i32
          %while3A_242 = arith.constant 1 : i32
          scf.for %while3A_244 = %while3A_234 to %while3A_241 step %while3A_242  : i32 {
            %mul3A_245 = arith.constant 64 : i32
            %mul3A_246 = arith.muli %while3A_244, %mul3A_245 : i32
            %add3A_247 = arith.constant 0 : i32
            %add3A_248 = arith.addi %mul3A_246, %add3A_247 : i32
            %add3A_249 = arith.addi %mul3A_231, %add3A_248 : i32
            %add3A_250 = vector.broadcast %add3A_249 : i32 to vector<16xi32>
            %add3A_251 = arith.addi %add3A_250, %iota3A : vector<16xi32>
            %ge3A_252 = vector.broadcast %while3A_17#1 : i32 to vector<16xi32>
            %ge3A_253 = arith.cmpi sge, %add3A_251, %ge3A_252 : vector<16xi32>
            %lt3A_254 = vector.broadcast %while3A_17#3 : i32 to vector<16xi32>
            %lt3A_255 = arith.cmpi slt, %add3A_251, %lt3A_254 : vector<16xi32>
            %and3A_256 = arith.andi %ge3A_253, %lt3A_255 : vector<16xi1>
            %get3A = arith.index_cast %while3A_233 : i32 to index
            %get3A_257 = arith.index_cast %add3A_248 : i32 to index
            %get3A_258 = tpu.vector_load %arg7[%get3A, %get3A_257] {strides = array<i32>} : memref<2x5120xi32, #tpu.memory_space<vmem>>, vector<16xi32>,
            %bitcast3A = vector.bitcast %get3A_258 : vector<16xi32> to vector<16xi32>
            %get3A_259 = arith.index_cast %while3A_233 : i32 to index
            %get3A_260 = arith.index_cast %add3A_248 : i32 to index
            %get3A_261 = tpu.vector_load %arg8[%get3A_259, %get3A_260] {strides = array<i32>} : memref<2x5136xi32, #tpu.memory_space<vmem>>, vector<16xi32>,
            %bitcast3A_262 = vector.bitcast %get3A_261 : vector<16xi32> to vector<16xi32>
            %sub3A_263 = vector.broadcast %mul3A_2 : i32 to vector<16xi32>
            %sub3A_264 = arith.subi %bitcast3A_262, %sub3A_263 : vector<16xi32>
            %gather3A = tpu.vector_load_idx %arg6[%bitcast3A] : memref<100000xf32, #tpu.memory_space<vmem>>[vector<16xi32>], vector<16xf32>,
            %jit3A_265 = arith.constant 0 : i64
            %jit3A_266 = arith.constant 3199 : i64
            %convert_element_type3A_267 = arith.trunci %jit3A_265 : i64 to i32
            %max3A_268 = vector.broadcast %convert_element_type3A_267 : i32 to vector<16xi32>
            %max3A_269 = arith.maxsi %max3A_268, %sub3A_264 : vector<16xi32>
            %convert_element_type3A_270 = arith.trunci %jit3A_266 : i64 to i32
            %min3A = vector.broadcast %convert_element_type3A_270 : i32 to vector<16xi32>
            %min3A_271 = arith.minsi %min3A, %max3A_269 : vector<16xi32>
            tpu.vector_store_idx %arg9[%min3A_271], %gather3A masked %and3A_256 {add = true} : memref<3200xf32, #tpu.memory_space<vmem>>[vector<16xi32>], vector<16xf32>, vector<16xi1>
            %add3A_272 = arith.constant 16 : i32
            %add3A_273 = arith.addi %mul3A_246, %add3A_272 : i32
            %add3A_274 = arith.addi %mul3A_231, %add3A_273 : i32
            %add3A_275 = vector.broadcast %add3A_274 : i32 to vector<16xi32>
            %add3A_276 = arith.addi %add3A_275, %iota3A : vector<16xi32>
            %ge3A_277 = vector.broadcast %while3A_17#1 : i32 to vector<16xi32>
            %ge3A_278 = arith.cmpi sge, %add3A_276, %ge3A_277 : vector<16xi32>
            %lt3A_279 = vector.broadcast %while3A_17#3 : i32 to vector<16xi32>
            %lt3A_280 = arith.cmpi slt, %add3A_276, %lt3A_279 : vector<16xi32>
            %and3A_281 = arith.andi %ge3A_278, %lt3A_280 : vector<16xi1>
            %get3A_282 = arith.index_cast %while3A_233 : i32 to index
            %get3A_283 = arith.index_cast %add3A_273 : i32 to index
            %get3A_284 = tpu.vector_load %arg7[%get3A_282, %get3A_283] {strides = array<i32>} : memref<2x5120xi32, #tpu.memory_space<vmem>>, vector<16xi32>,
            %bitcast3A_285 = vector.bitcast %get3A_284 : vector<16xi32> to vector<16xi32>
            %get3A_286 = arith.index_cast %while3A_233 : i32 to index
            %get3A_287 = arith.index_cast %add3A_273 : i32 to index
            %get3A_288 = tpu.vector_load %arg8[%get3A_286, %get3A_287] {strides = array<i32>} : memref<2x5136xi32, #tpu.memory_space<vmem>>, vector<16xi32>,
            %bitcast3A_289 = vector.bitcast %get3A_288 : vector<16xi32> to vector<16xi32>
            %sub3A_290 = vector.broadcast %mul3A_2 : i32 to vector<16xi32>
            %sub3A_291 = arith.subi %bitcast3A_289, %sub3A_290 : vector<16xi32>
            %gather3A_292 = tpu.vector_load_idx %arg6[%bitcast3A_285] : memref<100000xf32, #tpu.memory_space<vmem>>[vector<16xi32>], vector<16xf32>,
            %jit3A_293 = arith.constant 0 : i64
            %jit3A_294 = arith.constant 3199 : i64
            %convert_element_type3A_295 = arith.trunci %jit3A_293 : i64 to i32
            %max3A_296 = vector.broadcast %convert_element_type3A_295 : i32 to vector<16xi32>
            %max3A_297 = arith.maxsi %max3A_296, %sub3A_291 : vector<16xi32>
            %convert_element_type3A_298 = arith.trunci %jit3A_294 : i64 to i32
            %min3A_299 = vector.broadcast %convert_element_type3A_298 : i32 to vector<16xi32>
            %min3A_300 = arith.minsi %min3A_299, %max3A_297 : vector<16xi32>
            tpu.vector_store_idx %arg9[%min3A_300], %gather3A_292 masked %and3A_281 {add = true} : memref<3200xf32, #tpu.memory_space<vmem>>[vector<16xi32>], vector<16xf32>, vector<16xi1>
            %add3A_301 = arith.constant 32 : i32
            %add3A_302 = arith.addi %mul3A_246, %add3A_301 : i32
            %add3A_303 = arith.addi %mul3A_231, %add3A_302 : i32
            %add3A_304 = vector.broadcast %add3A_303 : i32 to vector<16xi32>
            %add3A_305 = arith.addi %add3A_304, %iota3A : vector<16xi32>
            %ge3A_306 = vector.broadcast %while3A_17#1 : i32 to vector<16xi32>
            %ge3A_307 = arith.cmpi sge, %add3A_305, %ge3A_306 : vector<16xi32>
            %lt3A_308 = vector.broadcast %while3A_17#3 : i32 to vector<16xi32>
            %lt3A_309 = arith.cmpi slt, %add3A_305, %lt3A_308 : vector<16xi32>
            %and3A_310 = arith.andi %ge3A_307, %lt3A_309 : vector<16xi1>
            %get3A_311 = arith.index_cast %while3A_233 : i32 to index
            %get3A_312 = arith.index_cast %add3A_302 : i32 to index
            %get3A_313 = tpu.vector_load %arg7[%get3A_311, %get3A_312] {strides = array<i32>} : memref<2x5120xi32, #tpu.memory_space<vmem>>, vector<16xi32>,
            %bitcast3A_314 = vector.bitcast %get3A_313 : vector<16xi32> to vector<16xi32>
            %get3A_315 = arith.index_cast %while3A_233 : i32 to index
            %get3A_316 = arith.index_cast %add3A_302 : i32 to index
            %get3A_317 = tpu.vector_load %arg8[%get3A_315, %get3A_316] {strides = array<i32>} : memref<2x5136xi32, #tpu.memory_space<vmem>>, vector<16xi32>,
            %bitcast3A_318 = vector.bitcast %get3A_317 : vector<16xi32> to vector<16xi32>
            %sub3A_319 = vector.broadcast %mul3A_2 : i32 to vector<16xi32>
            %sub3A_320 = arith.subi %bitcast3A_318, %sub3A_319 : vector<16xi32>
            %gather3A_321 = tpu.vector_load_idx %arg6[%bitcast3A_314] : memref<100000xf32, #tpu.memory_space<vmem>>[vector<16xi32>], vector<16xf32>,
            %jit3A_322 = arith.constant 0 : i64
            %jit3A_323 = arith.constant 3199 : i64
            %convert_element_type3A_324 = arith.trunci %jit3A_322 : i64 to i32
            %max3A_325 = vector.broadcast %convert_element_type3A_324 : i32 to vector<16xi32>
            %max3A_326 = arith.maxsi %max3A_325, %sub3A_320 : vector<16xi32>
            %convert_element_type3A_327 = arith.trunci %jit3A_323 : i64 to i32
            %min3A_328 = vector.broadcast %convert_element_type3A_327 : i32 to vector<16xi32>
            %min3A_329 = arith.minsi %min3A_328, %max3A_326 : vector<16xi32>
            tpu.vector_store_idx %arg9[%min3A_329], %gather3A_321 masked %and3A_310 {add = true} : memref<3200xf32, #tpu.memory_space<vmem>>[vector<16xi32>], vector<16xf32>, vector<16xi1>
            %add3A_330 = arith.constant 48 : i32
            %add3A_331 = arith.addi %mul3A_246, %add3A_330 : i32
            %add3A_332 = arith.addi %mul3A_231, %add3A_331 : i32
            %add3A_333 = vector.broadcast %add3A_332 : i32 to vector<16xi32>
            %add3A_334 = arith.addi %add3A_333, %iota3A : vector<16xi32>
            %ge3A_335 = vector.broadcast %while3A_17#1 : i32 to vector<16xi32>
            %ge3A_336 = arith.cmpi sge, %add3A_334, %ge3A_335 : vector<16xi32>
            %lt3A_337 = vector.broadcast %while3A_17#3 : i32 to vector<16xi32>
            %lt3A_338 = arith.cmpi slt, %add3A_334, %lt3A_337 : vector<16xi32>
            %and3A_339 = arith.andi %ge3A_336, %lt3A_338 : vector<16xi1>
            %get3A_340 = arith.index_cast %while3A_233 : i32 to index
            %get3A_341 = arith.index_cast %add3A_331 : i32 to index
            %get3A_342 = tpu.vector_load %arg7[%get3A_340, %get3A_341] {strides = array<i32>} : memref<2x5120xi32, #tpu.memory_space<vmem>>, vector<16xi32>,
            %bitcast3A_343 = vector.bitcast %get3A_342 : vector<16xi32> to vector<16xi32>
            %get3A_344 = arith.index_cast %while3A_233 : i32 to index
            %get3A_345 = arith.index_cast %add3A_331 : i32 to index
            %get3A_346 = tpu.vector_load %arg8[%get3A_344, %get3A_345] {strides = array<i32>} : memref<2x5136xi32, #tpu.memory_space<vmem>>, vector<16xi32>,
            %bitcast3A_347 = vector.bitcast %get3A_346 : vector<16xi32> to vector<16xi32>
            %sub3A_348 = vector.broadcast %mul3A_2 : i32 to vector<16xi32>
            %sub3A_349 = arith.subi %bitcast3A_347, %sub3A_348 : vector<16xi32>
            %gather3A_350 = tpu.vector_load_idx %arg6[%bitcast3A_343] : memref<100000xf32, #tpu.memory_space<vmem>>[vector<16xi32>], vector<16xf32>,
            %jit3A_351 = arith.constant 0 : i64
            %jit3A_352 = arith.constant 3199 : i64
            %convert_element_type3A_353 = arith.trunci %jit3A_351 : i64 to i32
            %max3A_354 = vector.broadcast %convert_element_type3A_353 : i32 to vector<16xi32>
            %max3A_355 = arith.maxsi %max3A_354, %sub3A_349 : vector<16xi32>
            %convert_element_type3A_356 = arith.trunci %jit3A_352 : i64 to i32
            %min3A_357 = vector.broadcast %convert_element_type3A_356 : i32 to vector<16xi32>
            %min3A_358 = arith.minsi %min3A_357, %max3A_355 : vector<16xi32>
            tpu.vector_store_idx %arg9[%min3A_358], %gather3A_350 masked %and3A_339 {add = true} : memref<3200xf32, #tpu.memory_space<vmem>>[vector<16xi32>], vector<16xf32>, vector<16xi1>
          }
          %while3A_243 = arith.constant 1 : i32
          scf.for %while3A_244 = %while3A_241 to %while3A_237 step %while3A_243  : i32 {
            %mul3A_245 = arith.constant 64 : i32
            %mul3A_246 = arith.muli %while3A_244, %mul3A_245 : i32
            %add3A_247 = arith.constant 0 : i32
            %add3A_248 = arith.addi %mul3A_246, %add3A_247 : i32
            %add3A_249 = arith.addi %mul3A_231, %add3A_248 : i32
            %add3A_250 = vector.broadcast %add3A_249 : i32 to vector<16xi32>
            %add3A_251 = arith.addi %add3A_250, %iota3A : vector<16xi32>
            %ge3A_252 = vector.broadcast %while3A_17#1 : i32 to vector<16xi32>
            %ge3A_253 = arith.cmpi sge, %add3A_251, %ge3A_252 : vector<16xi32>
            %lt3A_254 = vector.broadcast %while3A_17#3 : i32 to vector<16xi32>
            %lt3A_255 = arith.cmpi slt, %add3A_251, %lt3A_254 : vector<16xi32>
            %and3A_256 = arith.andi %ge3A_253, %lt3A_255 : vector<16xi1>
            %get3A = arith.index_cast %while3A_233 : i32 to index
            %get3A_257 = arith.index_cast %add3A_248 : i32 to index
            %get3A_258 = tpu.vector_load %arg7[%get3A, %get3A_257] {strides = array<i32>} : memref<2x5120xi32, #tpu.memory_space<vmem>>, vector<16xi32>,
            %bitcast3A = vector.bitcast %get3A_258 : vector<16xi32> to vector<16xi32>
            %get3A_259 = arith.index_cast %while3A_233 : i32 to index
            %get3A_260 = arith.index_cast %add3A_248 : i32 to index
            %get3A_261 = tpu.vector_load %arg8[%get3A_259, %get3A_260] {strides = array<i32>} : memref<2x5136xi32, #tpu.memory_space<vmem>>, vector<16xi32>,
            %bitcast3A_262 = vector.bitcast %get3A_261 : vector<16xi32> to vector<16xi32>
            %sub3A_263 = vector.broadcast %mul3A_2 : i32 to vector<16xi32>
            %sub3A_264 = arith.subi %bitcast3A_262, %sub3A_263 : vector<16xi32>
            %gather3A = tpu.vector_load_idx %arg6[%bitcast3A] : memref<100000xf32, #tpu.memory_space<vmem>>[vector<16xi32>], vector<16xf32>,
            %jit3A_265 = arith.constant 0 : i64
            %jit3A_266 = arith.constant 3199 : i64
            %convert_element_type3A_267 = arith.trunci %jit3A_265 : i64 to i32
            %max3A_268 = vector.broadcast %convert_element_type3A_267 : i32 to vector<16xi32>
            %max3A_269 = arith.maxsi %max3A_268, %sub3A_264 : vector<16xi32>
            %convert_element_type3A_270 = arith.trunci %jit3A_266 : i64 to i32
            %min3A = vector.broadcast %convert_element_type3A_270 : i32 to vector<16xi32>
            %min3A_271 = arith.minsi %min3A, %max3A_269 : vector<16xi32>
            tpu.vector_store_idx %arg9[%min3A_271], %gather3A masked %and3A_256 {add = true} : memref<3200xf32, #tpu.memory_space<vmem>>[vector<16xi32>], vector<16xf32>, vector<16xi1>
            %add3A_272 = arith.constant 16 : i32
            %add3A_273 = arith.addi %mul3A_246, %add3A_272 : i32
            %add3A_274 = arith.addi %mul3A_231, %add3A_273 : i32
            %add3A_275 = vector.broadcast %add3A_274 : i32 to vector<16xi32>
            %add3A_276 = arith.addi %add3A_275, %iota3A : vector<16xi32>
            %ge3A_277 = vector.broadcast %while3A_17#1 : i32 to vector<16xi32>
            %ge3A_278 = arith.cmpi sge, %add3A_276, %ge3A_277 : vector<16xi32>
            %lt3A_279 = vector.broadcast %while3A_17#3 : i32 to vector<16xi32>
            %lt3A_280 = arith.cmpi slt, %add3A_276, %lt3A_279 : vector<16xi32>
            %and3A_281 = arith.andi %ge3A_278, %lt3A_280 : vector<16xi1>
            %get3A_282 = arith.index_cast %while3A_233 : i32 to index
            %get3A_283 = arith.index_cast %add3A_273 : i32 to index
            %get3A_284 = tpu.vector_load %arg7[%get3A_282, %get3A_283] {strides = array<i32>} : memref<2x5120xi32, #tpu.memory_space<vmem>>, vector<16xi32>,
            %bitcast3A_285 = vector.bitcast %get3A_284 : vector<16xi32> to vector<16xi32>
            %get3A_286 = arith.index_cast %while3A_233 : i32 to index
            %get3A_287 = arith.index_cast %add3A_273 : i32 to index
            %get3A_288 = tpu.vector_load %arg8[%get3A_286, %get3A_287] {strides = array<i32>} : memref<2x5136xi32, #tpu.memory_space<vmem>>, vector<16xi32>,
            %bitcast3A_289 = vector.bitcast %get3A_288 : vector<16xi32> to vector<16xi32>
            %sub3A_290 = vector.broadcast %mul3A_2 : i32 to vector<16xi32>
            %sub3A_291 = arith.subi %bitcast3A_289, %sub3A_290 : vector<16xi32>
            %gather3A_292 = tpu.vector_load_idx %arg6[%bitcast3A_285] : memref<100000xf32, #tpu.memory_space<vmem>>[vector<16xi32>], vector<16xf32>,
            %jit3A_293 = arith.constant 0 : i64
            %jit3A_294 = arith.constant 3199 : i64
            %convert_element_type3A_295 = arith.trunci %jit3A_293 : i64 to i32
            %max3A_296 = vector.broadcast %convert_element_type3A_295 : i32 to vector<16xi32>
            %max3A_297 = arith.maxsi %max3A_296, %sub3A_291 : vector<16xi32>
            %convert_element_type3A_298 = arith.trunci %jit3A_294 : i64 to i32
            %min3A_299 = vector.broadcast %convert_element_type3A_298 : i32 to vector<16xi32>
            %min3A_300 = arith.minsi %min3A_299, %max3A_297 : vector<16xi32>
            tpu.vector_store_idx %arg9[%min3A_300], %gather3A_292 masked %and3A_281 {add = true} : memref<3200xf32, #tpu.memory_space<vmem>>[vector<16xi32>], vector<16xf32>, vector<16xi1>
            %add3A_301 = arith.constant 32 : i32
            %add3A_302 = arith.addi %mul3A_246, %add3A_301 : i32
            %add3A_303 = arith.addi %mul3A_231, %add3A_302 : i32
            %add3A_304 = vector.broadcast %add3A_303 : i32 to vector<16xi32>
            %add3A_305 = arith.addi %add3A_304, %iota3A : vector<16xi32>
            %ge3A_306 = vector.broadcast %while3A_17#1 : i32 to vector<16xi32>
            %ge3A_307 = arith.cmpi sge, %add3A_305, %ge3A_306 : vector<16xi32>
            %lt3A_308 = vector.broadcast %while3A_17#3 : i32 to vector<16xi32>
            %lt3A_309 = arith.cmpi slt, %add3A_305, %lt3A_308 : vector<16xi32>
            %and3A_310 = arith.andi %ge3A_307, %lt3A_309 : vector<16xi1>
            %get3A_311 = arith.index_cast %while3A_233 : i32 to index
            %get3A_312 = arith.index_cast %add3A_302 : i32 to index
            %get3A_313 = tpu.vector_load %arg7[%get3A_311, %get3A_312] {strides = array<i32>} : memref<2x5120xi32, #tpu.memory_space<vmem>>, vector<16xi32>,
            %bitcast3A_314 = vector.bitcast %get3A_313 : vector<16xi32> to vector<16xi32>
            %get3A_315 = arith.index_cast %while3A_233 : i32 to index
            %get3A_316 = arith.index_cast %add3A_302 : i32 to index
            %get3A_317 = tpu.vector_load %arg8[%get3A_315, %get3A_316] {strides = array<i32>} : memref<2x5136xi32, #tpu.memory_space<vmem>>, vector<16xi32>,
            %bitcast3A_318 = vector.bitcast %get3A_317 : vector<16xi32> to vector<16xi32>
            %sub3A_319 = vector.broadcast %mul3A_2 : i32 to vector<16xi32>
            %sub3A_320 = arith.subi %bitcast3A_318, %sub3A_319 : vector<16xi32>
            %gather3A_321 = tpu.vector_load_idx %arg6[%bitcast3A_314] : memref<100000xf32, #tpu.memory_space<vmem>>[vector<16xi32>], vector<16xf32>,
            %jit3A_322 = arith.constant 0 : i64
            %jit3A_323 = arith.constant 3199 : i64
            %convert_element_type3A_324 = arith.trunci %jit3A_322 : i64 to i32
            %max3A_325 = vector.broadcast %convert_element_type3A_324 : i32 to vector<16xi32>
            %max3A_326 = arith.maxsi %max3A_325, %sub3A_320 : vector<16xi32>
            %convert_element_type3A_327 = arith.trunci %jit3A_323 : i64 to i32
            %min3A_328 = vector.broadcast %convert_element_type3A_327 : i32 to vector<16xi32>
            %min3A_329 = arith.minsi %min3A_328, %max3A_326 : vector<16xi32>
            tpu.vector_store_idx %arg9[%min3A_329], %gather3A_321 masked %and3A_310 {add = true} : memref<3200xf32, #tpu.memory_space<vmem>>[vector<16xi32>], vector<16xf32>, vector<16xi1>
            %add3A_330 = arith.constant 48 : i32
            %add3A_331 = arith.addi %mul3A_246, %add3A_330 : i32
            %add3A_332 = arith.addi %mul3A_231, %add3A_331 : i32
            %add3A_333 = vector.broadcast %add3A_332 : i32 to vector<16xi32>
            %add3A_334 = arith.addi %add3A_333, %iota3A : vector<16xi32>
            %ge3A_335 = vector.broadcast %while3A_17#1 : i32 to vector<16xi32>
            %ge3A_336 = arith.cmpi sge, %add3A_334, %ge3A_335 : vector<16xi32>
            %lt3A_337 = vector.broadcast %while3A_17#3 : i32 to vector<16xi32>
            %lt3A_338 = arith.cmpi slt, %add3A_334, %lt3A_337 : vector<16xi32>
            %and3A_339 = arith.andi %ge3A_336, %lt3A_338 : vector<16xi1>
            %get3A_340 = arith.index_cast %while3A_233 : i32 to index
            %get3A_341 = arith.index_cast %add3A_331 : i32 to index
            %get3A_342 = tpu.vector_load %arg7[%get3A_340, %get3A_341] {strides = array<i32>} : memref<2x5120xi32, #tpu.memory_space<vmem>>, vector<16xi32>,
            %bitcast3A_343 = vector.bitcast %get3A_342 : vector<16xi32> to vector<16xi32>
            %get3A_344 = arith.index_cast %while3A_233 : i32 to index
            %get3A_345 = arith.index_cast %add3A_331 : i32 to index
            %get3A_346 = tpu.vector_load %arg8[%get3A_344, %get3A_345] {strides = array<i32>} : memref<2x5136xi32, #tpu.memory_space<vmem>>, vector<16xi32>,
            %bitcast3A_347 = vector.bitcast %get3A_346 : vector<16xi32> to vector<16xi32>
            %sub3A_348 = vector.broadcast %mul3A_2 : i32 to vector<16xi32>
            %sub3A_349 = arith.subi %bitcast3A_347, %sub3A_348 : vector<16xi32>
            %gather3A_350 = tpu.vector_load_idx %arg6[%bitcast3A_343] : memref<100000xf32, #tpu.memory_space<vmem>>[vector<16xi32>], vector<16xf32>,
            %jit3A_351 = arith.constant 0 : i64
            %jit3A_352 = arith.constant 3199 : i64
            %convert_element_type3A_353 = arith.trunci %jit3A_351 : i64 to i32
            %max3A_354 = vector.broadcast %convert_element_type3A_353 : i32 to vector<16xi32>
            %max3A_355 = arith.maxsi %max3A_354, %sub3A_349 : vector<16xi32>
            %convert_element_type3A_356 = arith.trunci %jit3A_352 : i64 to i32
            %min3A_357 = vector.broadcast %convert_element_type3A_356 : i32 to vector<16xi32>
            %min3A_358 = arith.minsi %min3A_357, %max3A_355 : vector<16xi32>
            tpu.vector_store_idx %arg9[%min3A_358], %gather3A_350 masked %and3A_339 {add = true} : memref<3200xf32, #tpu.memory_space<vmem>>[vector<16xi32>], vector<16xf32>, vector<16xi1>
          }
        } else {
        }
        %add3A_224 = arith.constant 3 : i32
        %add3A_225 = arith.addi %add3A_135, %add3A_224 : i32
        %lt3A_226 = arith.cmpi slt, %add3A_225, %select_n3A_62 : i32
        %convert_element_type3A_227 = arith.extui %lt3A_226 : i1 to i32
        %cond3A_228 = arith.constant 0 : i32
        %cond3A_229 = arith.cmpi ne, %convert_element_type3A_227, %cond3A_228 : i32
        scf.if %cond3A_229 {
          %add3A_230 = arith.constant 3 : i32
          %add3A_231 = arith.addi %add3A_135, %add3A_230 : i32
          %mul3A_232 = arith.constant 5120 : i32
          %mul3A_233 = arith.muli %add3A_231, %mul3A_232 : i32
          %dma_start3A = arith.constant 1 : i32
          %dma_start3A_234 = arith.constant 0 : i32
          %dma_start3A_235 = tpu.memref_slice %arg7[%dma_start3A, %dma_start3A_234] : memref<2x5120xi32, #tpu.memory_space<vmem>> -> memref<1x5120xi32, #tpu.memory_space<vmem>>
          %dma_start3A_236 = tpu.memref_squeeze %dma_start3A_235 : memref<1x5120xi32, #tpu.memory_space<vmem>> -> memref<5120xi32, #tpu.memory_space<vmem>>
          %dma_start3A_237 = tpu.memref_slice %arg3[%mul3A_233] : memref<6400000xi32, #tpu.memory_space<hbm>> -> memref<5120xi32, #tpu.memory_space<hbm>>
          %dma_start3A_238 = arith.constant 0 : i32
          %dma_start3A_239 = tpu.memref_slice %arg7[%dma_start3A, %dma_start3A_238] : memref<2x5120xi32, #tpu.memory_space<vmem>> -> memref<1x5120xi32, #tpu.memory_space<vmem>>
          %dma_start3A_240 = tpu.memref_squeeze %dma_start3A_239 : memref<1x5120xi32, #tpu.memory_space<vmem>> -> memref<5120xi32, #tpu.memory_space<vmem>>
          %dma_start3A_241 = tpu.memref_slice %arg3[%mul3A_233] : memref<6400000xi32, #tpu.memory_space<hbm>> -> memref<5120xi32, #tpu.memory_space<hbm>>
          tpu.enqueue_dma source(%dma_start3A_241 : memref<5120xi32, #tpu.memory_space<hbm>>) target(%dma_start3A_240 : memref<5120xi32, #tpu.memory_space<vmem>>) target_semaphore(%arg13 : memref<!tpu.dma_semaphore, #tpu.memory_space<semaphore_mem>>)
          %mul3A_242 = arith.constant 5120 : i32
          %mul3A_243 = arith.muli %add3A_231, %mul3A_242 : i32
          %dma_start3A_244 = arith.constant 1 : i32
          %dma_start3A_245 = arith.constant 0 : i32
          %dma_start3A_246 = tpu.memref_slice %arg8[%dma_start3A_244, %dma_start3A_245] : memref<2x5136xi32, #tpu.memory_space<vmem>> -> memref<1x5120xi32, #tpu.memory_space<vmem>>
          %dma_start3A_247 = tpu.memref_squeeze %dma_start3A_246 : memref<1x5120xi32, #tpu.memory_space<vmem>> -> memref<5120xi32, #tpu.memory_space<vmem>>
          %dma_start3A_248 = tpu.memref_slice %arg4[%mul3A_243] : memref<6400000xi32, #tpu.memory_space<hbm>> -> memref<5120xi32, #tpu.memory_space<hbm>>
          %dma_start3A_249 = arith.constant 0 : i32
          %dma_start3A_250 = tpu.memref_slice %arg8[%dma_start3A_244, %dma_start3A_249] : memref<2x5136xi32, #tpu.memory_space<vmem>> -> memref<1x5120xi32, #tpu.memory_space<vmem>>
          %dma_start3A_251 = tpu.memref_squeeze %dma_start3A_250 : memref<1x5120xi32, #tpu.memory_space<vmem>> -> memref<5120xi32, #tpu.memory_space<vmem>>
          %dma_start3A_252 = tpu.memref_slice %arg4[%mul3A_243] : memref<6400000xi32, #tpu.memory_space<hbm>> -> memref<5120xi32, #tpu.memory_space<hbm>>
          tpu.enqueue_dma source(%dma_start3A_252 : memref<5120xi32, #tpu.memory_space<hbm>>) target(%dma_start3A_251 : memref<5120xi32, #tpu.memory_space<vmem>>) target_semaphore(%arg13 : memref<!tpu.dma_semaphore, #tpu.memory_space<semaphore_mem>>)
        } else {
        }
      } else {
      }
    }
    "tpu.region"() ({
      %run_scoped3A = tpu.sem_alloc : memref<!tpu.dma_semaphore, #tpu.memory_space<semaphore_mem>>
      %dma_start3A = tpu.memref_slice %arg5[%mul3A_2] : memref<102400xf32, #tpu.memory_space<hbm>> -> memref<3200xf32, #tpu.memory_space<hbm>>
      %dma_start3A_132 = tpu.memref_slice %arg5[%mul3A_2] : memref<102400xf32, #tpu.memory_space<hbm>> -> memref<3200xf32, #tpu.memory_space<hbm>>
      tpu.enqueue_dma source(%arg9 : memref<3200xf32, #tpu.memory_space<vmem>>) target(%dma_start3A_132 : memref<3200xf32, #tpu.memory_space<hbm>>) target_semaphore(%run_scoped3A : memref<!tpu.dma_semaphore, #tpu.memory_space<semaphore_mem>>)
      %dma_wait3A = tpu.memref_slice %arg5[%mul3A_2] : memref<102400xf32, #tpu.memory_space<hbm>> -> memref<3200xf32, #tpu.memory_space<hbm>>
      %dma_wait3A_133 = tpu.memref_slice %arg5[%mul3A_2] : memref<102400xf32, #tpu.memory_space<hbm>> -> memref<3200xf32, #tpu.memory_space<hbm>>
      tpu.wait_dma2 semaphore(%run_scoped3A : memref<!tpu.dma_semaphore, #tpu.memory_space<semaphore_mem>>) src(%arg9 : memref<3200xf32, #tpu.memory_space<vmem>>) dst(%dma_wait3A_133 : memref<3200xf32, #tpu.memory_space<hbm>>)
      tpu.yield
    }) : () -> ()
    return
  }
}

module attributes {stable_mosaic.version = 14 : i64} {
  func.func @_log_body(%arg0: memref<800x128xf32, #tpu.memory_space<vmem>>, %arg1: memref<800x128xf32, #tpu.memory_space<vmem>>) attributes {dimension_semantics = [], scalar_prefetch = 0 : i64, scratch_operands = 0 : i64, tpu.core_type = #tpu.core_type<tc>} {
    %get3A = arith.constant 0 : index
    %get3A_0 = arith.constant 0 : index
    %get3A_1 = vector.load %arg0[%get3A, %get3A_0] : memref<800x128xf32, #tpu.memory_space<vmem>>, vector<800x128xf32>
    %add3A = arith.constant 1.000000e-15 : f32
    %add3A_2 = vector.broadcast %add3A : f32 to vector<800x128xf32>
    %add3A_3 = arith.addf %get3A_1, %add3A_2 : vector<800x128xf32>
    %log3A = math.log %add3A_3 : vector<800x128xf32>
    %swap3A = arith.constant 0 : index
    %swap3A_4 = arith.constant 0 : index
    %swap3A_5 = vector.load %arg1[%swap3A, %swap3A_4] : memref<800x128xf32, #tpu.memory_space<vmem>>, vector<800x128xf32>
    tpu.vector_store %arg1[%swap3A, %swap3A_4], %log3A {strides = array<i32>} : memref<800x128xf32, #tpu.memory_space<vmem>>, vector<800x128xf32>,
    return
  }
}

</mosaic_0001>

<sc_bundles>
// kernel: kernel.4.cloned.1.call-start
scs
__scs_entry_jumppad:
0x0: {  	(pc) =	sbr.rel $0x88, $3  }
0x1: {  	(tag) =	ssettag $0x0;
	lr =	simm.s32 $0x1  }
0x2: {  	[smem:$0x3F9E] =	sst lr;
	_ =	strace $0xD0000000  }
0x3: {  	_ = 	snop  }
0x4: {  	_ = 	snop  }
0x5: {  	_ = 	snop  }
0x6: {  	_ = 	snop  }
0x7: {  	_ = 	snop  }
__scs_overlays_trampoline_lowered:
0x8: {  	[smem:$0x3FAD] =	sst s0  }
0x9: {  	[smem:$0x3FAE] =	sst s1  }
0xa: {  	[smem:$0x3FAF] =	sst s2  }
0xb: {  	[smem:$0x3FB0] =	sst s3  }
0xc: {  	[smem:$0x3FB1] =	sst s4  }
0xd: {  	[smem:$0x3FB2] =	sst s5  }
0xe: {  	[smem:$0x3FB3] =	sst s6  }
0xf: {  	[smem:$0x3FB4] =	sst s7  }
0x10: {  	[smem:$0x3FB5] =	sst s8  }
0x11: {  	[smem:$0x3FB6] =	sst s9;
	s0 =	simm.s32 @!p0 $0x0  }
0x12: {  	s1 =	sld [smem:$0x3F9C];
	s0 =	simm.s32 @p0 $0x1  }
0x13: {  	[smem:$0x3FB7] =	sst s0;
	s0 =	simm.s32 @!p1 $0x0  }
0x14: {  	s2 =	sld [smem:$0x3F9B];
	s0 =	simm.s32 @p1 $0x1  }
0x15: {  	[smem:$0x3FB8] =	sst s0;
	s0 =	simm.s32 @!p2 $0x0  }
0x16: {  	s3 =	sld [smem:$0x3FDB];
	s0 =	simm.s32 @p2 $0x1  }
0x17: {  	s4 =	simm.s32 $0x1BF5;
	[smem:$0x3FBA] =	sst s0  }
0x18: {  	s0 =	sld [smem:$0x3F9D];
	_ =	swait.ge [sflag:s4], $0x0  }
0x19: {  	s7 =	sld [smem:$0x3F9E]  }
0x1a: {  	s8 =	sadd.s32 $0xFFFFE003, lr  }
0x1b: {  	s9 =	sadd.s32 $0xFFFFFEF7, lr;
	s5 =	simm.s32 $0xFFFFFFFF;
	p2 =	slt.u32 s8, $0xFFFFF086  }
0x1c: {  	p1 =	slt.u32 s9, $0xF7A;
	s5 =	simm.s32 @!p2 $0x0  }
0x1d: {  	s5 =	simm.s32 @p1 $0x1;
	p0 =	seq.s32 s7, s2  }
0x1e: {  	s7 =	smul.u32 @!p0 $0xF7A, s2;
	p2 =	seq.s32 @!p0 s5, $0x0  }
0x1f: {  	s9 =	smul.u32 $0xF7A, s1;
	s8 =	simm.s32 @!p0 $0x1BF5;
	p2 =	por !p2, p0  }
0x20: {  	[sflag:s8] =	ssyncset.s32 @!p0 $0xFFFFF086;
	s6 =	sadd.s32 @!p0 s3, s7;
	s7 =	simm.s32 @!p0 $0x108  }
0x21: {  	s3 =	sadd.s32 s3, s9;
	s6 =	sadd.s32 @!p0 $0x88, s6;
	s7 =	simm.s32 @p2 $0x1082  }
0x22: {  	[simem:s7], [sflag:s8] =	dma.local @!p0 [hbm:s6], $0xF7A  }
0x23: {  	s9 =	sor.u32 $0xD0000000, s2;
	s6 =	simm.s32 $0x108;
	_ =	swait.ge @!p0 [sflag:s8], $0x0  }
0x24: {  	s3 =	sadd.s32 $0x88, s3;
	s6 =	simm.s32 @!p1 $0x1082;
	[sflag:s4] =	ssyncset.s32 $0xFFFFF086  }
0x25: {  	[simem:s6], [sflag:s4] =	dma.local [hbm:s3], $0xF7A  }
0x26: {  	[smem:$0x3F9E] =	sst s1;
	(tag) =	ssettag s2;
	_ =	strace s9  }
0x27: {  	s1 =	sld [smem:$0x3FAE]  }
0x28: {  	s2 =	sld [smem:$0x3FAF]  }
0x29: {  	s4 =	sld [smem:$0x3FB1]  }
0x2a: {  	p0 =	seq.s32 s5, $0x0;
	s5 =	sld [smem:$0x3FB2]  }
0x2b: {  	s6 =	sld [smem:$0x3FB3]  }
0x2c: {  	s7 =	sld [smem:$0x3FB4]  }
0x2d: {  	s3 =	simm.s32 $0x108;
	s8 =	sld [smem:$0x3FB5]  }
0x2e: {  	s3 =	simm.s32 @!p0 $0x1082;
	s9 =	sld [smem:$0x3FB6]  }
0x2f: {  	lr =	sadd.s32 s0, s3;
	s0 =	sld [smem:$0x3FAD]  }
0x30: {  	s3 =	sld [smem:$0x3FB0]  }
0x31: {  	[smem:$0x3FB9] =	sst s10  }
0x32: {  	s10 =	sld [smem:$0x3FB7];
	_ =	sdelay $0x3  }
0x33: {  	p0 =	seq.s32 s10, $0x1;
	s10 =	sld [smem:$0x3FB9];
	_ =	sdelay $0x3  }
0x34: {  	[smem:$0x3FB9] =	sst s10  }
0x35: {  	s10 =	sld [smem:$0x3FB8];
	_ =	sdelay $0x3  }
0x36: {  	p1 =	seq.s32 s10, $0x1;
	s10 =	sld [smem:$0x3FB9];
	_ =	sdelay $0x3  }
0x37: {  	[smem:$0x3FB9] =	sst s10  }
0x38: {  	s10 =	sld [smem:$0x3FBA]  }
0x39: {  	_ = 	snop;
	(pc) =	sbr.ind lr, $3  }
0x3a: {  	_ = 	snop  }
0x3b: {  	_ = 	snop  }
0x3c: {  	p2 =	seq.s32 s10, $0x1;
	s10 =	sld [smem:$0x3FB9]  }
0x3d: {  	_ =	shalt  }
0x3e: {  	_ =	shalt  }
0x3f: {  	_ =	shalt  }
0x40: {  	_ =	shalt  }
0x41: {  	_ =	shalt  }
0x42: {  	_ =	shalt  }
0x43: {  	_ =	shalt  }
0x44: {  	_ =	shalt  }
0x45: {  	_ =	shalt  }
0x46: {  	_ =	shalt  }
0x47: {  	_ =	shalt  }
0x48: {  	_ =	shalt  }
0x49: {  	_ =	shalt  }
0x4a: {  	_ =	shalt  }
0x4b: {  	_ =	shalt  }
0x4c: {  	_ =	shalt  }
0x4d: {  	_ =	shalt  }
0x4e: {  	_ =	shalt  }
0x4f: {  	_ =	shalt  }
0x50: {  	_ =	shalt  }
0x51: {  	_ =	shalt  }
0x52: {  	_ =	shalt  }
0x53: {  	_ =	shalt  }
0x54: {  	_ =	shalt  }
0x55: {  	_ =	shalt  }
0x56: {  	_ =	shalt  }
0x57: {  	_ =	shalt  }
0x58: {  	_ =	shalt  }
0x59: {  	_ =	shalt  }
0x5a: {  	_ =	shalt  }
0x5b: {  	_ =	shalt  }
0x5c: {  	_ =	shalt  }
0x5d: {  	_ =	shalt  }
0x5e: {  	_ =	shalt  }
0x5f: {  	_ =	shalt  }
0x60: {  	_ =	shalt  }
0x61: {  	_ =	shalt  }
0x62: {  	_ =	shalt  }
0x63: {  	_ =	shalt  }
0x64: {  	_ =	shalt  }
0x65: {  	_ =	shalt  }
0x66: {  	_ =	shalt  }
0x67: {  	_ =	shalt  }
0x68: {  	_ =	shalt  }
0x69: {  	_ =	shalt  }
0x6a: {  	_ =	shalt  }
0x6b: {  	_ =	shalt  }
0x6c: {  	_ =	shalt  }
0x6d: {  	_ =	shalt  }
0x6e: {  	_ =	shalt  }
0x6f: {  	_ =	shalt  }
0x70: {  	_ =	shalt  }
0x71: {  	_ =	shalt  }
0x72: {  	_ =	shalt  }
0x73: {  	_ =	shalt  }
0x74: {  	_ =	shalt  }
0x75: {  	_ =	shalt  }
0x76: {  	_ =	shalt  }
0x77: {  	_ =	shalt  }
0x78: {  	_ =	shalt  }
0x79: {  	_ =	shalt  }
0x7a: {  	_ =	shalt  }
0x7b: {  	_ =	shalt  }
0x7c: {  	_ =	shalt  }
0x7d: {  	_ =	shalt  }
0x7e: {  	_ =	shalt  }
0x7f: {  	_ =	shalt  }
0x80: {  	_ =	shalt  }
0x81: {  	_ =	shalt  }
0x82: {  	_ =	shalt  }
0x83: {  	_ =	shalt  }
0x84: {  	_ =	shalt  }
0x85: {  	_ =	shalt  }
0x86: {  	_ =	shalt  }
0x87: {  	_ =	shalt  }
.Lfunc_end0:
.L_simem_size_0:
called_computation_lowered:
.L_overlay_start_0:
0x88: {  	s2 =	sld [smem:$0x3FD9]  }
0x89: {  	s3 =	sld [smem:$0x3FFE];
	_ =	sdelay $0x1  }
0x8a: {  	s1 =	srdreg.scid  }
0x8b: {  	s0 =	sand.u32 $0x1, s1  }
0x8c: {  	s17 =	sshll.u32 s0, $0xA;
	s2 =	sadd.s32 s3, s2  }
0x8d: {  	s2 =	sadd.s32 s2, s17  }
0x8e: {  	[smem:$0x3FC5] =	sst s2  }
0x8f: {  	_ = 	snop  }
0x90: {  	s2 =	sld [smem:$0x3FD0];
	(tm) =	ssettm $0x1  }
0x91: {  	s18 =	sld [smem:$0x3FFB];
	_ =	sdelay $0x3  }
0x92: {  	_ =	strace s18  }
0x93: {  	s3 =	sld [smem:$0x3FFC];
	_ =	sdelay $0x3  }
0x94: {  	_ =	strace s3  }
0x95: {  	s3 =	sld [smem:$0x3FFD];
	_ =	sdelay $0x3  }
0x96: {  	_ =	strace s3  }
0x97: {  	_ =	strace $0x8FFFFFFF  }
0x98: {  	s19 =	sld [smem:$0x3FDB];
	_ =	sdelay $0x1  }
0x99: {  	s4 =	simm.s32 $_scs_section_size  }
0x9a: {  	s5 =	simm.s32 $_size__tile_overlayer_lowered;
	s6 =	simm.s32 $_tile_overlayer_lowered  }
0x9b: {  	s22 =	simm.s32 $0x1BFF;
	s21 =	sshll.u32 s6, $0x1;
	s3 =	sadd.s32 s4, s19  }
0x9c: {  	s7 =	simm.s32 $0x0;
	s20 =	sshll.u32 s5, $0x1;
	s5 =	sadd.s32 s21, s3  }
0x9d: {  	[timem:s7], [sflag:s22] =	dma.local [hbm:s5], s20  }
0x9e: {  	_ =	swait.ge [sflag:s22], s20  }
0x9f: {  	s4 =	ssub.s32 $0x0, s20;
	[sflag:s22] =	ssyncset.done $0x0  }
0xa0: {  	[sflag:s22] =	ssyncadd.s32 s4;
	_ =	sdelay $0x1  }
0xa1: {  	s23 =	simm.s32 $0x1B8B  }
0xa2: {  	_ =	swait.ge [sflag:s23], $0x1  }
0xa3: {  	[sflag:s23] =	ssyncset.done $0x0  }
0xa4: {  	s25 =	simm.s32 $0x1B8E;
	s24 =	sld [smem:$0x3FFE];
	[sflag:s23] =	ssyncadd.s32 $0xFFFFFFFF  }
0xa5: {  	s26 =	simm.s32 $execute0_lowered;
	[smem:$0x3FD2] =	sst s25  }
0xa6: {  	s5 =	sshll.u32 s26, $0x1;
	_ =	strace $0x80000046;
	[dreg:$0x1] =	wrdreg $0xFFFFFFFF  }
0xa7: {  	s28 =	simm.s32 $_size_execute0_lowered;
	s3 =	sadd.s32 s3, s5;
	[dreg:$0x0] =	wrdreg $0x0  }
0xa8: {  	s5 =	sshll.u32 s28, $0x1;
	[dreg:$0x2] =	wrdreg s3  }
0xa9: {  	[dreg:$0x3] =	wrdreg s5  }
0xaa: {  	[dreg:$0x4] =	wrdreg $0xC0  }
0xab: {  	_ =	task [dreg:s7], $0x5FFFF  }
0xac: {  	[dreg:$0x1] =	wrdreg $0xFFFFFFFF  }
0xad: {  	[dreg:$0x0] =	wrdreg $0x60  }
0xae: {  	[dreg:$0x2] =	wrdreg s2  }
0xaf: {  	[dreg:$0x3] =	wrdreg s24  }
0xb0: {  	[dreg:$0x4] =	wrdreg $0x9  }
0xb1: {  	_ =	task.clear_ibuf [dreg:s7], $0x5FFFF;
	_ =	strace $0x90000046  }
0xb2: {  	s29 =	simm.s32 $0x9;
	_ =	strace $0x80000048  }
0xb3: {  	_ =	swait.ge [sflag:s29], $0x1  }
0xb4: {  	[sflag:s29] =	ssyncadd.s32 $0xFFFFFFFF  }
0xb5: {  	_ =	strace $0x90000048  }
0xb6: {  	_ =	sfence  }
0xb7: {  	s30 =	sld [smem:$0x0];
	_ =	sdelay $0x2  }
0xb8: {  	s31 =	sshll.u32 s1, $0xD;
	s1 =	sshrl.u32 s1, $0x2  }
0xb9: {  	s3 =	sand.u32 $0x4000, s31;
	s1 =	sadd.s32 s1, s30  }
0xba: {  	s0 =	sor.u32 s3, s0;
	s1 =	sshll.u32 s1, $0x11  }
0xbb: {  	s0 =	sor.u32 s1, s0  }
0xbc: {  	s0 =	sadd.s32 $0x8F2B, s0  }
0xbd: {  	[sflag:s0] =	ssyncadd.remote.s32 $0x1  }
0xbe: {  	_ =	sfence.sel $0xFFFF  }
0xbf: {  	[dreg:$0x0] =	wrdreg $0xFFFFFFFF;
	(pc) =	sbr.abs _section_cstart, $3  }
0xc0: {  	[dreg:$0x1] =	wrdreg $0xFFFFFFFF  }
0xc1: {  	_ =	task.clear_ibuf [dreg:s7], $0x2FFFF;
	_ =	strace $0x9FFFFFFF  }
0xc2: {  	(tm) =	ssettm $0x7FFFFFFF  }
0xc3: {  	_ =	shalt  }
tec
execute0_lowered:
.L_overlay_start_1:
0x0: {  	(tag) =	ssettag $0x1  }
0x1: {  	s0 =	srdreg.scid;
	s2 =	stileid.u32  }
0x2: {  	s1 =	rddreg [dreg:$0x1];
	s3 =	simm.s32 $0x0;
	s30 =	simm.s32 $0x1E480  }
0x3: {  	s31 =	simm.s32 $0x1E500;
	s10 =	simm.s32 $0x1;
	s11 =	simm.s32 $0x4  }
0x4: {  	s12 =	simm.s32 $0x3;
	s0 =	sand.u32 $0x1, s0;
	s2 =	sshll.u32 s2, $0x1  }
0x5: {  	v0 =	vimm.s32 $0xEDCBA987;
	s13 =	simm.s32 $0x1D800;
	s14 =	simm.s32 $0x2;
	s2 =	sor.u32 s0, s2  }
0x6: {  	v1 =	vimm.s32 $0x65432100;
	s15 =	simm.s32 $0x5;
	s16 =	simm.s32 $0x0;
	v0 =	vunpack.c.l.s4.s8 v0;
	s4 =	smul.u32 $0xC80, s2  }
.Ltmp0:
0x7: {  	[smem:$0x7FF] =	sst s3;
	s5 =	sadd.s32 $0x600, s1;
	v1 =	vunpack.c.l.s4.s8 v1;
	(pc) =	sbr.rel .LBB2_1-.Ltmp0, $4  }
0x8: {  	s6 =	sadd.s32 $0xC3C00, s1;
	_ =	strace $0x80000047;
	s0 =	ssub.s32 $0x2, s0;
	v2 =	vunpack.c.0.s8.s32 v0  }
0x9: {  	[dreg:$0x3] =	wrdreg s30;
	s29 =	sshrl.u32 s0, $0x1;
	v3 =	vunpack.c.0.s8.s32 v1;
	s2 =	sshrl.u32 s4, $0x3  }
0xa: {  	vm0 =	vcmask $0x3F3C;
	[dreg:$0x4] =	wrdreg s31;
	v1 =	vimm.f32 $0.0e+00;
	s0 =	ssub.s32 s0, s29;
	v4 =	vand.u32 $0xF, v2;
	s1 =	sadd.s32 s2, s1  }
0xb: {  	s7 =	sadd.s32 $0xC80, s4;
	s9 =	smax.u32 s0, $0x1;
	v0 =	vmov s4;
	v2 =	vlaneseq.u32;
	v3 =	vcombine.low v3, v4;
	s8 =	sadd.s32 $0x187200, s1  }
.LBB2_45:
0xc: {  	s16 =	sadd.s32 $0x1, s16  }
0xd: {  	p0 =	sne.s32 s16, s9  }
.Ltmp1:
0xe: {  	_ = 	snop;
	(pc) =	sbr.rel @!p0 .LBB2_46-.Ltmp1, $4  }
0xf: {  	[hbm4b:s8+s3] =	stream.linear.scatter [tilespmem:s13], [sflag:$0x5], $0xC80, $0x38;
	[tilespmem:$0x1E580] =	vst v63  }
0x10: {  	_ =	swait.ge [sflag:s15], $0xC80  }
0x11: {  	[sflag:s15] =	ssyncset.done $0x0  }
0x12: {  	[sflag:s15] =	ssyncadd.s32 $0xFFFFF380  }
.LBB2_1:
0x13: {  	s0 =	rddreg [dreg:$0x0];
	s29 =	simm.s32 $0x61A800  }
0x14: {  	[tilespmem:s3], [sflag:$0x3] =	stream.linear.gather [hbm4b:s0+s3], $0x18700, $0x38;
	[tilespmem:$0x1E580] =	vst v63  }
0x15: {  	s0 =	sand.u32 $0x1, s29  }
0x16: {  	p0 =	por $0x0, $0x0;
	p1 =	seq.s32 s0, $0x1  }
0x17: {  	p0 =	por !p0, !p1  }
0x18: {  	s0 =	simm.s32 $0x1;
	p0 =	por !p0, !p0  }
0x19: {  	s0 =	simm.s32 @!p0 $0x0  }
0x1a: {  	s17 =	ssub.s32 $0x30D400, s0  }
0x1b: {  	p0 =	slt.s32 s17, $0x61A7FF;
	s0 =	smov.u32 s17  }
0x1c: {  	s0 =	simm.s32 @!p0 $0x61A7FF  }
0x1d: {  	s1 =	sand.u32 $0x7, s0  }
0x1e: {  	p6 =	slt.s32 s17, $0x1;
	s2 =	sshra.s32 s0, $0x1F;
	p5 =	sne.s32 s1, $0x0  }
0x1f: {  	s30 =	sshrl.u32 s2, $0x1D;
	p0 =	por !p6, !p5  }
0x20: {  	s2 =	simm.s32 $0x1;
	s1 =	sadd.s32 s30, s0;
	p0 =	por !p0, !p0  }
0x21: {  	s1 =	sshrl.u32 s1, $0x3;
	s2 =	simm.s32 @!p0 $0x0  }
0x22: {  	s1 =	ssub.s32 s1, s2  }
0x23: {  	s1 =	sshll.u32 s1, $0x3  }
0x24: {  	p0 =	slt.s32 s1, $0x61A7F0  }
0x25: {  	s1 =	simm.s32 @!p0 $0x61A7F0  }
0x26: {  	s18 =	sshrl.u32 s1, $0x3  }
0x27: {  	s31 =	rddreg [dreg:$0x3];
	s18 =	sadd.s32 s6, s18  }
0x28: {  	[tilespmem:s31], [sflag:$0x4] =	stream.linear.gather [hbm4b:s18+s3], $0x10, $0x38;
	[tilespmem:$0x1E580] =	vst v63  }
0x29: {  	s19 =	rddreg [dreg:$0x4]  }
0x2a: {  	[tilespmem:s19], [sflag:$0x4] =	stream.linear.gather [hbm4b:s18+s3], $0x10, $0x38;
	[tilespmem:$0x1E580] =	vst v63  }
0x2b: {  	_ =	swait.ge [sflag:s11], $0x10  }
0x2c: {  	[sflag:s11] =	ssyncset.done $0x0  }
0x2d: {  	[sflag:s11] =	ssyncadd.s32 $0xFFFFFFF0  }
0x2e: {  	_ =	swait.ge [sflag:s11], $0x10  }
0x2f: {  	[sflag:s11] =	ssyncset.done $0x0  }
0x30: {  	s22 =	simm.s32 $0x61A800;
	[sflag:s11] =	ssyncadd.s32 $0xFFFFFFF0  }
0x31: {  	s20 =	simm.s32 $0x0;
	s21 =	simm.s32 $0x0;
	s0 =	ssub.s32 s0, s1;
	v6 =	vld [tilespmem:$0x1E480]  }
0x32: {  	s23 =	simm.s32 $0x61A800;
	v4 =	vmov s0;
	v5 =	vmov s0;
	s19 =	simm.s32 $0x16;
	s18 =	smov.u32 s17;
	v7 =	vld [tilespmem:$0x1E500]  }
.LBB2_2:
0x33: {  	_ =	sdelay $0x1  }
0x34: {  	v4 =	vadd.s32 $0x10, v4  }
0x35: {  	v5 =	vadd.s32 $0x10, v5;
	v4 =	vperm.xlane v6, v4  }
0x36: {  	v5 =	vperm.xlane v7, v5  }
0x37: {  	(v2sf) =	vpush v4, $0x0  }
0x38: {  	(v2sf) =	vpush v5, $0x0;
	_ =	sdelay $0xb  }
0x39: {  	s24 =	smov.u32 s23;
	s0 =	smov.u32 s21;
	s1 =	smov.u32 s22  }
0x3a: {  	s2 =	smov.u32 s20;
	p2 =	sge.s32 s20, s22;
	p1 =	sge.s32 s21, s23  }
0x3b: {  	s20 =	sadd.s32 $0x1, s17;
	s21 =	sadd.s32 $0x1, s18;
	s28 =	spop (v2sf)  }
0x3c: {  	p3 =	sge.s32 s28, s4;
	p4 =	slt.s32 s28, s4;
	s29 =	spop (v2sf)  }
0x3d: {  	s20 =	smov.u32 @p3 s2;
	s17 =	smov.u32 @p4 s1;
	p3 =	sge.s32 s29, s7  }
0x3e: {  	s20 =	smov.u32 @p2 s2;
	s22 =	smov.u32 s17;
	s21 =	smov.u32 @p3 s0  }
0x3f: {  	s17 =	simm.s32 $0x1;
	s22 =	smov.u32 @p2 s1;
	p2 =	slt.s32 s29, s7  }
0x40: {  	s21 =	smov.u32 @p1 s0;
	s1 =	sadd.s32 s20, s22;
	s18 =	smov.u32 @p2 s24  }
0x41: {  	s30 =	sshrl.u32 s1, $0x1F;
	s31 =	sand.u32 $0x1, s1;
	s23 =	smov.u32 s18  }
0x42: {  	p4 =	slt.s32 s1, $0x1;
	p5 =	seq.s32 s31, $0x1;
	s23 =	smov.u32 @p1 s24  }
0x43: {  	s18 =	sadd.s32 s30, s1;
	s1 =	simm.s32 $0x1;
	s24 =	sadd.s32 s21, s23  }
0x44: {  	p6 =	por !p4, !p5;
	s0 =	sshra.s32 s18, $0x1;
	s25 =	sand.u32 $0x1, s24  }
0x45: {  	p1 =	por !p6, !p6;
	p2 =	slt.s32 s24, $0x1;
	p3 =	seq.s32 s25, $0x1  }
0x46: {  	s26 =	sshrl.u32 s24, $0x1F;
	s17 =	simm.s32 @!p1 $0x0;
	p1 =	por !p2, !p3  }
0x47: {  	s17 =	ssub.s32 s0, s17;
	s0 =	sadd.s32 s26, s24;
	p1 =	por !p1, !p1  }
0x48: {  	p2 =	slt.s32 s17, $0x61A7FF;
	s0 =	sshra.s32 s0, $0x1;
	s2 =	smov.u32 s17  }
0x49: {  	p5 =	slt.s32 s17, $0x1;
	s1 =	simm.s32 @!p1 $0x0;
	s2 =	simm.s32 @!p2 $0x61A7FF  }
0x4a: {  	s18 =	ssub.s32 s0, s1;
	s28 =	sshra.s32 s2, $0x1F;
	s29 =	sand.u32 $0x7, s2  }
0x4b: {  	p4 =	sne.s32 s29, $0x0;
	p3 =	slt.s32 s18, $0x61A7FF;
	s1 =	smov.u32 s18  }
0x4c: {  	p1 =	slt.s32 s18, $0x1;
	s0 =	sshrl.u32 s28, $0x1D;
	s1 =	simm.s32 @!p3 $0x61A7FF  }
0x4d: {  	p2 =	por !p5, !p4;
	s0 =	sadd.s32 s0, s2;
	s30 =	sshra.s32 s1, $0x1F  }
0x4e: {  	s25 =	sand.u32 $0x7, s1;
	p2 =	por !p2, !p2;
	s0 =	sshrl.u32 s0, $0x3  }
0x4f: {  	s24 =	sshrl.u32 s30, $0x1D;
	p6 =	sne.s32 s25, $0x0;
	s25 =	simm.s32 $0x1  }
0x50: {  	s24 =	sadd.s32 s24, s1;
	p1 =	por !p1, !p6;
	s25 =	simm.s32 @!p2 $0x0  }
0x51: {  	p1 =	por !p1, !p1;
	s0 =	ssub.s32 s0, s25;
	s25 =	simm.s32 $0x1  }
0x52: {  	s24 =	sshrl.u32 s24, $0x3;
	s25 =	simm.s32 @!p1 $0x0  }
0x53: {  	s0 =	sshll.u32 s0, $0x3;
	s24 =	ssub.s32 s24, s25  }
0x54: {  	p1 =	slt.s32 s0, $0x61A7F0;
	s24 =	sshll.u32 s24, $0x3  }
0x55: {  	s0 =	simm.s32 @!p1 $0x61A7F0;
	p1 =	slt.s32 s24, $0x61A7F0  }
0x56: {  	s28 =	sshrl.u32 s0, $0x3;
	s24 =	simm.s32 @!p1 $0x61A7F0  }
0x57: {  	s26 =	rddreg [dreg:$0x3];
	s31 =	sadd.s32 s6, s28;
	s29 =	sshrl.u32 s24, $0x3  }
0x58: {  	[tilespmem:s26], [sflag:$0x4] =	stream.linear.gather [hbm4b:s31+s3], $0x10, $0x38;
	[tilespmem:$0x1E580] =	vst v63  }
0x59: {  	s25 =	rddreg [dreg:$0x4];
	s31 =	sadd.s32 s6, s29  }
0x5a: {  	[tilespmem:s25], [sflag:$0x4] =	stream.linear.gather [hbm4b:s31+s3], $0x10, $0x38;
	[tilespmem:$0x1E580] =	vst v63  }
0x5b: {  	_ =	swait.ge [sflag:s11], $0x10  }
0x5c: {  	[sflag:s11] =	ssyncset.done $0x0  }
0x5d: {  	p0 =	sne.s32 s19, $0x1;
	[sflag:s11] =	ssyncadd.s32 $0xFFFFFFF0  }
.Ltmp2:
0x5e: {  	_ =	swait.ge [sflag:s11], $0x10;
	(pc) =	sbr.rel @p0 .LBB2_2-.Ltmp2, $4  }
0x5f: {  	[sflag:s11] =	ssyncset.done $0x0  }
0x60: {  	[sflag:s11] =	ssyncadd.s32 $0xFFFFFFF0  }
0x61: {  	s0 =	ssub.s32 s2, s0;
	s30 =	ssub.s32 s1, s24;
	v6 =	vld [tilespmem:$0x1E480]  }
0x62: {  	s19 =	sadd.s32 $0xFFFFFFFF, s19;
	v4 =	vmov s0;
	v5 =	vmov s30;
	v7 =	vld [tilespmem:$0x1E500]  }
0x63: {  	_ =	sdelay $0x1  }
0x64: {  	v4 =	vadd.s32 $0x10, v4  }
0x65: {  	v5 =	vadd.s32 $0x10, v5;
	v4 =	vperm.xlane v6, v4  }
0x66: {  	v5 =	vperm.xlane v7, v5  }
0x67: {  	(v2sf) =	vpush v4, $0x0  }
0x68: {  	(v2sf) =	vpush v5, $0x0;
	_ =	sdelay $0xd  }
0x69: {  	s0 =	spop (v2sf)  }
0x6a: {  	p0 =	slt.s32 s0, s4;
	s19 =	spop (v2sf)  }
0x6b: {  	p1 =	sge.s32 s20, s22;
	s17 =	smov.u32 @p0 s22;
	p0 =	slt.s32 s19, s7  }
0x6c: {  	p2 =	sge.s32 s21, s23;
	s17 =	smov.u32 @p1 s22;
	s18 =	smov.u32 @p0 s23  }
0x6d: {  	s18 =	smov.u32 @p2 s23;
	s23 =	smulhi.u32 $0x66666667, s17;
	s1 =	sshra.s32 s17, $0x1F  }
0x6e: {  	s1 =	smul.u32 $0x66666667, s1;
	s2 =	sadd.s32 $0x13FF, s18  }
0x6f: {  	s19 =	smulhi.u32 $0x66666667, s2;
	s24 =	sshra.s32 s2, $0x1F  }
0x70: {  	s20 =	smul.u32 $0x66666667, s24  }
0x71: {  	s0 =	sadd.s32 s1, s23  }
0x72: {  	s1 =	sshrl.u32 s0, $0x1F;
	s0 =	sshra.s32 s0, $0xB;
	s19 =	sadd.s32 s20, s19  }
0x73: {  	s23 =	sadd.s32 s1, s0;
	s25 =	sshrl.u32 s19, $0x1F;
	s26 =	sshra.s32 s19, $0xB  }
0x74: {  	s28 =	smul.u32 $0xFFFFEC00, s23;
	s0 =	sadd.s32 s25, s26  }
0x75: {  	s30 =	smul.u32 $0xFFFFEC00, s0  }
0x76: {  	s29 =	ssub.s32 $0x0, s17;
	p1 =	slt.s32 s17, $0x1;
	s31 =	ssub.s32 $0xFFFFEC01, s18  }
0x77: {  	p5 =	slt.s32 s2, $0x1;
	p4 =	sne.s32 s28, s29;
	p6 =	sne.s32 s30, s31  }
0x78: {  	s2 =	simm.s32 $0x1;
	p0 =	por !p1, !p4;
	p1 =	por !p5, !p6  }
0x79: {  	s1 =	simm.s32 $0x1;
	p0 =	por !p0, !p0;
	p1 =	por !p1, !p1  }
0x7a: {  	s1 =	simm.s32 @!p0 $0x0;
	s2 =	simm.s32 @!p1 $0x0  }
0x7b: {  	s19 =	ssub.s32 s23, s1;
	s20 =	ssub.s32 s0, s2  }
0x7c: {  	p1 =	sle.s32 s20, s19  }
.Ltmp3:
0x7d: {  	_ = 	snop;
	(pc) =	sbr.rel @p1 .LBB2_9-.Ltmp3, $2  }
0x7e: {  	_ =	sdelay $0x2  }
0x7f: {  	s21 =	smul.u32 $0x1400, s19  }
0x80: {  	s0 =	smul.u32 $0x1400, s19;
	_ =	sdelay $0x1  }
0x81: {  	s22 =	sshrl.u32 s0, $0x3  }
0x82: {  	s25 =	simm.s32 $0x18700;
	s24 =	sadd.s32 s5, s22  }
0x83: {  	s26 =	simm.s32 $0x10;
	s1 =	simm.s32 $0x18800;
	s0 =	sadd.s32 $0x0, s24  }
.LBB2_5:
0x84: {  	[tilespmem:s25], [sflag:$0x1] =	stream.linear.gather [hbm4b:s0+s3], $0x80, $0x38;
	[tilespmem:$0x1E580] =	vst v63  }
0x85: {  	s0 =	smov.u32 s26;
	s25 =	smov.u32 s1;
	p1 =	sne.s32 s26, $0x270  }
.Ltmp4:
0x86: {  	s26 =	sadd.s32 $0x10, s26;
	(pc) =	sbr.rel @p1 .LBB2_5-.Ltmp4, $2  }
0x87: {  	_ =	sdelay $0x2  }
0x88: {  	s1 =	sadd.s32 $0x100, s1;
	s0 =	sadd.s32 s0, s24  }
0x89: {  	[tilespmem:s25], [sflag:$0x1] =	stream.linear.gather [hbm4b:s0+s3], $0x80, $0x38;
	[tilespmem:$0x1E580] =	vst v63  }
0x8a: {  	s22 =	sadd.s32 s6, s22;
	s24 =	simm.s32 $0x1AF00  }
0x8b: {  	s25 =	simm.s32 $0x10;
	s1 =	simm.s32 $0x1B000;
	s0 =	sadd.s32 $0x0, s22  }
.LBB2_7:
0x8c: {  	[tilespmem:s24], [sflag:$0x1] =	stream.linear.gather [hbm4b:s0+s3], $0x80, $0x38;
	[tilespmem:$0x1E580] =	vst v63  }
0x8d: {  	s0 =	smov.u32 s25;
	s24 =	smov.u32 s1;
	p1 =	sne.s32 s25, $0x270  }
.Ltmp5:
0x8e: {  	s25 =	sadd.s32 $0x10, s25;
	(pc) =	sbr.rel @p1 .LBB2_7-.Ltmp5, $2  }
0x8f: {  	_ =	sdelay $0x2  }
0x90: {  	s1 =	sadd.s32 $0x100, s1;
	s0 =	sadd.s32 s0, s22  }
0x91: {  	[tilespmem:s24], [sflag:$0x1] =	stream.linear.gather [hbm4b:s0+s3], $0x80, $0x38;
	[tilespmem:$0x1E580] =	vst v63  }
.LBB2_9:
0x92: {  	s0 =	sadd.s32 $0x1, s19  }
0x93: {  	p1 =	sge.s32 s0, s20  }
.Ltmp6:
0x94: {  	_ = 	snop;
	(pc) =	sbr.rel @p1 .LBB2_15-.Ltmp6, $1  }
0x95: {  	_ =	sdelay $0x3  }
0x96: {  	s0 =	smul.u32 $0x1400, s0;
	_ =	sdelay $0x1  }
0x97: {  	s22 =	sshrl.u32 s0, $0x3  }
0x98: {  	s25 =	simm.s32 $0x18780;
	s24 =	sadd.s32 s5, s22  }
0x99: {  	s26 =	simm.s32 $0x10;
	s1 =	simm.s32 $0x18880;
	s0 =	sadd.s32 $0x0, s24  }
.LBB2_11:
0x9a: {  	[tilespmem:s25], [sflag:$0x2] =	stream.linear.gather [hbm4b:s0+s3], $0x80, $0x38;
	[tilespmem:$0x1E580] =	vst v63  }
0x9b: {  	s0 =	smov.u32 s26;
	s25 =	smov.u32 s1;
	p1 =	sne.s32 s26, $0x270  }
.Ltmp7:
0x9c: {  	s26 =	sadd.s32 $0x10, s26;
	(pc) =	sbr.rel @p1 .LBB2_11-.Ltmp7, $2  }
0x9d: {  	_ =	sdelay $0x2  }
0x9e: {  	s1 =	sadd.s32 $0x100, s1;
	s0 =	sadd.s32 s0, s24  }
0x9f: {  	[tilespmem:s25], [sflag:$0x2] =	stream.linear.gather [hbm4b:s0+s3], $0x80, $0x38;
	[tilespmem:$0x1E580] =	vst v63  }
0xa0: {  	s22 =	sadd.s32 s6, s22;
	s24 =	simm.s32 $0x1AF80  }
0xa1: {  	s25 =	simm.s32 $0x10;
	s1 =	simm.s32 $0x1B080;
	s0 =	sadd.s32 $0x0, s22  }
.LBB2_13:
0xa2: {  	[tilespmem:s24], [sflag:$0x2] =	stream.linear.gather [hbm4b:s0+s3], $0x80, $0x38;
	[tilespmem:$0x1E580] =	vst v63  }
0xa3: {  	s0 =	smov.u32 s25;
	s24 =	smov.u32 s1;
	p1 =	sne.s32 s25, $0x270  }
.Ltmp8:
0xa4: {  	s25 =	sadd.s32 $0x10, s25;
	(pc) =	sbr.rel @p1 .LBB2_13-.Ltmp8, $2  }
0xa5: {  	_ =	sdelay $0x2  }
0xa6: {  	s1 =	sadd.s32 $0x100, s1;
	s0 =	sadd.s32 s0, s22  }
0xa7: {  	[tilespmem:s24], [sflag:$0x2] =	stream.linear.gather [hbm4b:s0+s3], $0x80, $0x38;
	[tilespmem:$0x1E580] =	vst v63  }
.LBB2_15:
0xa8: {  	s24 =	simm.s32 $0xFFFFFFFF  }
0xa9: {  	s0 =	simm.s32 $0x40;
	s1 =	simm.s32 $0x0;
	s24 =	simm.s32 @!p0 $0x0  }
.LBB2_16:
0xaa: {  	p0 =	sne.s32 s0, $0x31C0;
	[tilespmem:s1+$0x1D800] =	vst v1;
	s1 =	smov.u32 s0;
	s0 =	sadd.s32 $0x40, s0  }
.Ltmp9:
0xab: {  	(pc) =	sbr.rel @p0 .LBB2_16-.Ltmp9, $2  }
0xac: {  	_ =	sdelay $0x2  }
0xad: {  	s1 =	sshra.s32 s1, $0x2  }
0xae: {  	s0 =	ssub.s32 s20, s19  }
0xaf: {  	s2 =	sadd.s32 $0x1, s0  }
0xb0: {  	s22 =	sand.u32 $0x1, s2  }
0xb1: {  	p0 =	slt.s32 s0, $0x0;
	p1 =	seq.s32 s22, $0x1  }
0xb2: {  	s31 =	sshrl.u32 s2, $0x1F;
	p0 =	por !p0, !p1  }
0xb3: {  	s0 =	sadd.s32 s31, s2;
	s2 =	simm.s32 $0x1;
	p0 =	por !p0, !p0  }
0xb4: {  	s0 =	sshra.s32 s0, $0x1;
	s2 =	simm.s32 @!p0 $0x0  }
0xb5: {  	s22 =	ssub.s32 s0, s2  }
0xb6: {  	p0 =	slt.s32 s22, $0x1  }
.Ltmp10:
0xb7: {  	_ = 	snop;
	(pc) =	sbr.rel @p0 .LBB2_45-.Ltmp10, $4  }
0xb8: {  	[tilespmem:s1+$0x1D800] =	vst v1  }
0xb9: {  	_ =	swait.ge [sflag:s12], $0x18700  }
0xba: {  	[sflag:s12] =	ssyncset.done $0x0  }
0xbb: {  	[sflag:s12] =	ssyncadd.s32 $0xFFFE7900  }
.Ltmp11:
0xbc: {  	(pc) =	sbr.rel .LBB2_19-.Ltmp11, $3  }
0xbd: {  	s0 =	smul.u32 $0x1400, s23  }
0xbe: {  	s1 =	smul.u32 $0x1400, s24;
	_ =	sdelay $0x1  }
0xbf: {  	v4 =	vmov s17;
	v5 =	vmov s18;
	s24 =	simm.s32 $0x0;
	s23 =	sadd.s32 s1, s0  }
.LBB2_44:
0xc0: {  	s24 =	sadd.s32 $0x1, s24  }
0xc1: {  	p0 =	sne.s32 s24, s22  }
.Ltmp12:
0xc2: {  	_ = 	snop;
	(pc) =	sbr.rel @!p0 .LBB2_45-.Ltmp12, $2  }
0xc3: {  	_ =	sdelay $0x2  }
0xc4: {  	s23 =	sadd.s32 $0x2800, s23;
	s21 =	sadd.s32 $0x2800, s21  }
.LBB2_19:
0xc5: {  	s0 =	sshll.u32 s24, $0x1  }
0xc6: {  	s25 =	sadd.s32 s19, s0  }
0xc7: {  	s0 =	smul.u32 $0x1400, s25;
	_ =	sdelay $0x1  }
0xc8: {  	p0 =	slt.s32 s0, s17;
	s26 =	sadd.s32 $0x1400, s0  }
0xc9: {  	p1 =	sgt.s32 @!p0 s26, s18  }
0xca: {  	_ =	swait.ge [sflag:s10], $0x1400;
	p1 =	por p0, p1  }
.Ltmp13:
0xcb: {  	[sflag:s10] =	ssyncset.done $0x0;
	(pc) =	sbr.rel @p1 .LBB2_23-.Ltmp13, $4  }
0xcc: {  	[sflag:s10] =	ssyncadd.s32 $0xFFFFEC00  }
0xcd: {  	_ =	swait.ge [sflag:s10], $0x1400  }
0xce: {  	[sflag:s10] =	ssyncset.done $0x0  }
0xcf: {  	[sflag:s10] =	ssyncadd.s32 $0xFFFFEC00  }
0xd0: {  	s0 =	simm.s32 $0x18740  }
0xd1: {  	v6 =	vld [tilespmem:s0+$0x0];
	_ =	sdelay $0x3  }
0xd2: {  	v7 =	vld [tilespmem:s0+$0xFFFFFFE0]  }
0xd3: {  	v9 =	vld [tilespmem:s0+$0xFFFFFFD0]  }
0xd4: {  	v8 =	vld [tilespmem:s0+$0xFFFFFFF0]  }
0xd5: {  	v12 =	vld [tilespmem:s0+$0xFFFFFFC0]  }
0xd6: {  	v10 =	vld.idx.msk [tilespmem:v6+s3+$0x0], $0xffff  }
0xd7: {  	v13 =	vld [tilespmem:s0+$0x30]  }
0xd8: {  	v11 =	vld [tilespmem:s0+$0x20]  }
0xd9: {  	s28 =	simm.s32 $0x1AF40;
	v14 =	vld [tilespmem:s0+$0x10]  }
0xda: {  	v15 =	vld [tilespmem:s28+$0x1]  }
0xdb: {  	v17 =	vld [tilespmem:s28+$0x11];
	(xrf2) =	vadd.scan.msk.f32 $0xffff, v10  }
0xdc: {  	v7 =	vld.idx.msk [tilespmem:v7+s3+$0x0], $0xffff  }
0xdd: {  	v18 =	vld [tilespmem:s28+$0xFFFFFFD1]  }
0xde: {  	v8 =	vld.idx.msk [tilespmem:v8+s3+$0x0], $0xffff  }
0xdf: {  	v10 =	vld [tilespmem:s28+$0x0]  }
0xe0: {  	v19 =	vld [tilespmem:s28+$0xFFFFFFE1]  }
0xe1: {  	v16 =	vld.idx.msk [tilespmem:v11+s3+$0x0], $0xffff;
	(xrf2) =	vadd.scan.msk.f32 $0xffff, v7  }
0xe2: {  	v21 =	vld [tilespmem:s28+$0xFFFFFFE0]  }
0xe3: {  	v22 =	vld [tilespmem:s28+$0xFFFFFFF1]  }
0xe4: {  	v20 =	vld [tilespmem:s28+$0xFFFFFFF0];
	(xrf2) =	vadd.scan.msk.f32 $0xffff, v8;
	vm1 =	vne.s32 v10, v15  }
0xe5: {  	v29 =	vld [tilespmem:s28+$0x21];
	vm2 =	vmor vm1, vm0;
	v11, _, _ =	vpop (xrf2)  }
0xe6: {  	v14 =	vld.idx.msk [tilespmem:v14+s3+$0x0], $0xffff;
	(xrf2) =	vadd.scan.msk.f32 $0xffff, v16;
	v7 =	vnsel vm2, $0x0, v11  }
0xe7: {  	v6 =	vld [tilespmem:s28+$0x10];
	(xrf0) =	vmax.scan.msk.f32 $0xffff, v7  }
0xe8: {  	v23 =	vld.idx.msk [tilespmem:v12+s3+$0x0], $0xffff  }
0xe9: {  	v12 =	vld [tilespmem:s28+$0x20]  }
0xea: {  	v16 =	vld.idx.msk [tilespmem:v13+s3+$0x0], $0xffff;
	v13 =	vsub.s32 v21, v0;
	vm1 =	vne.s32 v21, v19;
	v19 =	vand.u32 $0x7F, v21  }
0xeb: {  	v27 =	vld.idx.msk [tilespmem:v9+s3+$0x0], $0xffff;
	v9 =	vand.u32 $0xFFFFFF80, v13;
	v8 =	vsub.s32 v10, v0;
	vm3 =	vmor vm1, vm0;
	v21, _, _ =	vpop (xrf2);
	(xrf2) =	vadd.scan.msk.f32 $0xffff, v14  }
0xec: {  	v15 =	vand.u32 $0xFFFFFF80, v8;
	v8 =	vld [tilespmem:s28+$0xFFFFFFD0];
	vm1 =	vne.s32 v20, v22;
	v22 =	vnsel vm3, $0x0, v21  }
0xed: {  	vm6 =	vne.s32 v6, v17;
	v13 =	vor.u32 v19, v9;
	(xrf0) =	vmax.scan.msk.f32 $0xffff, v22;
	v19, _, _ =	vpop (xrf0)  }
0xee: {  	v28 =	vld [tilespmem:s28+$0x31];
	vm4 =	vmor vm1, vm0;
	v17, _, _ =	vpop (xrf2);
	(xrf2) =	vadd.scan.msk.f32 $0xffff, v23;
	v25 =	vperm.xlane v19, v3;
	v19 =	vsub.s32 v12, v0  }
0xef: {  	v9 =	vld [tilespmem:s28+$0x30];
	vm1 =	vne.s32 v12, v29;
	v14 =	vnsel vm4, $0x0, v17  }
0xf0: {  	v26 =	vld [tilespmem:s28+$0xFFFFFFC1];
	v24 =	vsub.s32 v20, v0;
	vm5 =	vmor vm1, vm0;
	v7 =	vsub.s32 v6, v0;
	(xrf0) =	vmax.scan.msk.f32 $0xffff, v14  }
0xf1: {  	s29 =	simm.s32 $0x0;
	s30 =	simm.s32 $0x18840;
	vm7 =	vne.s32 v8, v18;
	v23 =	vld [tilespmem:s28+$0xFFFFFFC0];
	v7 =	vand.u32 $0xFFFFFF80, v7;
	v22 =	vand.u32 $0xFFFFFF80, v19;
	v19, _, _ =	vpop (xrf2)  }
.LBB2_21:
0xf2: {  	v29 =	vld [tilespmem:s30+$0x0];
	s29 =	sadd.s32 $0x8, s29;
	v18 =	vsub.s32 v8, v0;
	v30 =	vnsel vm5, $0x0, v19;
	s28 =	sadd.s32 $0x100, s28;
	(xrf2) =	vadd.scan.msk.f32 $0xffff, v16  }
0xf3: {  	v14 =	vld [tilespmem:s30+$0xFFFFFFD0];
	p0 =	slt.u32 s29, $0x138;
	v31 =	vand.u32 $0xFFFFFF80, v18;
	v32, _, _ =	vpop (xrf0)  }
0xf4: {  	v10 =	vand.u32 $0x7F, v10;
	v18 =	vld [tilespmem:s30+$0xFFFFFFC0];
	vm9 =	vne.s32 v9, v28;
	v28 =	vsub.s32 v9, v0;
	(xrf0) =	vmax.scan.msk.f32 $0xffff, v30  }
0xf5: {  	vm8 =	vmor vm6, vm0;
	vm1 =	veq.s32 v2, $0x0;
	v30 =	vperm.xlane v32, v3;
	v16 =	vld [tilespmem:s30+$0x30];
	(xrf2) =	vadd.scan.msk.f32 $0xffff, v27;
	v27, _, _ =	vpop (xrf2)  }
0xf6: {  	v20 =	vand.u32 $0x7F, v20;
	v10 =	vor.u32 v10, v15;
	v32 =	vld [tilespmem:s30+$0xFFFFFFE0];
	v33 =	vsub.s32 v23, v0;
	v15, _, _ =	vpop (xrf0)  }
0xf7: {  	v36 =	vand.u32 $0xFFFFFF80, v24;
	v25 =	vsel vm1, $0x0, v25;
	v30 =	vsel vm1, $0x0, v30;
	v34 =	vld [tilespmem:s30+$0x20]  }
0xf8: {  	v20 =	vor.u32 v20, v36;
	v21 =	vsub.f32 v21, v30;
	v37 =	vperm.xlane v15, v3;
	v35 =	vld [tilespmem:s30+$0xFFFFFFF0];
	v24, _, _ =	vpop (xrf2)  }
0xf9: {  	v11 =	vsub.f32 v11, v25;
	v36 =	vand.u32 $0x7F, v23;
	v25 =	vnsel vm8, $0x0, v27;
	v30 =	vld [tilespmem:s30+$0x10]  }
0xfa: {  	vm6 =	vne.s32 v23, v26;
	[tilespmem:v13+s13+$0x0] =	vst.idx.add.f32.msk vm3, v21;
	v13 =	vsel vm1, $0x0, v37;
	(xrf0) =	vmax.scan.msk.f32 $0xffff, v25;
	v15, _, _ =	vpop (xrf0)  }
0xfb: {  	v21 =	vand.u32 $0xFFFFFF80, v33;
	v13 =	vsub.f32 v17, v13;
	[tilespmem:v10+s13+$0x0] =	vst.idx.add.f32.msk vm2, v11;
	v10 =	vand.u32 $0x7F, v12  }
0xfc: {  	v12 =	vor.u32 v36, v21;
	v15 =	vperm.xlane v15, v3;
	v11 =	vld.idx.msk [tilespmem:v29+s3+$0x0], $0xffff;
	v10 =	vor.u32 v10, v22;
	v17, _, _ =	vpop (xrf2)  }
0xfd: {  	vm2 =	vmor vm6, vm0;
	[tilespmem:v20+s13+$0x0] =	vst.idx.add.f32.msk vm4, v13  }
0xfe: {  	vm3 =	vmor vm9, vm0;
	v22 =	vnsel vm2, $0x0, v24;
	v15 =	vsel vm1, $0x0, v15;
	v13 =	vld.idx.msk [tilespmem:v32+s3+$0x0], $0xffff  }
0xff: {  	vm4 =	vmor vm7, vm0;
	v15 =	vsub.f32 v19, v15;
	v19 =	vnsel vm3, $0x0, v17;
	v21 =	vld [tilespmem:s28+$0x10];
	(xrf0) =	vmax.scan.msk.f32 $0xffff, v22;
	v20, _, _ =	vpop (xrf2)  }
0x100: {  	v22 =	vld.idx.msk [tilespmem:v35+s3+$0x0], $0xffff;
	v23 =	vnsel vm4, $0x0, v20;
	v25, _, _ =	vpop (xrf0);
	(xrf0) =	vmax.scan.msk.f32 $0xffff, v19  }
0x101: {  	[tilespmem:v10+s13+$0x0] =	vst.idx.add.f32.msk vm5, v15;
	(xrf0) =	vmax.scan.msk.f32 $0xffff, v23  }
0x102: {  	v26 =	vand.u32 $0x7F, v6;
	v15 =	vld [tilespmem:s28+$0x1]  }
0x103: {  	v10 =	vld [tilespmem:s28+$0x0];
	(xrf2) =	vadd.scan.msk.f32 $0xffff, v11;
	v11 =	vor.u32 v26, v7  }
0x104: {  	v8 =	vand.u32 $0x7F, v8;
	v23 =	vperm.xlane v25, v3;
	v19 =	vld [tilespmem:s28+$0x11];
	v7 =	vsub.s32 v21, v0;
	v6 =	vmovc v21  }
0x105: {  	v8 =	vor.u32 v8, v31;
	v32 =	vand.u32 $0xFFFFFF80, v28;
	v29 =	vld [tilespmem:s28+$0xFFFFFFD1];
	v7 =	vand.u32 $0xFFFFFF80, v7;
	v25, _, _ =	vpop (xrf0)  }
0x106: {  	v9 =	vand.u32 $0x7F, v9;
	v23 =	vsel vm1, $0x0, v23;
	v26 =	vld [tilespmem:s28+$0xFFFFFFE1];
	v25 =	vperm.xlane v25, v3;
	v28, _, _ =	vpop (xrf0)  }
0x107: {  	v9 =	vor.u32 v9, v32;
	v31 =	vld.idx.msk [tilespmem:v34+s3+$0x0], $0xffff;
	(xrf2) =	vadd.scan.msk.f32 $0xffff, v13;
	v13 =	vsub.f32 v27, v23;
	v21, _, _ =	vpop (xrf0)  }
0x108: {  	v27 =	vperm.xlane v28, v3;
	vm5 =	vne.s32 v10, v15;
	v23 =	vld.idx.msk [tilespmem:v30+s3+$0x0], $0xffff;
	v21 =	vperm.xlane v21, v3  }
0x109: {  	v15 =	vsub.s32 v10, v0;
	vm6 =	vne.s32 v6, v19;
	v19 =	vsel vm1, $0x0, v25;
	[tilespmem:v11+s13+$0x0] =	vst.idx.add.f32.msk vm8, v13  }
0x10a: {  	v15 =	vand.u32 $0xFFFFFF80, v15;
	v13 =	vld [tilespmem:s28+$0xFFFFFFE0];
	v25 =	vsub.f32 v24, v19;
	v19 =	vsel vm1, $0x0, v21  }
0x10b: {  	v24 =	vld [tilespmem:s28+$0xFFFFFFF1];
	v19 =	vsub.f32 v20, v19;
	v20 =	vsel vm1, $0x0, v27  }
0x10c: {  	(xrf2) =	vadd.scan.msk.f32 $0xffff, v22;
	[tilespmem:v12+s13+$0x0] =	vst.idx.add.f32.msk vm2, v25;
	v12 =	vsub.f32 v17, v20  }
0x10d: {  	vm2 =	vmor vm5, vm0;
	v11, _, _ =	vpop (xrf2);
	[tilespmem:v8+s13+$0x0] =	vst.idx.add.f32.msk vm4, v19  }
0x10e: {  	v8 =	vnsel vm2, $0x0, v11;
	[tilespmem:v9+s13+$0x0] =	vst.idx.add.f32.msk vm3, v12  }
0x10f: {  	v9 =	vld.idx.msk [tilespmem:v18+s3+$0x0], $0xffff;
	vm3 =	vne.s32 v13, v26;
	v12 =	vsub.s32 v13, v0;
	v13 =	vand.u32 $0x7F, v13;
	(xrf2) =	vadd.scan.msk.f32 $0xffff, v31  }
0x110: {  	v12 =	vand.u32 $0xFFFFFF80, v12;
	v20 =	vld [tilespmem:s28+$0xFFFFFFF0]  }
0x111: {  	vm3 =	vmor vm3, vm0;
	v13 =	vor.u32 v13, v12;
	v16 =	vld.idx.msk [tilespmem:v16+s3+$0x0], $0xffff;
	v21, _, _ =	vpop (xrf2);
	(xrf0) =	vmax.scan.msk.f32 $0xffff, v8  }
0x112: {  	v17 =	vnsel vm3, $0x0, v21;
	v18 =	vld [tilespmem:s28+$0x21]  }
0x113: {  	v12 =	vld [tilespmem:s28+$0x20];
	(xrf2) =	vadd.scan.msk.f32 $0xffff, v23  }
0x114: {  	v8 =	vld [tilespmem:s28+$0xFFFFFFD0]  }
.Ltmp14:
0x115: {  	v27 =	vld.idx.msk [tilespmem:v14+s3+$0x0], $0xffff;
	vm4 =	vne.s32 v20, v24;
	v24 =	vsub.s32 v20, v0;
	(xrf0) =	vmax.scan.msk.f32 $0xffff, v17;
	(pc) =	sbr.rel @p0 .LBB2_21-.Ltmp14, $4  }
0x116: {  	vm4 =	vmor vm4, vm0;
	v28 =	vld [tilespmem:s28+$0x31];
	(xrf2) =	vadd.scan.msk.f32 $0xffff, v9;
	v17, _, _ =	vpop (xrf2)  }
0x117: {  	v14 =	vnsel vm4, $0x0, v17;
	v9 =	vld [tilespmem:s28+$0x30];
	v19, _, _ =	vpop (xrf0)  }
0x118: {  	v26 =	vld [tilespmem:s28+$0xFFFFFFC1];
	v25 =	vperm.xlane v19, v3;
	vm5 =	vne.s32 v12, v18;
	v18 =	vsub.s32 v12, v0;
	(xrf0) =	vmax.scan.msk.f32 $0xffff, v14  }
0x119: {  	s30 =	sadd.s32 $0x100, s30;
	v23 =	vld [tilespmem:s28+$0xFFFFFFC0];
	vm7 =	vne.s32 v8, v29;
	vm5 =	vmor vm5, vm0;
	v22 =	vand.u32 $0xFFFFFF80, v18;
	v19, _, _ =	vpop (xrf2)  }
0x11a: {  	(xrf2) =	vadd.scan.msk.f32 $0xffff, v16  }
0x11b: {  	(xrf2) =	vadd.scan.msk.f32 $0xffff, v27;
	_ =	sdelay $0x2  }
0x11c: {  	v14 =	vsub.s32 v8, v0;
	v34 =	vnsel vm5, $0x0, v19  }
0x11d: {  	v10 =	vand.u32 $0x7F, v10;
	vm6 =	vmor vm6, vm0;
	v20 =	vand.u32 $0x7F, v20  }
0x11e: {  	v24 =	vand.u32 $0xFFFFFF80, v24;
	vm7 =	vmor vm7, vm0;
	v25 =	vsel vm1, $0x0, v25;
	v18, _, _ =	vpop (xrf0)  }
0x11f: {  	v12 =	vand.u32 $0x7F, v12;
	v6 =	vand.u32 $0x7F, v6;
	v51 =	vand.u32 $0x7F, v8;
	(xrf0) =	vmax.scan.msk.f32 $0xffff, v34;
	v35, _, _ =	vpop (xrf2)  }
0x120: {  	v14 =	vand.u32 $0xFFFFFF80, v14;
	v10 =	vor.u32 v10, v15;
	v36, _, _ =	vpop (xrf0);
	vm8 =	vne.s32 v23, v26  }
0x121: {  	vm9 =	vne.s32 v9, v28;
	v38 =	vnsel vm6, $0x0, v35;
	vm8 =	vmor vm8, vm0;
	v37, _, _ =	vpop (xrf2)  }
0x122: {  	v20 =	vor.u32 v20, v24;
	vm9 =	vmor vm9, vm0;
	(xrf0) =	vmax.scan.msk.f32 $0xffff, v38;
	v40 =	vnsel vm8, $0x0, v37;
	v39, _, _ =	vpop (xrf2)  }
0x123: {  	v11 =	vsub.f32 v11, v25;
	v12 =	vor.u32 v12, v22;
	(xrf0) =	vmax.scan.msk.f32 $0xffff, v40;
	v41 =	vnsel vm9, $0x0, v39;
	v42, _, _ =	vpop (xrf2)  }
0x124: {  	v6 =	vor.u32 v6, v7;
	v18 =	vperm.xlane v18, v3;
	(xrf0) =	vmax.scan.msk.f32 $0xffff, v41;
	v43 =	vnsel vm7, $0x0, v42  }
0x125: {  	v49 =	vsub.s32 v9, v0;
	v7 =	vor.u32 v51, v14;
	v59 =	vand.u32 $0x7F, v9;
	v44, _, _ =	vpop (xrf0);
	(xrf0) =	vmax.scan.msk.f32 $0xffff, v43  }
0x126: {  	v55 =	vand.u32 $0xFFFFFF80, v49;
	v18 =	vsel vm1, $0x0, v18;
	v45 =	vsub.s32 v23, v0  }
0x127: {  	v46 =	vand.u32 $0x7F, v23;
	v9 =	vor.u32 v59, v55;
	v15 =	vperm.xlane v36, v3  }
0x128: {  	v18 =	vsub.f32 v21, v18;
	v24 =	vand.u32 $0xFFFFFF80, v45;
	v25 =	vperm.xlane v44, v3;
	v48, _, _ =	vpop (xrf0)  }
0x129: {  	v47 =	vor.u32 v46, v24;
	v15 =	vsel vm1, $0x0, v15;
	v23 =	vperm.xlane v48, v3;
	v52, _, _ =	vpop (xrf0)  }
0x12a: {  	[tilespmem:v10+s13+$0x0] =	vst.idx.add.f32.msk vm2, v11;
	v15 =	vsub.f32 v17, v15;
	v50 =	vsel vm1, $0x0, v25;
	v56 =	vperm.xlane v52, v3;
	v54, _, _ =	vpop (xrf0)  }
0x12b: {  	[tilespmem:v13+s13+$0x0] =	vst.idx.add.f32.msk vm3, v18;
	v53 =	vsub.f32 v19, v50;
	v57 =	vsel vm1, $0x0, v23;
	v58, _, _ =	vpop (xrf0);
	v8 =	vperm.xlane v54, v3  }
0x12c: {  	[tilespmem:v20+s13+$0x0] =	vst.idx.add.f32.msk vm4, v15;
	v60 =	vsub.f32 v35, v57;
	v62 =	vsel vm1, $0x0, v56;
	v61 =	vperm.xlane v58, v3  }
.Ltmp15:
0x12d: {  	[tilespmem:v12+s13+$0x0] =	vst.idx.add.f32.msk vm5, v53;
	v63 =	vsub.f32 v37, v62;
	v8 =	vsel vm1, $0x0, v8;
	(pc) =	sbr.rel .LBB2_25-.Ltmp15, $4  }
0x12e: {  	[tilespmem:v6+s13+$0x0] =	vst.idx.add.f32.msk vm6, v60;
	v11 =	vsel vm1, $0x0, v61;
	v8 =	vsub.f32 v39, v8  }
0x12f: {  	[tilespmem:v47+s13+$0x0] =	vst.idx.add.f32.msk vm8, v63;
	v6 =	vsub.f32 v42, v11  }
0x130: {  	[tilespmem:v9+s13+$0x0] =	vst.idx.add.f32.msk vm9, v8  }
0x131: {  	[tilespmem:v7+s13+$0x0] =	vst.idx.add.f32.msk vm7, v6  }
.LBB2_23:
0x132: {  	s28 =	simm.s32 $0x0;
	s29 =	simm.s32 $0x30  }
0x133: {  	s28 =	simm.s32 @p0 $0x0;
	s29 =	simm.s32 @p0 $0x30  }
.LBB2_24:
0x134: {  	s0 =	sadd.s32 $0xFFFFFFD0, s29  }
0x135: {  	s1 =	sand.u32 $0x3F00, s28;
	s0 =	sand.u32 $0x40, s0  }
0x136: {  	s0 =	sor.u32 s0, s1  }
0x137: {  	v6 =	vld [tilespmem:s0+$0x18700]  }
0x138: {  	v7 =	vld [tilespmem:s0+$0x1AF00];
	_ =	sdelay $0x2  }
0x139: {  	s0 =	sadd.s32 s29, s23  }
0x13a: {  	s2 =	sadd.s32 $0xFFFFFFD0, s0  }
0x13b: {  	v8 =	vor.u32 s2, v2;
	v7 =	vsub.s32 v7, v0  }
0x13c: {  	vm1 =	vge.s32 v8, v4;
	vm2 =	vlt.s32 v8, v5;
	vm3 =	vgt.s32 v7, $0x0  }
0x13d: {  	vm1 =	vmand vm1, vm2;
	v7 =	vnsel vm3, $0x0, v7  }
0x13e: {  	v6 =	vld.idx.msk [tilespmem:v6+s3+$0x0], $0xffff;
	v7 =	vmin.u32 v7, $0xC7F;
	_ =	sdelay $0x2  }
0x13f: {  	s31 =	sadd.s32 $0xFFFFFFE0, s29  }
0x140: {  	s2 =	sand.u32 $0x50, s31  }
0x141: {  	s2 =	sor.u32 s1, s2;
	[tilespmem:v7+s13+$0x0] =	vst.idx.add.f32.msk vm1, v6  }
0x142: {  	v6 =	vld [tilespmem:s2+$0x18700]  }
0x143: {  	v7 =	vld [tilespmem:s2+$0x1AF00];
	_ =	sdelay $0x3  }
0x144: {  	s30 =	sadd.s32 $0xFFFFFFE0, s0  }
0x145: {  	v61 =	vor.u32 s30, v2;
	v7 =	vsub.s32 v7, v0  }
0x146: {  	vm2 =	vlt.s32 v61, v5;
	vm1 =	vge.s32 v61, v4;
	vm3 =	vgt.s32 v7, $0x0  }
0x147: {  	vm1 =	vmand vm1, vm2;
	v7 =	vnsel vm3, $0x0, v7  }
0x148: {  	v6 =	vld.idx.msk [tilespmem:v6+s3+$0x0], $0xffff;
	v7 =	vmin.u32 v7, $0xC7F;
	_ =	sdelay $0x2  }
0x149: {  	s31 =	sadd.s32 $0xFFFFFFF0, s29  }
0x14a: {  	s2 =	sand.u32 $0x60, s31  }
0x14b: {  	s2 =	sor.u32 s1, s2;
	[tilespmem:v7+s13+$0x0] =	vst.idx.add.f32.msk vm1, v6  }
0x14c: {  	v6 =	vld [tilespmem:s2+$0x18700]  }
0x14d: {  	v7 =	vld [tilespmem:s2+$0x1AF00];
	_ =	sdelay $0x3  }
0x14e: {  	s0 =	sadd.s32 $0xFFFFFFF0, s0  }
0x14f: {  	v62 =	vor.u32 s0, v2;
	v7 =	vsub.s32 v7, v0  }
0x150: {  	vm2 =	vlt.s32 v62, v5;
	vm1 =	vge.s32 v62, v4;
	vm3 =	vgt.s32 v7, $0x0  }
0x151: {  	vm1 =	vmand vm1, vm2;
	v7 =	vnsel vm3, $0x0, v7  }
0x152: {  	v6 =	vld.idx.msk [tilespmem:v6+s3+$0x0], $0xffff;
	v7 =	vmin.u32 v7, $0xC7F;
	_ =	sdelay $0x3  }
0x153: {  	s30 =	sand.u32 $0x70, s29  }
0x154: {  	s0 =	sor.u32 s1, s30;
	[tilespmem:v7+s13+$0x0] =	vst.idx.add.f32.msk vm1, v6  }
0x155: {  	v6 =	vld [tilespmem:s0+$0x18700]  }
0x156: {  	v7 =	vld [tilespmem:s0+$0x1AF00];
	_ =	sdelay $0x3  }
0x157: {  	s31 =	sadd.s32 s29, s21  }
0x158: {  	v63 =	vor.u32 s31, v2;
	v7 =	vsub.s32 v7, v0  }
0x159: {  	vm2 =	vlt.s32 v63, v5;
	vm1 =	vge.s32 v63, v4;
	vm3 =	vgt.s32 v7, $0x0  }
0x15a: {  	vm1 =	vmand vm1, vm2;
	v7 =	vnsel vm3, $0x0, v7  }
0x15b: {  	p0 =	sne.s32 s29, $0x13F0;
	v6 =	vld.idx.msk [tilespmem:v6+s3+$0x0], $0xffff;
	v7 =	vmin.u32 v7, $0xC7F  }
.Ltmp16:
0x15c: {  	_ = 	snop;
	(pc) =	sbr.rel @p0 .LBB2_24-.Ltmp16, $2  }
0x15d: {  	_ =	sdelay $0x2  }
0x15e: {  	s28 =	sadd.s32 $0x80, s28;
	s29 =	sadd.s32 $0x40, s29;
	[tilespmem:v7+s13+$0x0] =	vst.idx.add.f32.msk vm1, v6  }
.LBB2_25:
0x15f: {  	s0 =	sadd.s32 $0x2, s25  }
0x160: {  	p0 =	sge.s32 s0, s20  }
.Ltmp17:
0x161: {  	_ = 	snop;
	(pc) =	sbr.rel @p0 .LBB2_31-.Ltmp17, $2  }
0x162: {  	_ =	sdelay $0x2  }
0x163: {  	s28 =	smul.u32 $0x1400, s0  }
0x164: {  	_ = 	snop  }
0x165: {  	s29 =	sshrl.u32 s28, $0x3  }
0x166: {  	s31 =	simm.s32 $0x18700;
	s30 =	sadd.s32 s5, s29  }
0x167: {  	s1 =	simm.s32 $0x10;
	s0 =	simm.s32 $0x18800;
	s2 =	sadd.s32 $0x0, s30  }
.LBB2_27:
0x168: {  	[tilespmem:s31], [sflag:$0x1] =	stream.linear.gather [hbm4b:s2+s3], $0x80, $0x38;
	[tilespmem:$0x1E580] =	vst v63  }
0x169: {  	s2 =	smov.u32 s1;
	s31 =	smov.u32 s0;
	p0 =	sne.s32 s1, $0x270  }
.Ltmp18:
0x16a: {  	s1 =	sadd.s32 $0x10, s1;
	(pc) =	sbr.rel @p0 .LBB2_27-.Ltmp18, $2  }
0x16b: {  	_ =	sdelay $0x2  }
0x16c: {  	s0 =	sadd.s32 $0x100, s0;
	s2 =	sadd.s32 s2, s30  }
0x16d: {  	[tilespmem:s31], [sflag:$0x1] =	stream.linear.gather [hbm4b:s2+s3], $0x80, $0x38;
	[tilespmem:$0x1E580] =	vst v63  }
0x16e: {  	s29 =	sadd.s32 s6, s29;
	s30 =	simm.s32 $0x1AF00  }
0x16f: {  	s1 =	simm.s32 $0x10;
	s0 =	simm.s32 $0x1B000;
	s2 =	sadd.s32 $0x0, s29  }
.LBB2_29:
0x170: {  	[tilespmem:s30], [sflag:$0x1] =	stream.linear.gather [hbm4b:s2+s3], $0x80, $0x38;
	[tilespmem:$0x1E580] =	vst v63  }
0x171: {  	s2 =	smov.u32 s1;
	s30 =	smov.u32 s0;
	p0 =	sne.s32 s1, $0x270  }
.Ltmp19:
0x172: {  	s1 =	sadd.s32 $0x10, s1;
	(pc) =	sbr.rel @p0 .LBB2_29-.Ltmp19, $2  }
0x173: {  	_ =	sdelay $0x2  }
0x174: {  	s0 =	sadd.s32 $0x100, s0;
	s2 =	sadd.s32 s2, s29  }
0x175: {  	[tilespmem:s30], [sflag:$0x1] =	stream.linear.gather [hbm4b:s2+s3], $0x80, $0x38;
	[tilespmem:$0x1E580] =	vst v63  }
.LBB2_31:
0x176: {  	s0 =	sadd.s32 $0x1, s25  }
0x177: {  	p0 =	sge.s32 s0, s20  }
.Ltmp20:
0x178: {  	_ = 	snop;
	(pc) =	sbr.rel @p0 .LBB2_44-.Ltmp20, $1  }
0x179: {  	_ =	sdelay $0x3  }
0x17a: {  	p1 =	slt.s32 s26, s17  }
0x17b: {  	p0 =	sgt.s32 @!p1 s28, s18  }
0x17c: {  	_ =	swait.ge [sflag:s14], $0x1400;
	p0 =	por p1, p0  }
.Ltmp21:
0x17d: {  	[sflag:s14] =	ssyncset.done $0x0;
	(pc) =	sbr.rel @p0 .LBB2_36-.Ltmp21, $4  }
0x17e: {  	[sflag:s14] =	ssyncadd.s32 $0xFFFFEC00  }
0x17f: {  	_ =	swait.ge [sflag:s14], $0x1400  }
0x180: {  	[sflag:s14] =	ssyncset.done $0x0  }
0x181: {  	[sflag:s14] =	ssyncadd.s32 $0xFFFFEC00  }
0x182: {  	s0 =	simm.s32 $0x187F0  }
0x183: {  	v6 =	vld [tilespmem:s0+$0xFFFFFFD0];
	_ =	sdelay $0x3  }
0x184: {  	v7 =	vld [tilespmem:s0+$0xFFFFFFB0]  }
0x185: {  	v9 =	vld [tilespmem:s0+$0xFFFFFFA0]  }
0x186: {  	v8 =	vld [tilespmem:s0+$0xFFFFFFC0]  }
0x187: {  	v12 =	vld [tilespmem:s0+$0xFFFFFF90]  }
0x188: {  	v10 =	vld.idx.msk [tilespmem:v6+s3+$0x0], $0xffff  }
0x189: {  	v13 =	vld [tilespmem:s0+$0x0]  }
0x18a: {  	v11 =	vld [tilespmem:s0+$0xFFFFFFF0]  }
0x18b: {  	s26 =	simm.s32 $0x1AFF1;
	v14 =	vld [tilespmem:s0+$0xFFFFFFE0]  }
0x18c: {  	v15 =	vld [tilespmem:s26+$0xFFFFFFD0]  }
0x18d: {  	v17 =	vld [tilespmem:s26+$0xFFFFFFE0];
	(xrf2) =	vadd.scan.msk.f32 $0xffff, v10  }
0x18e: {  	v7 =	vld.idx.msk [tilespmem:v7+s3+$0x0], $0xffff  }
0x18f: {  	v18 =	vld [tilespmem:s26+$0xFFFFFFA0]  }
0x190: {  	v8 =	vld.idx.msk [tilespmem:v8+s3+$0x0], $0xffff  }
0x191: {  	v10 =	vld [tilespmem:s26+$0xFFFFFFCF]  }
0x192: {  	v19 =	vld [tilespmem:s26+$0xFFFFFFB0]  }
0x193: {  	v16 =	vld.idx.msk [tilespmem:v11+s3+$0x0], $0xffff;
	(xrf2) =	vadd.scan.msk.f32 $0xffff, v7  }
0x194: {  	v21 =	vld [tilespmem:s26+$0xFFFFFFAF]  }
0x195: {  	v22 =	vld [tilespmem:s26+$0xFFFFFFC0]  }
0x196: {  	v20 =	vld [tilespmem:s26+$0xFFFFFFBF];
	(xrf2) =	vadd.scan.msk.f32 $0xffff, v8;
	vm1 =	vne.s32 v10, v15  }
0x197: {  	v29 =	vld [tilespmem:s26+$0xFFFFFFF0];
	vm2 =	vmor vm1, vm0;
	v11, _, _ =	vpop (xrf2)  }
0x198: {  	v14 =	vld.idx.msk [tilespmem:v14+s3+$0x0], $0xffff;
	(xrf2) =	vadd.scan.msk.f32 $0xffff, v16;
	v7 =	vnsel vm2, $0x0, v11  }
0x199: {  	v6 =	vld [tilespmem:s26+$0xFFFFFFDF];
	(xrf0) =	vmax.scan.msk.f32 $0xffff, v7  }
0x19a: {  	v23 =	vld.idx.msk [tilespmem:v12+s3+$0x0], $0xffff  }
0x19b: {  	v12 =	vld [tilespmem:s26+$0xFFFFFFEF]  }
0x19c: {  	v16 =	vld.idx.msk [tilespmem:v13+s3+$0x0], $0xffff;
	v13 =	vsub.s32 v21, v0;
	vm1 =	vne.s32 v21, v19;
	v19 =	vand.u32 $0x7F, v21  }
0x19d: {  	v27 =	vld.idx.msk [tilespmem:v9+s3+$0x0], $0xffff;
	v9 =	vand.u32 $0xFFFFFF80, v13;
	v8 =	vsub.s32 v10, v0;
	vm3 =	vmor vm1, vm0;
	v21, _, _ =	vpop (xrf2);
	(xrf2) =	vadd.scan.msk.f32 $0xffff, v14  }
0x19e: {  	v15 =	vand.u32 $0xFFFFFF80, v8;
	v8 =	vld [tilespmem:s26+$0xFFFFFF9F];
	vm1 =	vne.s32 v20, v22;
	v22 =	vnsel vm3, $0x0, v21  }
0x19f: {  	vm6 =	vne.s32 v6, v17;
	v13 =	vor.u32 v19, v9;
	(xrf0) =	vmax.scan.msk.f32 $0xffff, v22;
	v19, _, _ =	vpop (xrf0)  }
0x1a0: {  	v28 =	vld [tilespmem:s26+$0x0];
	vm4 =	vmor vm1, vm0;
	v17, _, _ =	vpop (xrf2);
	(xrf2) =	vadd.scan.msk.f32 $0xffff, v23;
	v25 =	vperm.xlane v19, v3;
	v19 =	vsub.s32 v12, v0  }
0x1a1: {  	v9 =	vld [tilespmem:s26+$0xFFFFFFFF];
	vm1 =	vne.s32 v12, v29;
	v14 =	vnsel vm4, $0x0, v17  }
0x1a2: {  	v26 =	vld [tilespmem:s26+$0xFFFFFF90];
	v24 =	vsub.s32 v20, v0;
	vm5 =	vmor vm1, vm0;
	v7 =	vsub.s32 v6, v0;
	(xrf0) =	vmax.scan.msk.f32 $0xffff, v14  }
0x1a3: {  	s28 =	simm.s32 $0x0;
	s29 =	simm.s32 $0x188F0;
	vm7 =	vne.s32 v8, v18;
	v23 =	vld [tilespmem:s26+$0xFFFFFF8F];
	v7 =	vand.u32 $0xFFFFFF80, v7;
	v22 =	vand.u32 $0xFFFFFF80, v19;
	v19, _, _ =	vpop (xrf2)  }
.LBB2_34:
0x1a4: {  	v29 =	vld [tilespmem:s29+$0xFFFFFFD0];
	s28 =	sadd.s32 $0x8, s28;
	v18 =	vsub.s32 v8, v0;
	v30 =	vnsel vm5, $0x0, v19;
	s26 =	sadd.s32 $0x100, s26;
	(xrf2) =	vadd.scan.msk.f32 $0xffff, v16  }
0x1a5: {  	v14 =	vld [tilespmem:s29+$0xFFFFFFA0];
	p0 =	slt.u32 s28, $0x138;
	v31 =	vand.u32 $0xFFFFFF80, v18;
	v32, _, _ =	vpop (xrf0)  }
0x1a6: {  	v10 =	vand.u32 $0x7F, v10;
	v18 =	vld [tilespmem:s29+$0xFFFFFF90];
	vm9 =	vne.s32 v9, v28;
	v28 =	vsub.s32 v9, v0;
	(xrf0) =	vmax.scan.msk.f32 $0xffff, v30  }
0x1a7: {  	vm8 =	vmor vm6, vm0;
	vm1 =	veq.s32 v2, $0x0;
	v30 =	vperm.xlane v32, v3;
	v16 =	vld [tilespmem:s29+$0x0];
	(xrf2) =	vadd.scan.msk.f32 $0xffff, v27;
	v27, _, _ =	vpop (xrf2)  }
0x1a8: {  	v20 =	vand.u32 $0x7F, v20;
	v10 =	vor.u32 v10, v15;
	v32 =	vld [tilespmem:s29+$0xFFFFFFB0];
	v33 =	vsub.s32 v23, v0;
	v15, _, _ =	vpop (xrf0)  }
0x1a9: {  	v36 =	vand.u32 $0xFFFFFF80, v24;
	v25 =	vsel vm1, $0x0, v25;
	v30 =	vsel vm1, $0x0, v30;
	v34 =	vld [tilespmem:s29+$0xFFFFFFF0]  }
0x1aa: {  	v20 =	vor.u32 v20, v36;
	v21 =	vsub.f32 v21, v30;
	v37 =	vperm.xlane v15, v3;
	v35 =	vld [tilespmem:s29+$0xFFFFFFC0];
	v24, _, _ =	vpop (xrf2)  }
0x1ab: {  	v11 =	vsub.f32 v11, v25;
	v36 =	vand.u32 $0x7F, v23;
	v25 =	vnsel vm8, $0x0, v27;
	v30 =	vld [tilespmem:s29+$0xFFFFFFE0]  }
0x1ac: {  	vm6 =	vne.s32 v23, v26;
	[tilespmem:v13+s13+$0x0] =	vst.idx.add.f32.msk vm3, v21;
	v13 =	vsel vm1, $0x0, v37;
	(xrf0) =	vmax.scan.msk.f32 $0xffff, v25;
	v15, _, _ =	vpop (xrf0)  }
0x1ad: {  	v21 =	vand.u32 $0xFFFFFF80, v33;
	v13 =	vsub.f32 v17, v13;
	[tilespmem:v10+s13+$0x0] =	vst.idx.add.f32.msk vm2, v11;
	v10 =	vand.u32 $0x7F, v12  }
0x1ae: {  	v12 =	vor.u32 v36, v21;
	v15 =	vperm.xlane v15, v3;
	v11 =	vld.idx.msk [tilespmem:v29+s3+$0x0], $0xffff;
	v10 =	vor.u32 v10, v22;
	v17, _, _ =	vpop (xrf2)  }
0x1af: {  	vm2 =	vmor vm6, vm0;
	[tilespmem:v20+s13+$0x0] =	vst.idx.add.f32.msk vm4, v13  }
0x1b0: {  	vm3 =	vmor vm9, vm0;
	v22 =	vnsel vm2, $0x0, v24;
	v15 =	vsel vm1, $0x0, v15;
	v13 =	vld.idx.msk [tilespmem:v32+s3+$0x0], $0xffff  }
0x1b1: {  	vm4 =	vmor vm7, vm0;
	v15 =	vsub.f32 v19, v15;
	v19 =	vnsel vm3, $0x0, v17;
	v21 =	vld [tilespmem:s26+$0xFFFFFFDF];
	(xrf0) =	vmax.scan.msk.f32 $0xffff, v22;
	v20, _, _ =	vpop (xrf2)  }
0x1b2: {  	v22 =	vld.idx.msk [tilespmem:v35+s3+$0x0], $0xffff;
	v23 =	vnsel vm4, $0x0, v20;
	v25, _, _ =	vpop (xrf0);
	(xrf0) =	vmax.scan.msk.f32 $0xffff, v19  }
0x1b3: {  	[tilespmem:v10+s13+$0x0] =	vst.idx.add.f32.msk vm5, v15;
	(xrf0) =	vmax.scan.msk.f32 $0xffff, v23  }
0x1b4: {  	v26 =	vand.u32 $0x7F, v6;
	v15 =	vld [tilespmem:s26+$0xFFFFFFD0]  }
0x1b5: {  	v10 =	vld [tilespmem:s26+$0xFFFFFFCF];
	(xrf2) =	vadd.scan.msk.f32 $0xffff, v11;
	v11 =	vor.u32 v26, v7  }
0x1b6: {  	v8 =	vand.u32 $0x7F, v8;
	v23 =	vperm.xlane v25, v3;
	v19 =	vld [tilespmem:s26+$0xFFFFFFE0];
	v7 =	vsub.s32 v21, v0;
	v6 =	vmovc v21  }
0x1b7: {  	v8 =	vor.u32 v8, v31;
	v32 =	vand.u32 $0xFFFFFF80, v28;
	v29 =	vld [tilespmem:s26+$0xFFFFFFA0];
	v7 =	vand.u32 $0xFFFFFF80, v7;
	v25, _, _ =	vpop (xrf0)  }
0x1b8: {  	v9 =	vand.u32 $0x7F, v9;
	v23 =	vsel vm1, $0x0, v23;
	v26 =	vld [tilespmem:s26+$0xFFFFFFB0];
	v25 =	vperm.xlane v25, v3;
	v28, _, _ =	vpop (xrf0)  }
0x1b9: {  	v9 =	vor.u32 v9, v32;
	v31 =	vld.idx.msk [tilespmem:v34+s3+$0x0], $0xffff;
	(xrf2) =	vadd.scan.msk.f32 $0xffff, v13;
	v13 =	vsub.f32 v27, v23;
	v21, _, _ =	vpop (xrf0)  }
0x1ba: {  	v27 =	vperm.xlane v28, v3;
	vm5 =	vne.s32 v10, v15;
	v23 =	vld.idx.msk [tilespmem:v30+s3+$0x0], $0xffff;
	v21 =	vperm.xlane v21, v3  }
0x1bb: {  	v15 =	vsub.s32 v10, v0;
	vm6 =	vne.s32 v6, v19;
	v19 =	vsel vm1, $0x0, v25;
	[tilespmem:v11+s13+$0x0] =	vst.idx.add.f32.msk vm8, v13  }
0x1bc: {  	v15 =	vand.u32 $0xFFFFFF80, v15;
	v13 =	vld [tilespmem:s26+$0xFFFFFFAF];
	v25 =	vsub.f32 v24, v19;
	v19 =	vsel vm1, $0x0, v21  }
0x1bd: {  	v24 =	vld [tilespmem:s26+$0xFFFFFFC0];
	v19 =	vsub.f32 v20, v19;
	v20 =	vsel vm1, $0x0, v27  }
0x1be: {  	(xrf2) =	vadd.scan.msk.f32 $0xffff, v22;
	[tilespmem:v12+s13+$0x0] =	vst.idx.add.f32.msk vm2, v25;
	v12 =	vsub.f32 v17, v20  }
0x1bf: {  	vm2 =	vmor vm5, vm0;
	v11, _, _ =	vpop (xrf2);
	[tilespmem:v8+s13+$0x0] =	vst.idx.add.f32.msk vm4, v19  }
0x1c0: {  	v8 =	vnsel vm2, $0x0, v11;
	[tilespmem:v9+s13+$0x0] =	vst.idx.add.f32.msk vm3, v12  }
0x1c1: {  	v9 =	vld.idx.msk [tilespmem:v18+s3+$0x0], $0xffff;
	vm3 =	vne.s32 v13, v26;
	v12 =	vsub.s32 v13, v0;
	v13 =	vand.u32 $0x7F, v13;
	(xrf2) =	vadd.scan.msk.f32 $0xffff, v31  }
0x1c2: {  	v12 =	vand.u32 $0xFFFFFF80, v12;
	v20 =	vld [tilespmem:s26+$0xFFFFFFBF]  }
0x1c3: {  	vm3 =	vmor vm3, vm0;
	v13 =	vor.u32 v13, v12;
	v16 =	vld.idx.msk [tilespmem:v16+s3+$0x0], $0xffff;
	v21, _, _ =	vpop (xrf2);
	(xrf0) =	vmax.scan.msk.f32 $0xffff, v8  }
0x1c4: {  	v17 =	vnsel vm3, $0x0, v21;
	v18 =	vld [tilespmem:s26+$0xFFFFFFF0]  }
0x1c5: {  	v12 =	vld [tilespmem:s26+$0xFFFFFFEF];
	(xrf2) =	vadd.scan.msk.f32 $0xffff, v23  }
0x1c6: {  	v8 =	vld [tilespmem:s26+$0xFFFFFF9F]  }
.Ltmp22:
0x1c7: {  	v27 =	vld.idx.msk [tilespmem:v14+s3+$0x0], $0xffff;
	vm4 =	vne.s32 v20, v24;
	v24 =	vsub.s32 v20, v0;
	(xrf0) =	vmax.scan.msk.f32 $0xffff, v17;
	(pc) =	sbr.rel @p0 .LBB2_34-.Ltmp22, $4  }
0x1c8: {  	vm4 =	vmor vm4, vm0;
	v28 =	vld [tilespmem:s26+$0x0];
	(xrf2) =	vadd.scan.msk.f32 $0xffff, v9;
	v17, _, _ =	vpop (xrf2)  }
0x1c9: {  	v14 =	vnsel vm4, $0x0, v17;
	v9 =	vld [tilespmem:s26+$0xFFFFFFFF];
	v19, _, _ =	vpop (xrf0)  }
0x1ca: {  	v26 =	vld [tilespmem:s26+$0xFFFFFF90];
	v25 =	vperm.xlane v19, v3;
	vm5 =	vne.s32 v12, v18;
	v18 =	vsub.s32 v12, v0;
	(xrf0) =	vmax.scan.msk.f32 $0xffff, v14  }
0x1cb: {  	s29 =	sadd.s32 $0x100, s29;
	v23 =	vld [tilespmem:s26+$0xFFFFFF8F];
	vm7 =	vne.s32 v8, v29;
	vm5 =	vmor vm5, vm0;
	v22 =	vand.u32 $0xFFFFFF80, v18;
	v19, _, _ =	vpop (xrf2)  }
0x1cc: {  	(xrf2) =	vadd.scan.msk.f32 $0xffff, v16  }
0x1cd: {  	(xrf2) =	vadd.scan.msk.f32 $0xffff, v27;
	_ =	sdelay $0x2  }
0x1ce: {  	v14 =	vsub.s32 v8, v0;
	v34 =	vnsel vm5, $0x0, v19  }
0x1cf: {  	v10 =	vand.u32 $0x7F, v10;
	vm6 =	vmor vm6, vm0;
	v20 =	vand.u32 $0x7F, v20  }
0x1d0: {  	v24 =	vand.u32 $0xFFFFFF80, v24;
	vm7 =	vmor vm7, vm0;
	v25 =	vsel vm1, $0x0, v25;
	v18, _, _ =	vpop (xrf0)  }
0x1d1: {  	v12 =	vand.u32 $0x7F, v12;
	v6 =	vand.u32 $0x7F, v6;
	v51 =	vand.u32 $0x7F, v8;
	(xrf0) =	vmax.scan.msk.f32 $0xffff, v34;
	v35, _, _ =	vpop (xrf2)  }
0x1d2: {  	v14 =	vand.u32 $0xFFFFFF80, v14;
	v10 =	vor.u32 v10, v15;
	v36, _, _ =	vpop (xrf0);
	vm8 =	vne.s32 v23, v26  }
0x1d3: {  	vm9 =	vne.s32 v9, v28;
	v38 =	vnsel vm6, $0x0, v35;
	vm8 =	vmor vm8, vm0;
	v37, _, _ =	vpop (xrf2)  }
0x1d4: {  	v20 =	vor.u32 v20, v24;
	vm9 =	vmor vm9, vm0;
	(xrf0) =	vmax.scan.msk.f32 $0xffff, v38;
	v40 =	vnsel vm8, $0x0, v37;
	v39, _, _ =	vpop (xrf2)  }
0x1d5: {  	v11 =	vsub.f32 v11, v25;
	v12 =	vor.u32 v12, v22;
	(xrf0) =	vmax.scan.msk.f32 $0xffff, v40;
	v41 =	vnsel vm9, $0x0, v39;
	v42, _, _ =	vpop (xrf2)  }
0x1d6: {  	v6 =	vor.u32 v6, v7;
	v18 =	vperm.xlane v18, v3;
	(xrf0) =	vmax.scan.msk.f32 $0xffff, v41;
	v43 =	vnsel vm7, $0x0, v42  }
0x1d7: {  	v49 =	vsub.s32 v9, v0;
	v7 =	vor.u32 v51, v14;
	v59 =	vand.u32 $0x7F, v9;
	v44, _, _ =	vpop (xrf0);
	(xrf0) =	vmax.scan.msk.f32 $0xffff, v43  }
0x1d8: {  	v55 =	vand.u32 $0xFFFFFF80, v49;
	v18 =	vsel vm1, $0x0, v18;
	v45 =	vsub.s32 v23, v0  }
0x1d9: {  	v46 =	vand.u32 $0x7F, v23;
	v9 =	vor.u32 v59, v55;
	v15 =	vperm.xlane v36, v3  }
0x1da: {  	v18 =	vsub.f32 v21, v18;
	v24 =	vand.u32 $0xFFFFFF80, v45;
	v25 =	vperm.xlane v44, v3;
	v48, _, _ =	vpop (xrf0)  }
0x1db: {  	v47 =	vor.u32 v46, v24;
	v15 =	vsel vm1, $0x0, v15;
	v23 =	vperm.xlane v48, v3;
	v52, _, _ =	vpop (xrf0)  }
0x1dc: {  	[tilespmem:v10+s13+$0x0] =	vst.idx.add.f32.msk vm2, v11;
	v15 =	vsub.f32 v17, v15;
	v50 =	vsel vm1, $0x0, v25;
	v56 =	vperm.xlane v52, v3;
	v54, _, _ =	vpop (xrf0)  }
0x1dd: {  	[tilespmem:v13+s13+$0x0] =	vst.idx.add.f32.msk vm3, v18;
	v53 =	vsub.f32 v19, v50;
	v57 =	vsel vm1, $0x0, v23;
	v58, _, _ =	vpop (xrf0);
	v8 =	vperm.xlane v54, v3  }
0x1de: {  	[tilespmem:v20+s13+$0x0] =	vst.idx.add.f32.msk vm4, v15;
	v60 =	vsub.f32 v35, v57;
	v62 =	vsel vm1, $0x0, v56;
	v61 =	vperm.xlane v58, v3  }
.Ltmp23:
0x1df: {  	[tilespmem:v12+s13+$0x0] =	vst.idx.add.f32.msk vm5, v53;
	v63 =	vsub.f32 v37, v62;
	v8 =	vsel vm1, $0x0, v8;
	(pc) =	sbr.rel .LBB2_38-.Ltmp23, $4  }
0x1e0: {  	[tilespmem:v6+s13+$0x0] =	vst.idx.add.f32.msk vm6, v60;
	v11 =	vsel vm1, $0x0, v61;
	v8 =	vsub.f32 v39, v8  }
0x1e1: {  	[tilespmem:v47+s13+$0x0] =	vst.idx.add.f32.msk vm8, v63;
	v6 =	vsub.f32 v42, v11  }
0x1e2: {  	[tilespmem:v9+s13+$0x0] =	vst.idx.add.f32.msk vm9, v8  }
0x1e3: {  	[tilespmem:v7+s13+$0x0] =	vst.idx.add.f32.msk vm7, v6  }
.LBB2_36:
0x1e4: {  	p0 =	por $0x0, $0x0;
	s26 =	simm.s32 $0x0;
	s28 =	simm.s32 $0x20  }
0x1e5: {  	s29 =	simm.s32 $0x0;
	s30 =	simm.s32 $0x0;
	s31 =	simm.s32 $0x20  }
0x1e6: {  	p0 =	por @!p1 p0, p0;
	s26 =	simm.s32 @p1 $0x0;
	s28 =	simm.s32 @p1 $0x20  }
0x1e7: {  	s29 =	simm.s32 @p1 $0x0;
	s30 =	simm.s32 @p1 $0x0;
	s31 =	simm.s32 @p1 $0x20  }
.LBB2_37:
0x1e8: {  	s0 =	simm.s32 $0x1  }
0x1e9: {  	s0 =	simm.s32 @!p0 $0x0  }
0x1ea: {  	s0 =	sshll.u32 s0, $0x6  }
0x1eb: {  	s0 =	sadd.s32 s0, s30  }
0x1ec: {  	s0 =	sor.u32 $0x80, s0  }
0x1ed: {  	v6 =	vld [tilespmem:s0+$0x18700]  }
0x1ee: {  	v7 =	vld [tilespmem:s0+$0x1AF00];
	_ =	sdelay $0x2  }
0x1ef: {  	s0 =	sadd.s32 s31, s23  }
0x1f0: {  	s1 =	sadd.s32 $0x13E0, s0  }
0x1f1: {  	v8 =	vor.u32 s1, v2;
	v7 =	vsub.s32 v7, v0  }
0x1f2: {  	vm1 =	vge.s32 v8, v4;
	vm2 =	vlt.s32 v8, v5;
	vm3 =	vgt.s32 v7, $0x0  }
0x1f3: {  	vm1 =	vmand vm1, vm2;
	v7 =	vnsel vm3, $0x0, v7  }
0x1f4: {  	v6 =	vld.idx.msk [tilespmem:v6+s3+$0x0], $0xffff;
	v7 =	vmin.u32 v7, $0xC7F  }
0x1f5: {  	s2 =	sand.u32 $0x7, s29  }
0x1f6: {  	s1 =	sshll.u32 s2, $0x4  }
0x1f7: {  	s1 =	sadd.s32 s1, s30  }
0x1f8: {  	s2 =	sadd.s32 $0x10, s1  }
0x1f9: {  	s2 =	sor.u32 $0x80, s2;
	[tilespmem:v7+s13+$0x0] =	vst.idx.add.f32.msk vm1, v6  }
0x1fa: {  	v6 =	vld [tilespmem:s2+$0x18700]  }
0x1fb: {  	v7 =	vld [tilespmem:s2+$0x1AF00];
	_ =	sdelay $0x3  }
0x1fc: {  	s2 =	sadd.s32 $0x13F0, s0  }
0x1fd: {  	v61 =	vor.u32 s2, v2;
	v7 =	vsub.s32 v7, v0  }
0x1fe: {  	vm1 =	vge.s32 v61, v4;
	vm2 =	vlt.s32 v61, v5;
	vm3 =	vgt.s32 v7, $0x0  }
0x1ff: {  	vm1 =	vmand vm1, vm2;
	v7 =	vnsel vm3, $0x0, v7  }
0x200: {  	v6 =	vld.idx.msk [tilespmem:v6+s3+$0x0], $0xffff;
	v7 =	vmin.u32 v7, $0xC7F;
	_ =	sdelay $0x1  }
0x201: {  	s2 =	sand.u32 $0x3, s26  }
0x202: {  	s2 =	sshll.u32 s2, $0x5  }
0x203: {  	s2 =	sadd.s32 s2, s28  }
0x204: {  	s2 =	sor.u32 $0x80, s2;
	[tilespmem:v7+s13+$0x0] =	vst.idx.add.f32.msk vm1, v6  }
0x205: {  	v6 =	vld [tilespmem:s2+$0x18700]  }
0x206: {  	v7 =	vld [tilespmem:s2+$0x1AF00];
	_ =	sdelay $0x3  }
0x207: {  	s2 =	sadd.s32 $0x1400, s0  }
0x208: {  	v62 =	vor.u32 s2, v2;
	v7 =	vsub.s32 v7, v0  }
0x209: {  	vm1 =	vge.s32 v62, v4;
	vm2 =	vlt.s32 v62, v5;
	vm3 =	vgt.s32 v7, $0x0  }
0x20a: {  	vm1 =	vmand vm1, vm2;
	v7 =	vnsel vm3, $0x0, v7  }
0x20b: {  	v6 =	vld.idx.msk [tilespmem:v6+s3+$0x0], $0xffff;
	v7 =	vmin.u32 v7, $0xC7F;
	_ =	sdelay $0x3  }
0x20c: {  	s1 =	sadd.s32 $0x30, s1  }
0x20d: {  	s1 =	sor.u32 $0x80, s1;
	[tilespmem:v7+s13+$0x0] =	vst.idx.add.f32.msk vm1, v6  }
0x20e: {  	v6 =	vld [tilespmem:s1+$0x18700]  }
0x20f: {  	v7 =	vld [tilespmem:s1+$0x1AF00];
	_ =	sdelay $0x3  }
0x210: {  	s0 =	sadd.s32 $0x1410, s0  }
0x211: {  	v63 =	vor.u32 s0, v2;
	v7 =	vsub.s32 v7, v0  }
0x212: {  	vm2 =	vlt.s32 v63, v5;
	vm1 =	vge.s32 v63, v4;
	vm3 =	vgt.s32 v7, $0x0  }
0x213: {  	vm1 =	vmand vm1, vm2;
	v7 =	vnsel vm3, $0x0, v7  }
0x214: {  	p1 =	sne.s32 s31, $0x13E0;
	v6 =	vld.idx.msk [tilespmem:v6+s3+$0x0], $0xffff;
	v7 =	vmin.u32 v7, $0xC7F  }
.Ltmp24:
0x215: {  	_ = 	snop;
	(pc) =	sbr.rel @p1 .LBB2_37-.Ltmp24, $3  }
0x216: {  	_ =	sdelay $0x1  }
0x217: {  	s29 =	sadd.s32 $0x4, s29;
	p0 =	por !p0, !p0;
	s31 =	sadd.s32 $0x40, s31  }
0x218: {  	s30 =	sadd.s32 $0x80, s30;
	s26 =	sadd.s32 $0x2, s26;
	s28 =	sadd.s32 $0x80, s28;
	[tilespmem:v7+s13+$0x0] =	vst.idx.add.f32.msk vm1, v6  }
.LBB2_38:
0x219: {  	s0 =	sadd.s32 $0x3, s25  }
0x21a: {  	p0 =	sge.s32 s0, s20  }
.Ltmp25:
0x21b: {  	_ = 	snop;
	(pc) =	sbr.rel @p0 .LBB2_44-.Ltmp25, $1  }
0x21c: {  	_ =	sdelay $0x3  }
0x21d: {  	s0 =	smul.u32 $0x1400, s0;
	_ =	sdelay $0x1  }
0x21e: {  	s25 =	sshrl.u32 s0, $0x3  }
0x21f: {  	s28 =	simm.s32 $0x18780;
	s26 =	sadd.s32 s5, s25  }
0x220: {  	s1 =	simm.s32 $0x10;
	s0 =	simm.s32 $0x18880;
	s2 =	sadd.s32 $0x0, s26  }
.LBB2_40:
0x221: {  	[tilespmem:s28], [sflag:$0x2] =	stream.linear.gather [hbm4b:s2+s3], $0x80, $0x38;
	[tilespmem:$0x1E580] =	vst v63  }
0x222: {  	s2 =	smov.u32 s1;
	s28 =	smov.u32 s0;
	p0 =	sne.s32 s1, $0x270  }
.Ltmp26:
0x223: {  	s1 =	sadd.s32 $0x10, s1;
	(pc) =	sbr.rel @p0 .LBB2_40-.Ltmp26, $2  }
0x224: {  	_ =	sdelay $0x2  }
0x225: {  	s0 =	sadd.s32 $0x100, s0;
	s2 =	sadd.s32 s2, s26  }
0x226: {  	[tilespmem:s28], [sflag:$0x2] =	stream.linear.gather [hbm4b:s2+s3], $0x80, $0x38;
	[tilespmem:$0x1E580] =	vst v63  }
0x227: {  	s25 =	sadd.s32 s6, s25;
	s26 =	simm.s32 $0x1AF80  }
0x228: {  	s1 =	simm.s32 $0x10;
	s0 =	simm.s32 $0x1B080;
	s2 =	sadd.s32 $0x0, s25  }
.LBB2_42:
0x229: {  	[tilespmem:s26], [sflag:$0x2] =	stream.linear.gather [hbm4b:s2+s3], $0x80, $0x38;
	[tilespmem:$0x1E580] =	vst v63  }
0x22a: {  	s2 =	smov.u32 s1;
	s26 =	smov.u32 s0;
	p0 =	sne.s32 s1, $0x270  }
.Ltmp27:
0x22b: {  	s1 =	sadd.s32 $0x10, s1;
	(pc) =	sbr.rel @p0 .LBB2_42-.Ltmp27, $2  }
0x22c: {  	_ =	sdelay $0x2  }
0x22d: {  	s0 =	sadd.s32 $0x100, s0;
	s2 =	sadd.s32 s2, s25  }
.Ltmp28:
0x22e: {  	(pc) =	sbr.rel .LBB2_44-.Ltmp28, $2  }
0x22f: {  	_ =	sdelay $0x2  }
0x230: {  	[tilespmem:s26], [sflag:$0x2] =	stream.linear.gather [hbm4b:s2+s3], $0x80, $0x38;
	[tilespmem:$0x1E580] =	vst v63  }
.LBB2_46:
0x231: {  	_ =	sfence.sel $0x180000  }
0x232: {  	[bflag:$0x0] =	sbarrier.arrive $0xFFFF  }
0x233: {  	_ =	strace $0x90000047  }
0x234: {  	s0 =	stileid.u32;
	[bflag:$0x2] =	sbarrier.arrive $0xFFFF  }
0x235: {  	p0 =	sne.s32 s0, $0x0;
	s0 =	rddreg [dreg:$0x2]  }
0x236: {  	s0 =	sadd.s32 @!p0 $0x100000, s0  }
0x237: {  	[sflag:s0] =	ssyncadd.tile.s32 @!p0 $0x1;
	_ =	shalt  }
.Lfunc_end2:
_tile_overlayer_lowered:
.L_overlay_start_2:
0x238: {  	(tag) =	ssettag $0x2  }
0x239: {  	s0 =	rddreg [dreg:$0x0];
	s2 =	stileid.u32  }
0x23a: {  	s1 =	rddreg [dreg:$0x1];
	p0 =	sne.s32 s2, $0x0  }
0x23b: {  	s3 =	rddreg [dreg:$0x2];
	[bflag:$0x3] =	sbarrier.arrive $0xFFFF;
	s2 =	simm.s32 @!p0 $0x1C05  }
0x23c: {  	[timem:s3], [sflag:s2] =	dma.local @!p0 [hbm:s0], s1  }
0x23d: {  	s0 =	simm.s32 @!p0 $0x5  }
0x23e: {  	_ =	swait.ge @!p0 [sflag:s0], s1  }
0x23f: {  	s1 =	ssub.s32 @!p0 $0x0, s1;
	[sflag:s0] =	ssyncset.done @!p0 $0x0  }
0x240: {  	[sflag:s0] =	ssyncadd.s32 @!p0 s1  }
0x241: {  	[bflag:$0x3] =	sbarrier.arrive $0xFFFF  }
0x242: {  	_ =	shalt  }

</sc_bundles>
